<compile_context>
chip_gen: v7x
topology: tpu7x:2x2x1
jax: 0.10.2.dev20260603
libtpu: 0.0.44.dev20260713+nightly
codegen_flags: <defaults>
</compile_context>

<pallas_src>
import functools

import jax
import jax.numpy as jnp
from jax import lax
from jax.experimental import pallas as pl
from jax.experimental.pallas import tpu as pltpu
from jax.experimental.pallas import tpu_sc as plsc

N = 10000
E = 160000
D = 256
NCLS = 4
G = 64

HALF = 128
CHUNK = 128
NSUB = 16
NCORE = 2
NCHUNK = 1280
EPAD = NCHUNK * CHUNK - E
NPAD = 10240
ZPAD = NPAD // NSUB
ROWBLK = 1000

_mesh = plsc.VectorSubcoreMesh(core_axis_name="c", subcore_axis_name="s")



def _sc_degree(dst3, ones16, zeros16):

    @functools.partial(
        pl.kernel,
        out_type=jax.ShapeDtypeStruct((NCORE, NPAD, 16), jnp.float32),
        mesh=_mesh,
        scratch_types=[
            pltpu.VMEM((1, CHUNK), jnp.int32),
            pltpu.VMEM((CHUNK, 16), jnp.float32),
            pltpu.VMEM_SHARED((NPAD, 16), jnp.float32),
        ],
    )
    def deg_kernel(dst_hbm, ones_hbm, zeros_hbm, out_hbm, idx_v, ones_v, shared):
        c = lax.axis_index("c")
        s = lax.axis_index("s")
        pltpu.sync_copy(zeros_hbm, shared.at[pl.ds(s * ZPAD, ZPAD)])
        pltpu.sync_copy(ones_hbm, ones_v)
        plsc.subcore_barrier()
        base = c * (NCHUNK // 2) + s * (NCHUNK // 2 // NSUB)

        @pl.loop(0, NCHUNK // 2 // NSUB)
        def _(i):
            pltpu.sync_copy(dst_hbm.at[base + i], idx_v)
            pltpu.sync_copy(ones_v, shared.at[idx_v.at[0]], add=True)

        plsc.subcore_barrier()
        pltpu.sync_copy(shared.at[pl.ds(s * ZPAD, ZPAD)],
                        out_hbm.at[c, pl.ds(s * ZPAD, ZPAD)])

    return deg_kernel(dst3, ones16, zeros16)


def _sc_scatter(g_split, idx3, zeros128):

    NCH = NCHUNK // NSUB

    @functools.partial(
        pl.kernel,
        out_type=jax.ShapeDtypeStruct((NCORE, NPAD, HALF), jnp.float32),
        mesh=_mesh,
        scratch_types=[
            pltpu.VMEM((2, CHUNK), jnp.int32),
            pltpu.VMEM((2, CHUNK), jnp.int32),
            pltpu.VMEM((CHUNK, HALF), jnp.float32),
            pltpu.VMEM((CHUNK, HALF), jnp.float32),
            pltpu.VMEM_SHARED((NPAD, HALF), jnp.float32),
            pltpu.SemaphoreType.DMA,
            pltpu.SemaphoreType.DMA,
            pltpu.SemaphoreType.DMA,
        ],
    )
    def scat_kernel(g_hbm, idx_hbm, zeros_hbm, out_hbm,
                    idx_a, idx_b, rows_a, rows_b, shared,
                    sem_i, sem_g, sem_s):
        c = lax.axis_index("c")
        s = lax.axis_index("s")
        base = s * NCH
        pltpu.sync_copy(zeros_hbm, shared.at[pl.ds(s * ZPAD, ZPAD)])
        plsc.subcore_barrier()

        table = g_hbm.at[c]

        @pl.loop(0, NCH)
        def _(i):
            pltpu.sync_copy(idx_hbm.at[base + i], idx_a)
            pltpu.async_copy(table.at[idx_a.at[0]], rows_a, sem_g).wait()
            pltpu.sync_copy(rows_a, shared.at[idx_a.at[1]], add=True)

        plsc.subcore_barrier()
        pltpu.sync_copy(shared.at[pl.ds(s * ZPAD, ZPAD)],
                        out_hbm.at[c, pl.ds(s * ZPAD, ZPAD)])

    return scat_kernel(g_split, idx3, zeros128)



def _tc_fuse(Wm, Wm2, W2, W3, W4, bm8, bm28):

    def body(Wm_r, Wm2_r, W2_r, W3_r, W4_r, bm_r, bm2_r,
             M2_r, M3_r, M4_r, c2_r, c3_r, c4_r):
        f32 = jnp.float32
        Wm_ = Wm_r[...]
        M2_r[...] = jnp.dot(Wm_, W2_r[...], preferred_element_type=f32)
        T = jnp.dot(Wm_, Wm2_r[...], preferred_element_type=f32)
        M3_r[...] = jnp.dot(T, W3_r[...], preferred_element_type=f32)
        M4_r[...] = jnp.dot(Wm_, W4_r[...], preferred_element_type=f32)
        c2_r[...] = jnp.dot(bm_r[...], W2_r[...], preferred_element_type=f32)
        t2 = jnp.dot(bm_r[...], Wm2_r[...], preferred_element_type=f32) + bm2_r[...]
        c3_r[...] = jnp.dot(t2, W3_r[...], preferred_element_type=f32)
        c4_r[...] = jnp.dot(bm_r[...], W4_r[...], preferred_element_type=f32)

    shp = jax.ShapeDtypeStruct
    return pl.pallas_call(
        body,
        out_shape=[shp((D, D), jnp.float32)] * 3 + [shp((8, D), jnp.float32)] * 3,
    )(Wm, Wm2, W2, W3, W4, bm8, bm28)


def _tc_round1(x, W1, deg2):

    def body(x_r, W_r, deg_r, g_o, P_o, dis_o):
        deg = deg_r[0, :, 0:1] + deg_r[1, :, 0:1] + 1.0
        dis = lax.rsqrt(deg)
        P = jnp.dot(x_r[...], W_r[...], preferred_element_type=jnp.float32)
        g = P * dis
        g_o[0] = g[:, :HALF]
        g_o[1] = g[:, HALF:]
        P_o[...] = P
        dis_o[...] = dis

    shp = jax.ShapeDtypeStruct
    return pl.pallas_call(
        body,
        grid=(N // ROWBLK,),
        in_specs=[
            pl.BlockSpec((ROWBLK, D), lambda i: (i, 0)),
            pl.BlockSpec((D, D), lambda i: (0, 0)),
            pl.BlockSpec((2, ROWBLK, 16), lambda i: (0, i, 0)),
        ],
        out_specs=[
            pl.BlockSpec((2, ROWBLK, HALF), lambda i: (0, i, 0)),
            pl.BlockSpec((ROWBLK, D), lambda i: (i, 0)),
            pl.BlockSpec((ROWBLK, 1), lambda i: (i, 0)),
        ],
        out_shape=[
            shp((2, N, HALF), jnp.float32),
            shp((N, D), jnp.float32),
            shp((N, 1), jnp.float32),
        ],
    )(x, W1, deg2)


def _tc_round(S, P_prev, dis, b_prev, M, c8):

    def body(S_r, P_r, dis_r, b_r, M_r, c_r, g_o, P_o):
        dis = dis_r[...]
        Sfull = jnp.concatenate([S_r[0], S_r[1]], axis=1)
        h = jnp.maximum(dis * Sfull + (dis * dis) * P_r[...] + b_r[...], 0.0)
        P = jnp.dot(h, M_r[...], preferred_element_type=jnp.float32) + c_r[0:1, :]
        g = P * dis
        g_o[0] = g[:, :HALF]
        g_o[1] = g[:, HALF:]
        P_o[...] = P

    shp = jax.ShapeDtypeStruct
    return pl.pallas_call(
        body,
        grid=(N // ROWBLK,),
        in_specs=[
            pl.BlockSpec((2, ROWBLK, HALF), lambda i: (0, i, 0)),
            pl.BlockSpec((ROWBLK, D), lambda i: (i, 0)),
            pl.BlockSpec((ROWBLK, 1), lambda i: (i, 0)),
            pl.BlockSpec((1, D), lambda i: (0, 0)),
            pl.BlockSpec((D, D), lambda i: (0, 0)),
            pl.BlockSpec((8, D), lambda i: (0, 0)),
        ],
        out_specs=[
            pl.BlockSpec((2, ROWBLK, HALF), lambda i: (0, i, 0)),
            pl.BlockSpec((ROWBLK, D), lambda i: (i, 0)),
        ],
        out_shape=[
            shp((2, N, HALF), jnp.float32),
            shp((N, D), jnp.float32),
        ],
    )(S, P_prev, dis, b_prev, M, c8)


def _tc_tail(S, P_prev, dis, b_prev, Wm2, bm2, batch2, Wl, bl):
    grid = N // ROWBLK

    def body(S_r, P_r, dis_r, b_r, Wm2_r, bm2_r, bat_r, Wl_r, bl_r,
             out_r, sums, counts):
        i = pl.program_id(0)
        dis = dis_r[...]
        Sfull = jnp.concatenate([S_r[0], S_r[1]], axis=1)
        h5 = dis * Sfull + (dis * dis) * P_r[...] + b_r[...]
        h6 = jnp.maximum(
            jnp.dot(h5, Wm2_r[...], preferred_element_type=jnp.float32) + bm2_r[...],
            0.0)
        seg = bat_r[...]
        mask = (seg == lax.broadcasted_iota(jnp.int32, (ROWBLK, G), 1))
        mask = mask.astype(jnp.float32)
        psums = lax.dot_general(mask, h6, (((0,), (0,)), ((), ())),
                                preferred_element_type=jnp.float32)
        pcnt = lax.dot_general(mask, jnp.ones((ROWBLK, 1), jnp.float32),
                               (((0,), (0,)), ((), ())),
                               preferred_element_type=jnp.float32)

        @pl.when(i == 0)
        def _():
            sums[...] = psums
            counts[...] = pcnt

        @pl.when(i > 0)
        def _():
            sums[...] += psums
            counts[...] += pcnt

        pooled = sums[...] / jnp.maximum(counts[...], 1.0)
        out_r[...] = jnp.dot(pooled, Wl_r[...],
                             preferred_element_type=jnp.float32) + bl_r[...]

    return pl.pallas_call(
        body,
        grid=(grid,),
        in_specs=[
            pl.BlockSpec((2, ROWBLK, HALF), lambda i: (0, i, 0)),
            pl.BlockSpec((ROWBLK, D), lambda i: (i, 0)),
            pl.BlockSpec((ROWBLK, 1), lambda i: (i, 0)),
            pl.BlockSpec((1, D), lambda i: (0, 0)),
            pl.BlockSpec((D, D), lambda i: (0, 0)),
            pl.BlockSpec((1, D), lambda i: (0, 0)),
            pl.BlockSpec((ROWBLK, 1), lambda i: (i, 0)),
            pl.BlockSpec((D, NCLS), lambda i: (0, 0)),
            pl.BlockSpec((1, NCLS), lambda i: (0, 0)),
        ],
        out_specs=pl.BlockSpec((G, NCLS), lambda i: (0, 0)),
        out_shape=jax.ShapeDtypeStruct((G, NCLS), jnp.float32),
        scratch_shapes=[
            pltpu.VMEM((G, D), jnp.float32),
            pltpu.VMEM((G, 1), jnp.float32),
        ],
    )(S, P_prev, dis, b_prev, Wm2, bm2, batch2, Wl, bl)



def kernel(x, edge_index, batch, W1, b1, W2, b2, W3, b3, W4, b4,
           Wm, bm, Wm2, bm2, Wl, bl):
    f32 = jnp.float32
    src = edge_index[0].astype(jnp.int32)
    dst = edge_index[1].astype(jnp.int32)
    pad_dst = (N + (jnp.arange(EPAD, dtype=jnp.int32) % (NPAD - N)))
    src_p = jnp.concatenate([src, jnp.zeros((EPAD,), jnp.int32)])
    dst_p = jnp.concatenate([dst, pad_dst])
    dst3 = dst_p.reshape(NCHUNK, 1, CHUNK)
    idx3 = jnp.stack([src_p.reshape(NCHUNK, CHUNK),
                      dst_p.reshape(NCHUNK, CHUNK)], axis=1)

    ones16 = jnp.ones((CHUNK, 16), f32)
    zeros16 = jnp.zeros((ZPAD, 16), f32)
    zeros128 = jnp.zeros((ZPAD, HALF), f32)
    bm8 = jnp.broadcast_to(bm.reshape(1, D), (8, D))
    bm28 = jnp.broadcast_to(bm2.reshape(1, D), (8, D))

    M2, M3, M4, c2, c3, c4 = _tc_fuse(Wm, Wm2, W2, W3, W4, bm8, bm28)

    deg2 = _sc_degree(dst3, ones16, zeros16)
    g, P, dis = _tc_round1(x, W1, deg2)
    S = _sc_scatter(g, idx3, zeros128)
    g, P = _tc_round(S, P, dis, b1.reshape(1, D), M2, c2)
    S = _sc_scatter(g, idx3, zeros128)
    g, P = _tc_round(S, P, dis, b2.reshape(1, D), M3, c3)
    S = _sc_scatter(g, idx3, zeros128)
    g, P = _tc_round(S, P, dis, b3.reshape(1, D), M4, c4)
    S = _sc_scatter(g, idx3, zeros128)
    g, P = _tc_round(S, P, dis, b4.reshape(1, D), M4, c4)
    S = _sc_scatter(g, idx3, zeros128)

    out = _tc_tail(S, P, dis, b4.reshape(1, D), Wm2, bm2.reshape(1, D),
                   batch.reshape(N, 1).astype(jnp.int32), Wl,
                   bl.reshape(1, NCLS))
    return out

# --- scband reference (transcript-rebuilt; emitter-appended) ---
"""Pipeline reference for scband-gcn-22514218566418 (READ-ONLY COPY).

The authoritative reference and input builder live on the scoring server;
editing this copy changes nothing except your own understanding.
"""

import jax, jax.numpy as jnp
import numpy as np

N_NODES = 10000
N_EDGES = 160000
D_FEAT = 256
HIDDEN = 256
N_CLASSES = 4
N_GRAPHS = 64


def _w(key, fan_in, fan_out):
    return jax.random.normal(key, (fan_in, fan_out), jnp.float32) * (1.0 / np.sqrt(fan_in))


def setup_inputs(seed: int = 0) -> dict:
    key = jax.random.key(seed)
    ks = jax.random.split(key, 20)
    x = jax.random.normal(ks[0], (N_NODES, D_FEAT), jnp.float32)
    edge_index = jax.random.randint(ks[1], (2, N_EDGES), 0, N_NODES)
    batch = jnp.sort(jax.random.randint(ks[2], (N_NODES,), 0, N_GRAPHS))
    inp = {
        "x": x,
        "edge_index": edge_index,
        "batch": batch,
        "W1": _w(ks[3], D_FEAT, HIDDEN), "b1": jnp.zeros((HIDDEN,), jnp.float32),
        "W2": _w(ks[4], HIDDEN, HIDDEN), "b2": jnp.zeros((HIDDEN,), jnp.float32),
        "W3": _w(ks[5], HIDDEN, HIDDEN), "b3": jnp.zeros((HIDDEN,), jnp.float32),
        "W4": _w(ks[6], HIDDEN, HIDDEN), "b4": jnp.zeros((HIDDEN,), jnp.float32),
        "Wm": _w(ks[7], HIDDEN, HIDDEN), "bm": jnp.zeros((HIDDEN,), jnp.float32),
        "Wm2": _w(ks[8], HIDDEN, HIDDEN), "bm2": jnp.zeros((HIDDEN,), jnp.float32),
        "Wl": _w(ks[9], HIDDEN, N_CLASSES), "bl": jnp.zeros((N_CLASSES,), jnp.float32),
    }
    return inp


def gcn_conv(x, edge_index, W, b):
    # PyG GCNConv: add self-loops, symmetric deg^{-1/2} normalization, scatter-add to dst
    n = x.shape[0]
    src = edge_index[0]
    dst = edge_index[1]
    loop = jnp.arange(n, dtype=src.dtype)
    src2 = jnp.concatenate([src, loop])
    dst2 = jnp.concatenate([dst, loop])
    deg = jnp.zeros((n,), x.dtype).at[dst2].add(1.0)
    dis = jnp.where(deg > 0, jax.lax.rsqrt(jnp.maximum(deg, 1e-12)), 0.0)
    norm = dis[src2] * dis[dst2]
    h = x @ W
    msg = h[src2] * norm[:, None]
    out = jnp.zeros_like(h).at[dst2].add(msg)
    return out + b


def reference(x, edge_index, batch, W1, b1, W2, b2, W3, b3, W4, b4, Wm, bm, Wm2, bm2, Wl, bl):
    h = jax.nn.relu(gcn_conv(x, edge_index, W1, b1))
    h = h @ Wm + bm
    h = jax.nn.relu(gcn_conv(h, edge_index, W2, b2))
    h = h @ Wm + bm
    h = h @ Wm2 + bm2
    h = jax.nn.relu(gcn_conv(h, edge_index, W3, b3))
    h = h @ Wm + bm
    h = jax.nn.relu(gcn_conv(h, edge_index, W4, b4))
    h = h @ Wm + bm
    h = gcn_conv(h, edge_index, W4, b4)  # conv4 applied twice (shared weights)
    h = jax.nn.relu(h @ Wm2 + bm2)
    sums = jax.ops.segment_sum(h, batch, num_segments=N_GRAPHS)
    counts = jax.ops.segment_sum(jnp.ones((h.shape[0], 1), h.dtype), batch, num_segments=N_GRAPHS)
    pooled = sums / jnp.maximum(counts, 1.0)
    # dropout p=0.5 is identity in eval mode
    out = pooled @ Wl + bl
    return out

if __name__ == "__main__":
    import jax
    _d = setup_inputs()
    print(jax.jit(kernel)(*tuple(_d.values())))

</pallas_src>

<mosaic_0001>
#map = affine_map<(d0, d1) -> (0, 0, 0)>
#map1 = affine_map<(d0, d1) -> (0, 0)>
module attributes {stable_mosaic.version = 14 : i64} {
  func.func @scat_kernel(%arg0: i32, %arg1: i32, %arg2: memref<2x10000x128xf32, #tpu.memory_space<hbm>>, %arg3: memref<1280x2x128xi32, #tpu.memory_space<hbm>>, %arg4: memref<640x128xf32, #tpu.memory_space<hbm>>, %arg5: memref<2x10240x128xf32, #tpu.memory_space<hbm>>, %arg6: memref<2x128xi32, #tpu.memory_space<vmem>>, %arg7: memref<2x128xi32, #tpu.memory_space<vmem>>, %arg8: memref<128x128xf32, #tpu.memory_space<vmem>>, %arg9: memref<128x128xf32, #tpu.memory_space<vmem>>, %arg10: memref<10240x128xf32, #tpu.memory_space<vmem_shared>>, %arg11: memref<!tpu.dma_semaphore, #tpu.memory_space<semaphore_mem>>, %arg12: memref<!tpu.dma_semaphore, #tpu.memory_space<semaphore_mem>>, %arg13: memref<!tpu.dma_semaphore, #tpu.memory_space<semaphore_mem>>) attributes {dimension_semantics = [#tpu.dimension_semantics<core_parallel>, #tpu.dimension_semantics<subcore_parallel>], iteration_bounds = array<i64: 2, 16>, scalar_prefetch = 0 : i64, scratch_operands = 8 : i64, tpu.core_type = #tpu.core_type<sc_vector_subcore>, window_params = [{transform_indices = #map}, {transform_indices = #map}, {transform_indices = #map1}, {transform_indices = #map}]} {
    %mul3A = arith.constant 80 : i32
    %mul3A_0 = arith.muli %arg1, %mul3A : i32
    %mul3A_1 = arith.constant 640 : i32
    %mul3A_2 = arith.muli %arg1, %mul3A_1 : i32
    "tpu.region"() ({
      %run_scoped3A = tpu.sem_alloc : memref<!tpu.dma_semaphore, #tpu.memory_space<semaphore_mem>>
      %dma_start3A = arith.constant 0 : i32
      %dma_start3A_12 = tpu.memref_slice %arg10[%mul3A_2, %dma_start3A] : memref<10240x128xf32, #tpu.memory_space<vmem_shared>> -> memref<640x128xf32, #tpu.memory_space<vmem_shared>>
      tpu.enqueue_dma source(%arg4 : memref<640x128xf32, #tpu.memory_space<hbm>>) target(%dma_start3A_12 : memref<640x128xf32, #tpu.memory_space<vmem_shared>>) target_semaphore(%run_scoped3A : memref<!tpu.dma_semaphore, #tpu.memory_space<semaphore_mem>>)
      %dma_wait3A = arith.constant 0 : i32
      %dma_wait3A_13 = tpu.memref_slice %arg10[%mul3A_2, %dma_wait3A] : memref<10240x128xf32, #tpu.memory_space<vmem_shared>> -> memref<640x128xf32, #tpu.memory_space<vmem_shared>>
      tpu.wait_dma2 semaphore(%run_scoped3A : memref<!tpu.dma_semaphore, #tpu.memory_space<semaphore_mem>>) src(%arg4 : memref<640x128xf32, #tpu.memory_space<hbm>>) dst(%dma_wait3A_13 : memref<640x128xf32, #tpu.memory_space<vmem_shared>>)
      tpu.yield
    }) : () -> ()
    %barrier3A = arith.constant 0 : index
    tpu.barrier barrier_id(%barrier3A)
    %scan3A = arith.constant 0 : i32
    %scan3A_3 = arith.constant 80 : i32
    %scan3A_4 = arith.addi %scan3A, %scan3A_3 : i32
    %scan3A_5 = arith.constant 1 : i32
    scf.for %scan3A_12 = %scan3A to %scan3A_4 step %scan3A_5  : i32 {
      %mul3A_13 = arith.constant 1 : i32
      %mul3A_14 = arith.muli %scan3A_12, %mul3A_13 : i32
      %add3A = arith.constant 0 : i32
      %add3A_15 = arith.addi %add3A, %mul3A_14 : i32
      %add3A_16 = arith.addi %mul3A_0, %add3A_15 : i32
      "tpu.region"() ({
        %run_scoped3A_37 = tpu.sem_alloc : memref<!tpu.dma_semaphore, #tpu.memory_space<semaphore_mem>>
        %dma_start3A_38 = arith.constant 0 : i32
        %dma_start3A_39 = arith.constant 0 : i32
        %dma_start3A_40 = tpu.memref_slice %arg3[%add3A_16, %dma_start3A_38, %dma_start3A_39] : memref<1280x2x128xi32, #tpu.memory_space<hbm>> -> memref<1x2x128xi32, #tpu.memory_space<hbm>>
        %dma_start3A_41 = tpu.memref_squeeze %dma_start3A_40 : memref<1x2x128xi32, #tpu.memory_space<hbm>> -> memref<2x128xi32, #tpu.memory_space<hbm>>
        %dma_start3A_42 = arith.constant 0 : i32
        %dma_start3A_43 = arith.constant 0 : i32
        %dma_start3A_44 = tpu.memref_slice %arg3[%add3A_16, %dma_start3A_42, %dma_start3A_43] : memref<1280x2x128xi32, #tpu.memory_space<hbm>> -> memref<1x2x128xi32, #tpu.memory_space<hbm>>
        %dma_start3A_45 = tpu.memref_squeeze %dma_start3A_44 : memref<1x2x128xi32, #tpu.memory_space<hbm>> -> memref<2x128xi32, #tpu.memory_space<hbm>>
        tpu.enqueue_dma source(%dma_start3A_45 : memref<2x128xi32, #tpu.memory_space<hbm>>) target(%arg6 : memref<2x128xi32, #tpu.memory_space<vmem>>) target_semaphore(%run_scoped3A_37 : memref<!tpu.dma_semaphore, #tpu.memory_space<semaphore_mem>>)
        %dma_wait3A_46 = arith.constant 0 : i32
        %dma_wait3A_47 = arith.constant 0 : i32
        %dma_wait3A_48 = tpu.memref_slice %arg3[%add3A_16, %dma_wait3A_46, %dma_wait3A_47] : memref<1280x2x128xi32, #tpu.memory_space<hbm>> -> memref<1x2x128xi32, #tpu.memory_space<hbm>>
        %dma_wait3A_49 = tpu.memref_squeeze %dma_wait3A_48 : memref<1x2x128xi32, #tpu.memory_space<hbm>> -> memref<2x128xi32, #tpu.memory_space<hbm>>
        %dma_wait3A_50 = arith.constant 0 : i32
        %dma_wait3A_51 = arith.constant 0 : i32
        %dma_wait3A_52 = tpu.memref_slice %arg3[%add3A_16, %dma_wait3A_50, %dma_wait3A_51] : memref<1280x2x128xi32, #tpu.memory_space<hbm>> -> memref<1x2x128xi32, #tpu.memory_space<hbm>>
        %dma_wait3A_53 = tpu.memref_squeeze %dma_wait3A_52 : memref<1x2x128xi32, #tpu.memory_space<hbm>> -> memref<2x128xi32, #tpu.memory_space<hbm>>
        tpu.wait_dma2 semaphore(%run_scoped3A_37 : memref<!tpu.dma_semaphore, #tpu.memory_space<semaphore_mem>>) src(%dma_wait3A_53 : memref<2x128xi32, #tpu.memory_space<hbm>>) dst(%arg6 : memref<2x128xi32, #tpu.memory_space<vmem>>)
        tpu.yield
      }) : () -> ()
      %dma_start3A = arith.constant 0 : i32
      %dma_start3A_17 = arith.constant 0 : i32
      %dma_start3A_18 = tpu.memref_slice %arg6[%dma_start3A, %dma_start3A_17] : memref<2x128xi32, #tpu.memory_space<vmem>> -> memref<1x128xi32, #tpu.memory_space<vmem>>
      %dma_start3A_19 = tpu.memref_squeeze %dma_start3A_18 : memref<1x128xi32, #tpu.memory_space<vmem>> -> memref<128xi32, #tpu.memory_space<vmem>>
      %dma_start3A_20 = arith.constant 0 : i32
      %dma_start3A_21 = arith.constant 0 : i32
      %dma_start3A_22 = tpu.memref_slice %arg2[%arg0, %dma_start3A_20, %dma_start3A_21] : memref<2x10000x128xf32, #tpu.memory_space<hbm>> -> memref<1x10000x128xf32, #tpu.memory_space<hbm>>
      %dma_start3A_23 = tpu.memref_squeeze %dma_start3A_22 : memref<1x10000x128xf32, #tpu.memory_space<hbm>> -> memref<10000x128xf32, #tpu.memory_space<hbm>>
      %dma_start3A_24 = arith.constant 0 : i32
      %dma_start3A_25 = arith.constant 0 : i32
      %dma_start3A_26 = tpu.memref_slice %dma_start3A_23[%dma_start3A_24, %dma_start3A_25] : memref<10000x128xf32, #tpu.memory_space<hbm>> -> memref<10000x128xf32, #tpu.memory_space<hbm>>
      tpu.enqueue_indirect_dma source(%dma_start3A_26 : memref<10000x128xf32, #tpu.memory_space<hbm>>) target(%arg8 : memref<128x128xf32, #tpu.memory_space<vmem>>) offsets(%dma_start3A_19 : memref<128xi32, #tpu.memory_space<vmem>>) semaphore(%arg12 : memref<!tpu.dma_semaphore, #tpu.memory_space<semaphore_mem>>)
      %dma_wait3A = arith.constant 0 : i32
      %dma_wait3A_27 = arith.constant 0 : i32
      %dma_wait3A_28 = tpu.memref_slice %arg6[%dma_wait3A, %dma_wait3A_27] : memref<2x128xi32, #tpu.memory_space<vmem>> -> memref<1x128xi32, #tpu.memory_space<vmem>>
      %dma_wait3A_29 = tpu.memref_squeeze %dma_wait3A_28 : memref<1x128xi32, #tpu.memory_space<vmem>> -> memref<128xi32, #tpu.memory_space<vmem>>
      %dma_wait3A_30 = arith.constant 0 : i32
      %dma_wait3A_31 = arith.constant 0 : i32
      %dma_wait3A_32 = tpu.memref_slice %arg2[%arg0, %dma_wait3A_30, %dma_wait3A_31] : memref<2x10000x128xf32, #tpu.memory_space<hbm>> -> memref<1x10000x128xf32, #tpu.memory_space<hbm>>
      %dma_wait3A_33 = tpu.memref_squeeze %dma_wait3A_32 : memref<1x10000x128xf32, #tpu.memory_space<hbm>> -> memref<10000x128xf32, #tpu.memory_space<hbm>>
      %dma_wait3A_34 = arith.constant 0 : i32
      %dma_wait3A_35 = arith.constant 0 : i32
      %dma_wait3A_36 = tpu.memref_slice %dma_wait3A_33[%dma_wait3A_34, %dma_wait3A_35] : memref<10000x128xf32, #tpu.memory_space<hbm>> -> memref<10000x128xf32, #tpu.memory_space<hbm>>
      tpu.wait_indirect_dma semaphore(%arg12 : memref<!tpu.dma_semaphore, #tpu.memory_space<semaphore_mem>>) src(%dma_wait3A_36 : memref<10000x128xf32, #tpu.memory_space<hbm>>) dst(%arg8 : memref<128x128xf32, #tpu.memory_space<vmem>>)
      %run_scoped3A = arith.constant 1 : i32
      "tpu.region"() ({
        %run_scoped3A_37 = tpu.sem_alloc : memref<!tpu.dma_semaphore, #tpu.memory_space<semaphore_mem>>
        %dma_start3A_38 = arith.constant 0 : i32
        %dma_start3A_39 = tpu.memref_slice %arg6[%run_scoped3A, %dma_start3A_38] : memref<2x128xi32, #tpu.memory_space<vmem>> -> memref<1x128xi32, #tpu.memory_space<vmem>>
        %dma_start3A_40 = tpu.memref_squeeze %dma_start3A_39 : memref<1x128xi32, #tpu.memory_space<vmem>> -> memref<128xi32, #tpu.memory_space<vmem>>
        %dma_start3A_41 = arith.constant 0 : i32
        %dma_start3A_42 = arith.constant 0 : i32
        %dma_start3A_43 = tpu.memref_slice %arg10[%dma_start3A_41, %dma_start3A_42] : memref<10240x128xf32, #tpu.memory_space<vmem_shared>> -> memref<10240x128xf32, #tpu.memory_space<vmem_shared>>
        tpu.enqueue_indirect_dma source(%arg8 : memref<128x128xf32, #tpu.memory_space<vmem>>) target(%dma_start3A_43 : memref<10240x128xf32, #tpu.memory_space<vmem_shared>>) offsets(%dma_start3A_40 : memref<128xi32, #tpu.memory_space<vmem>>) semaphore(%run_scoped3A_37 : memref<!tpu.dma_semaphore, #tpu.memory_space<semaphore_mem>>) {add = true}
        %dma_wait3A_44 = arith.constant 0 : i32
        %dma_wait3A_45 = tpu.memref_slice %arg6[%run_scoped3A, %dma_wait3A_44] : memref<2x128xi32, #tpu.memory_space<vmem>> -> memref<1x128xi32, #tpu.memory_space<vmem>>
        %dma_wait3A_46 = tpu.memref_squeeze %dma_wait3A_45 : memref<1x128xi32, #tpu.memory_space<vmem>> -> memref<128xi32, #tpu.memory_space<vmem>>
        %dma_wait3A_47 = arith.constant 0 : i32
        %dma_wait3A_48 = arith.constant 0 : i32
        %dma_wait3A_49 = tpu.memref_slice %arg10[%dma_wait3A_47, %dma_wait3A_48] : memref<10240x128xf32, #tpu.memory_space<vmem_shared>> -> memref<10240x128xf32, #tpu.memory_space<vmem_shared>>
        tpu.wait_indirect_dma semaphore(%run_scoped3A_37 : memref<!tpu.dma_semaphore, #tpu.memory_space<semaphore_mem>>) src(%arg8 : memref<128x128xf32, #tpu.memory_space<vmem>>) dst(%dma_wait3A_49 : memref<10240x128xf32, #tpu.memory_space<vmem_shared>>)
        tpu.yield
      }) : () -> ()
    }
    %scan3A_6 = arith.constant 80 : i32
    %barrier3A_7 = arith.constant 0 : index
    tpu.barrier barrier_id(%barrier3A_7)
    %mul3A_8 = arith.constant 640 : i32
    %mul3A_9 = arith.muli %arg1, %mul3A_8 : i32
    %mul3A_10 = arith.constant 640 : i32
    %mul3A_11 = arith.muli %arg1, %mul3A_10 : i32
    "tpu.region"() ({
      %run_scoped3A = tpu.sem_alloc : memref<!tpu.dma_semaphore, #tpu.memory_space<semaphore_mem>>
      %dma_start3A = arith.constant 0 : i32
      %dma_start3A_12 = tpu.memref_slice %arg5[%arg0, %mul3A_11, %dma_start3A] : memref<2x10240x128xf32, #tpu.memory_space<hbm>> -> memref<1x640x128xf32, #tpu.memory_space<hbm>>
      %dma_start3A_13 = tpu.memref_squeeze %dma_start3A_12 : memref<1x640x128xf32, #tpu.memory_space<hbm>> -> memref<640x128xf32, #tpu.memory_space<hbm>>
      %dma_start3A_14 = arith.constant 0 : i32
      %dma_start3A_15 = tpu.memref_slice %arg10[%mul3A_9, %dma_start3A_14] : memref<10240x128xf32, #tpu.memory_space<vmem_shared>> -> memref<640x128xf32, #tpu.memory_space<vmem_shared>>
      tpu.enqueue_dma source(%dma_start3A_15 : memref<640x128xf32, #tpu.memory_space<vmem_shared>>) target(%dma_start3A_13 : memref<640x128xf32, #tpu.memory_space<hbm>>) target_semaphore(%run_scoped3A : memref<!tpu.dma_semaphore, #tpu.memory_space<semaphore_mem>>)
      %dma_wait3A = arith.constant 0 : i32
      %dma_wait3A_16 = tpu.memref_slice %arg5[%arg0, %mul3A_11, %dma_wait3A] : memref<2x10240x128xf32, #tpu.memory_space<hbm>> -> memref<1x640x128xf32, #tpu.memory_space<hbm>>
      %dma_wait3A_17 = tpu.memref_squeeze %dma_wait3A_16 : memref<1x640x128xf32, #tpu.memory_space<hbm>> -> memref<640x128xf32, #tpu.memory_space<hbm>>
      %dma_wait3A_18 = arith.constant 0 : i32
      %dma_wait3A_19 = tpu.memref_slice %arg10[%mul3A_9, %dma_wait3A_18] : memref<10240x128xf32, #tpu.memory_space<vmem_shared>> -> memref<640x128xf32, #tpu.memory_space<vmem_shared>>
      tpu.wait_dma2 semaphore(%run_scoped3A : memref<!tpu.dma_semaphore, #tpu.memory_space<semaphore_mem>>) src(%dma_wait3A_19 : memref<640x128xf32, #tpu.memory_space<vmem_shared>>) dst(%dma_wait3A_17 : memref<640x128xf32, #tpu.memory_space<hbm>>)
      tpu.yield
    }) : () -> ()
    return
  }
}

#map = affine_map<(d0, d1) -> (0, 0, 0)>
#map1 = affine_map<(d0, d1) -> (0, 0)>
module attributes {stable_mosaic.version = 14 : i64} {
  func.func @deg_kernel(%arg0: i32, %arg1: i32, %arg2: memref<1280x1x128xi32, #tpu.memory_space<hbm>>, %arg3: memref<128x16xf32, #tpu.memory_space<hbm>>, %arg4: memref<640x16xf32, #tpu.memory_space<hbm>>, %arg5: memref<2x10240x16xf32, #tpu.memory_space<hbm>>, %arg6: memref<1x128xi32, #tpu.memory_space<vmem>>, %arg7: memref<128x16xf32, #tpu.memory_space<vmem>>, %arg8: memref<10240x16xf32, #tpu.memory_space<vmem_shared>>) attributes {dimension_semantics = [#tpu.dimension_semantics<core_parallel>, #tpu.dimension_semantics<subcore_parallel>], iteration_bounds = array<i64: 2, 16>, scalar_prefetch = 0 : i64, scratch_operands = 3 : i64, tpu.core_type = #tpu.core_type<sc_vector_subcore>, window_params = [{transform_indices = #map}, {transform_indices = #map1}, {transform_indices = #map1}, {transform_indices = #map}]} {
    %mul3A = arith.constant 640 : i32
    %mul3A_0 = arith.muli %arg1, %mul3A : i32
    "tpu.region"() ({
      %run_scoped3A = tpu.sem_alloc : memref<!tpu.dma_semaphore, #tpu.memory_space<semaphore_mem>>
      %dma_start3A = arith.constant 0 : i32
      %dma_start3A_14 = tpu.memref_slice %arg8[%mul3A_0, %dma_start3A] : memref<10240x16xf32, #tpu.memory_space<vmem_shared>> -> memref<640x16xf32, #tpu.memory_space<vmem_shared>>
      tpu.enqueue_dma source(%arg4 : memref<640x16xf32, #tpu.memory_space<hbm>>) target(%dma_start3A_14 : memref<640x16xf32, #tpu.memory_space<vmem_shared>>) target_semaphore(%run_scoped3A : memref<!tpu.dma_semaphore, #tpu.memory_space<semaphore_mem>>)
      %dma_wait3A = arith.constant 0 : i32
      %dma_wait3A_15 = tpu.memref_slice %arg8[%mul3A_0, %dma_wait3A] : memref<10240x16xf32, #tpu.memory_space<vmem_shared>> -> memref<640x16xf32, #tpu.memory_space<vmem_shared>>
      tpu.wait_dma2 semaphore(%run_scoped3A : memref<!tpu.dma_semaphore, #tpu.memory_space<semaphore_mem>>) src(%arg4 : memref<640x16xf32, #tpu.memory_space<hbm>>) dst(%dma_wait3A_15 : memref<640x16xf32, #tpu.memory_space<vmem_shared>>)
      tpu.yield
    }) : () -> ()
    "tpu.region"() ({
      %run_scoped3A = tpu.sem_alloc : memref<!tpu.dma_semaphore, #tpu.memory_space<semaphore_mem>>
      tpu.enqueue_dma source(%arg3 : memref<128x16xf32, #tpu.memory_space<hbm>>) target(%arg7 : memref<128x16xf32, #tpu.memory_space<vmem>>) target_semaphore(%run_scoped3A : memref<!tpu.dma_semaphore, #tpu.memory_space<semaphore_mem>>)
      tpu.wait_dma2 semaphore(%run_scoped3A : memref<!tpu.dma_semaphore, #tpu.memory_space<semaphore_mem>>) src(%arg3 : memref<128x16xf32, #tpu.memory_space<hbm>>) dst(%arg7 : memref<128x16xf32, #tpu.memory_space<vmem>>)
      tpu.yield
    }) : () -> ()
    %barrier3A = arith.constant 0 : index
    tpu.barrier barrier_id(%barrier3A)
    %mul3A_1 = arith.constant 640 : i32
    %mul3A_2 = arith.muli %arg0, %mul3A_1 : i32
    %mul3A_3 = arith.constant 40 : i32
    %mul3A_4 = arith.muli %arg1, %mul3A_3 : i32
    %add3A = arith.addi %mul3A_2, %mul3A_4 : i32
    %scan3A = arith.constant 0 : i32
    %scan3A_5 = arith.constant 40 : i32
    %scan3A_6 = arith.addi %scan3A, %scan3A_5 : i32
    %scan3A_7 = arith.constant 1 : i32
    scf.for %scan3A_14 = %scan3A to %scan3A_6 step %scan3A_7  : i32 {
      %mul3A_15 = arith.constant 1 : i32
      %mul3A_16 = arith.muli %scan3A_14, %mul3A_15 : i32
      %add3A_17 = arith.constant 0 : i32
      %add3A_18 = arith.addi %add3A_17, %mul3A_16 : i32
      %add3A_19 = arith.addi %add3A, %add3A_18 : i32
      "tpu.region"() ({
        %run_scoped3A_20 = tpu.sem_alloc : memref<!tpu.dma_semaphore, #tpu.memory_space<semaphore_mem>>
        %dma_start3A = arith.constant 0 : i32
        %dma_start3A_21 = arith.constant 0 : i32
        %dma_start3A_22 = tpu.memref_slice %arg2[%add3A_19, %dma_start3A, %dma_start3A_21] : memref<1280x1x128xi32, #tpu.memory_space<hbm>> -> memref<1x1x128xi32, #tpu.memory_space<hbm>>
        %dma_start3A_23 = tpu.memref_squeeze %dma_start3A_22 : memref<1x1x128xi32, #tpu.memory_space<hbm>> -> memref<1x128xi32, #tpu.memory_space<hbm>>
        %dma_start3A_24 = arith.constant 0 : i32
        %dma_start3A_25 = arith.constant 0 : i32
        %dma_start3A_26 = tpu.memref_slice %arg2[%add3A_19, %dma_start3A_24, %dma_start3A_25] : memref<1280x1x128xi32, #tpu.memory_space<hbm>> -> memref<1x1x128xi32, #tpu.memory_space<hbm>>
        %dma_start3A_27 = tpu.memref_squeeze %dma_start3A_26 : memref<1x1x128xi32, #tpu.memory_space<hbm>> -> memref<1x128xi32, #tpu.memory_space<hbm>>
        tpu.enqueue_dma source(%dma_start3A_27 : memref<1x128xi32, #tpu.memory_space<hbm>>) target(%arg6 : memref<1x128xi32, #tpu.memory_space<vmem>>) target_semaphore(%run_scoped3A_20 : memref<!tpu.dma_semaphore, #tpu.memory_space<semaphore_mem>>)
        %dma_wait3A = arith.constant 0 : i32
        %dma_wait3A_28 = arith.constant 0 : i32
        %dma_wait3A_29 = tpu.memref_slice %arg2[%add3A_19, %dma_wait3A, %dma_wait3A_28] : memref<1280x1x128xi32, #tpu.memory_space<hbm>> -> memref<1x1x128xi32, #tpu.memory_space<hbm>>
        %dma_wait3A_30 = tpu.memref_squeeze %dma_wait3A_29 : memref<1x1x128xi32, #tpu.memory_space<hbm>> -> memref<1x128xi32, #tpu.memory_space<hbm>>
        %dma_wait3A_31 = arith.constant 0 : i32
        %dma_wait3A_32 = arith.constant 0 : i32
        %dma_wait3A_33 = tpu.memref_slice %arg2[%add3A_19, %dma_wait3A_31, %dma_wait3A_32] : memref<1280x1x128xi32, #tpu.memory_space<hbm>> -> memref<1x1x128xi32, #tpu.memory_space<hbm>>
        %dma_wait3A_34 = tpu.memref_squeeze %dma_wait3A_33 : memref<1x1x128xi32, #tpu.memory_space<hbm>> -> memref<1x128xi32, #tpu.memory_space<hbm>>
        tpu.wait_dma2 semaphore(%run_scoped3A_20 : memref<!tpu.dma_semaphore, #tpu.memory_space<semaphore_mem>>) src(%dma_wait3A_34 : memref<1x128xi32, #tpu.memory_space<hbm>>) dst(%arg6 : memref<1x128xi32, #tpu.memory_space<vmem>>)
        tpu.yield
      }) : () -> ()
      %run_scoped3A = arith.constant 0 : i32
      "tpu.region"() ({
        %run_scoped3A_20 = tpu.sem_alloc : memref<!tpu.dma_semaphore, #tpu.memory_space<semaphore_mem>>
        %dma_start3A = arith.constant 0 : i32
        %dma_start3A_21 = tpu.memref_slice %arg6[%run_scoped3A, %dma_start3A] : memref<1x128xi32, #tpu.memory_space<vmem>> -> memref<1x128xi32, #tpu.memory_space<vmem>>
        %dma_start3A_22 = tpu.memref_squeeze %dma_start3A_21 : memref<1x128xi32, #tpu.memory_space<vmem>> -> memref<128xi32, #tpu.memory_space<vmem>>
        %dma_start3A_23 = arith.constant 0 : i32
        %dma_start3A_24 = arith.constant 0 : i32
        %dma_start3A_25 = tpu.memref_slice %arg8[%dma_start3A_23, %dma_start3A_24] : memref<10240x16xf32, #tpu.memory_space<vmem_shared>> -> memref<10240x16xf32, #tpu.memory_space<vmem_shared>>
        tpu.enqueue_indirect_dma source(%arg7 : memref<128x16xf32, #tpu.memory_space<vmem>>) target(%dma_start3A_25 : memref<10240x16xf32, #tpu.memory_space<vmem_shared>>) offsets(%dma_start3A_22 : memref<128xi32, #tpu.memory_space<vmem>>) semaphore(%run_scoped3A_20 : memref<!tpu.dma_semaphore, #tpu.memory_space<semaphore_mem>>) {add = true}
        %dma_wait3A = arith.constant 0 : i32
        %dma_wait3A_26 = tpu.memref_slice %arg6[%run_scoped3A, %dma_wait3A] : memref<1x128xi32, #tpu.memory_space<vmem>> -> memref<1x128xi32, #tpu.memory_space<vmem>>
        %dma_wait3A_27 = tpu.memref_squeeze %dma_wait3A_26 : memref<1x128xi32, #tpu.memory_space<vmem>> -> memref<128xi32, #tpu.memory_space<vmem>>
        %dma_wait3A_28 = arith.constant 0 : i32
        %dma_wait3A_29 = arith.constant 0 : i32
        %dma_wait3A_30 = tpu.memref_slice %arg8[%dma_wait3A_28, %dma_wait3A_29] : memref<10240x16xf32, #tpu.memory_space<vmem_shared>> -> memref<10240x16xf32, #tpu.memory_space<vmem_shared>>
        tpu.wait_indirect_dma semaphore(%run_scoped3A_20 : memref<!tpu.dma_semaphore, #tpu.memory_space<semaphore_mem>>) src(%arg7 : memref<128x16xf32, #tpu.memory_space<vmem>>) dst(%dma_wait3A_30 : memref<10240x16xf32, #tpu.memory_space<vmem_shared>>)
        tpu.yield
      }) : () -> ()
    }
    %scan3A_8 = arith.constant 40 : i32
    %barrier3A_9 = arith.constant 0 : index
    tpu.barrier barrier_id(%barrier3A_9)
    %mul3A_10 = arith.constant 640 : i32
    %mul3A_11 = arith.muli %arg1, %mul3A_10 : i32
    %mul3A_12 = arith.constant 640 : i32
    %mul3A_13 = arith.muli %arg1, %mul3A_12 : i32
    "tpu.region"() ({
      %run_scoped3A = tpu.sem_alloc : memref<!tpu.dma_semaphore, #tpu.memory_space<semaphore_mem>>
      %dma_start3A = arith.constant 0 : i32
      %dma_start3A_14 = tpu.memref_slice %arg5[%arg0, %mul3A_13, %dma_start3A] : memref<2x10240x16xf32, #tpu.memory_space<hbm>> -> memref<1x640x16xf32, #tpu.memory_space<hbm>>
      %dma_start3A_15 = tpu.memref_squeeze %dma_start3A_14 : memref<1x640x16xf32, #tpu.memory_space<hbm>> -> memref<640x16xf32, #tpu.memory_space<hbm>>
      %dma_start3A_16 = arith.constant 0 : i32
      %dma_start3A_17 = tpu.memref_slice %arg8[%mul3A_11, %dma_start3A_16] : memref<10240x16xf32, #tpu.memory_space<vmem_shared>> -> memref<640x16xf32, #tpu.memory_space<vmem_shared>>
      tpu.enqueue_dma source(%dma_start3A_17 : memref<640x16xf32, #tpu.memory_space<vmem_shared>>) target(%dma_start3A_15 : memref<640x16xf32, #tpu.memory_space<hbm>>) target_semaphore(%run_scoped3A : memref<!tpu.dma_semaphore, #tpu.memory_space<semaphore_mem>>)
      %dma_wait3A = arith.constant 0 : i32
      %dma_wait3A_18 = tpu.memref_slice %arg5[%arg0, %mul3A_13, %dma_wait3A] : memref<2x10240x16xf32, #tpu.memory_space<hbm>> -> memref<1x640x16xf32, #tpu.memory_space<hbm>>
      %dma_wait3A_19 = tpu.memref_squeeze %dma_wait3A_18 : memref<1x640x16xf32, #tpu.memory_space<hbm>> -> memref<640x16xf32, #tpu.memory_space<hbm>>
      %dma_wait3A_20 = arith.constant 0 : i32
      %dma_wait3A_21 = tpu.memref_slice %arg8[%mul3A_11, %dma_wait3A_20] : memref<10240x16xf32, #tpu.memory_space<vmem_shared>> -> memref<640x16xf32, #tpu.memory_space<vmem_shared>>
      tpu.wait_dma2 semaphore(%run_scoped3A : memref<!tpu.dma_semaphore, #tpu.memory_space<semaphore_mem>>) src(%dma_wait3A_21 : memref<640x16xf32, #tpu.memory_space<vmem_shared>>) dst(%dma_wait3A_19 : memref<640x16xf32, #tpu.memory_space<hbm>>)
      tpu.yield
    }) : () -> ()
    return
  }
}

#map = affine_map<(d0, d1) -> (0, 0, 0)>
#map1 = affine_map<(d0, d1) -> (0, 0)>
module attributes {stable_mosaic.version = 14 : i64} {
  func.func @scat_kernel(%arg0: i32, %arg1: i32, %arg2: memref<2x10000x128xf32, #tpu.memory_space<hbm>>, %arg3: memref<1280x2x128xi32, #tpu.memory_space<hbm>>, %arg4: memref<640x128xf32, #tpu.memory_space<hbm>>, %arg5: memref<2x10240x128xf32, #tpu.memory_space<hbm>>, %arg6: memref<2x128xi32, #tpu.memory_space<vmem>>, %arg7: memref<2x128xi32, #tpu.memory_space<vmem>>, %arg8: memref<128x128xf32, #tpu.memory_space<vmem>>, %arg9: memref<128x128xf32, #tpu.memory_space<vmem>>, %arg10: memref<10240x128xf32, #tpu.memory_space<vmem_shared>>, %arg11: memref<!tpu.dma_semaphore, #tpu.memory_space<semaphore_mem>>, %arg12: memref<!tpu.dma_semaphore, #tpu.memory_space<semaphore_mem>>, %arg13: memref<!tpu.dma_semaphore, #tpu.memory_space<semaphore_mem>>) attributes {dimension_semantics = [#tpu.dimension_semantics<core_parallel>, #tpu.dimension_semantics<subcore_parallel>], iteration_bounds = array<i64: 2, 16>, scalar_prefetch = 0 : i64, scratch_operands = 8 : i64, tpu.core_type = #tpu.core_type<sc_vector_subcore>, window_params = [{transform_indices = #map}, {transform_indices = #map}, {transform_indices = #map1}, {transform_indices = #map}]} {
    %mul3A = arith.constant 80 : i32
    %mul3A_0 = arith.muli %arg1, %mul3A : i32
    %mul3A_1 = arith.constant 640 : i32
    %mul3A_2 = arith.muli %arg1, %mul3A_1 : i32
    "tpu.region"() ({
      %run_scoped3A = tpu.sem_alloc : memref<!tpu.dma_semaphore, #tpu.memory_space<semaphore_mem>>
      %dma_start3A = arith.constant 0 : i32
      %dma_start3A_12 = tpu.memref_slice %arg10[%mul3A_2, %dma_start3A] : memref<10240x128xf32, #tpu.memory_space<vmem_shared>> -> memref<640x128xf32, #tpu.memory_space<vmem_shared>>
      tpu.enqueue_dma source(%arg4 : memref<640x128xf32, #tpu.memory_space<hbm>>) target(%dma_start3A_12 : memref<640x128xf32, #tpu.memory_space<vmem_shared>>) target_semaphore(%run_scoped3A : memref<!tpu.dma_semaphore, #tpu.memory_space<semaphore_mem>>)
      %dma_wait3A = arith.constant 0 : i32
      %dma_wait3A_13 = tpu.memref_slice %arg10[%mul3A_2, %dma_wait3A] : memref<10240x128xf32, #tpu.memory_space<vmem_shared>> -> memref<640x128xf32, #tpu.memory_space<vmem_shared>>
      tpu.wait_dma2 semaphore(%run_scoped3A : memref<!tpu.dma_semaphore, #tpu.memory_space<semaphore_mem>>) src(%arg4 : memref<640x128xf32, #tpu.memory_space<hbm>>) dst(%dma_wait3A_13 : memref<640x128xf32, #tpu.memory_space<vmem_shared>>)
      tpu.yield
    }) : () -> ()
    %barrier3A = arith.constant 0 : index
    tpu.barrier barrier_id(%barrier3A)
    %scan3A = arith.constant 0 : i32
    %scan3A_3 = arith.constant 80 : i32
    %scan3A_4 = arith.addi %scan3A, %scan3A_3 : i32
    %scan3A_5 = arith.constant 1 : i32
    scf.for %scan3A_12 = %scan3A to %scan3A_4 step %scan3A_5  : i32 {
      %mul3A_13 = arith.constant 1 : i32
      %mul3A_14 = arith.muli %scan3A_12, %mul3A_13 : i32
      %add3A = arith.constant 0 : i32
      %add3A_15 = arith.addi %add3A, %mul3A_14 : i32
      %add3A_16 = arith.addi %mul3A_0, %add3A_15 : i32
      "tpu.region"() ({
        %run_scoped3A_37 = tpu.sem_alloc : memref<!tpu.dma_semaphore, #tpu.memory_space<semaphore_mem>>
        %dma_start3A_38 = arith.constant 0 : i32
        %dma_start3A_39 = arith.constant 0 : i32
        %dma_start3A_40 = tpu.memref_slice %arg3[%add3A_16, %dma_start3A_38, %dma_start3A_39] : memref<1280x2x128xi32, #tpu.memory_space<hbm>> -> memref<1x2x128xi32, #tpu.memory_space<hbm>>
        %dma_start3A_41 = tpu.memref_squeeze %dma_start3A_40 : memref<1x2x128xi32, #tpu.memory_space<hbm>> -> memref<2x128xi32, #tpu.memory_space<hbm>>
        %dma_start3A_42 = arith.constant 0 : i32
        %dma_start3A_43 = arith.constant 0 : i32
        %dma_start3A_44 = tpu.memref_slice %arg3[%add3A_16, %dma_start3A_42, %dma_start3A_43] : memref<1280x2x128xi32, #tpu.memory_space<hbm>> -> memref<1x2x128xi32, #tpu.memory_space<hbm>>
        %dma_start3A_45 = tpu.memref_squeeze %dma_start3A_44 : memref<1x2x128xi32, #tpu.memory_space<hbm>> -> memref<2x128xi32, #tpu.memory_space<hbm>>
        tpu.enqueue_dma source(%dma_start3A_45 : memref<2x128xi32, #tpu.memory_space<hbm>>) target(%arg6 : memref<2x128xi32, #tpu.memory_space<vmem>>) target_semaphore(%run_scoped3A_37 : memref<!tpu.dma_semaphore, #tpu.memory_space<semaphore_mem>>)
        %dma_wait3A_46 = arith.constant 0 : i32
        %dma_wait3A_47 = arith.constant 0 : i32
        %dma_wait3A_48 = tpu.memref_slice %arg3[%add3A_16, %dma_wait3A_46, %dma_wait3A_47] : memref<1280x2x128xi32, #tpu.memory_space<hbm>> -> memref<1x2x128xi32, #tpu.memory_space<hbm>>
        %dma_wait3A_49 = tpu.memref_squeeze %dma_wait3A_48 : memref<1x2x128xi32, #tpu.memory_space<hbm>> -> memref<2x128xi32, #tpu.memory_space<hbm>>
        %dma_wait3A_50 = arith.constant 0 : i32
        %dma_wait3A_51 = arith.constant 0 : i32
        %dma_wait3A_52 = tpu.memref_slice %arg3[%add3A_16, %dma_wait3A_50, %dma_wait3A_51] : memref<1280x2x128xi32, #tpu.memory_space<hbm>> -> memref<1x2x128xi32, #tpu.memory_space<hbm>>
        %dma_wait3A_53 = tpu.memref_squeeze %dma_wait3A_52 : memref<1x2x128xi32, #tpu.memory_space<hbm>> -> memref<2x128xi32, #tpu.memory_space<hbm>>
        tpu.wait_dma2 semaphore(%run_scoped3A_37 : memref<!tpu.dma_semaphore, #tpu.memory_space<semaphore_mem>>) src(%dma_wait3A_53 : memref<2x128xi32, #tpu.memory_space<hbm>>) dst(%arg6 : memref<2x128xi32, #tpu.memory_space<vmem>>)
        tpu.yield
      }) : () -> ()
      %dma_start3A = arith.constant 0 : i32
      %dma_start3A_17 = arith.constant 0 : i32
      %dma_start3A_18 = tpu.memref_slice %arg6[%dma_start3A, %dma_start3A_17] : memref<2x128xi32, #tpu.memory_space<vmem>> -> memref<1x128xi32, #tpu.memory_space<vmem>>
      %dma_start3A_19 = tpu.memref_squeeze %dma_start3A_18 : memref<1x128xi32, #tpu.memory_space<vmem>> -> memref<128xi32, #tpu.memory_space<vmem>>
      %dma_start3A_20 = arith.constant 0 : i32
      %dma_start3A_21 = arith.constant 0 : i32
      %dma_start3A_22 = tpu.memref_slice %arg2[%arg0, %dma_start3A_20, %dma_start3A_21] : memref<2x10000x128xf32, #tpu.memory_space<hbm>> -> memref<1x10000x128xf32, #tpu.memory_space<hbm>>
      %dma_start3A_23 = tpu.memref_squeeze %dma_start3A_22 : memref<1x10000x128xf32, #tpu.memory_space<hbm>> -> memref<10000x128xf32, #tpu.memory_space<hbm>>
      %dma_start3A_24 = arith.constant 0 : i32
      %dma_start3A_25 = arith.constant 0 : i32
      %dma_start3A_26 = tpu.memref_slice %dma_start3A_23[%dma_start3A_24, %dma_start3A_25] : memref<10000x128xf32, #tpu.memory_space<hbm>> -> memref<10000x128xf32, #tpu.memory_space<hbm>>
      tpu.enqueue_indirect_dma source(%dma_start3A_26 : memref<10000x128xf32, #tpu.memory_space<hbm>>) target(%arg8 : memref<128x128xf32, #tpu.memory_space<vmem>>) offsets(%dma_start3A_19 : memref<128xi32, #tpu.memory_space<vmem>>) semaphore(%arg12 : memref<!tpu.dma_semaphore, #tpu.memory_space<semaphore_mem>>)
      %dma_wait3A = arith.constant 0 : i32
      %dma_wait3A_27 = arith.constant 0 : i32
      %dma_wait3A_28 = tpu.memref_slice %arg6[%dma_wait3A, %dma_wait3A_27] : memref<2x128xi32, #tpu.memory_space<vmem>> -> memref<1x128xi32, #tpu.memory_space<vmem>>
      %dma_wait3A_29 = tpu.memref_squeeze %dma_wait3A_28 : memref<1x128xi32, #tpu.memory_space<vmem>> -> memref<128xi32, #tpu.memory_space<vmem>>
      %dma_wait3A_30 = arith.constant 0 : i32
      %dma_wait3A_31 = arith.constant 0 : i32
      %dma_wait3A_32 = tpu.memref_slice %arg2[%arg0, %dma_wait3A_30, %dma_wait3A_31] : memref<2x10000x128xf32, #tpu.memory_space<hbm>> -> memref<1x10000x128xf32, #tpu.memory_space<hbm>>
      %dma_wait3A_33 = tpu.memref_squeeze %dma_wait3A_32 : memref<1x10000x128xf32, #tpu.memory_space<hbm>> -> memref<10000x128xf32, #tpu.memory_space<hbm>>
      %dma_wait3A_34 = arith.constant 0 : i32
      %dma_wait3A_35 = arith.constant 0 : i32
      %dma_wait3A_36 = tpu.memref_slice %dma_wait3A_33[%dma_wait3A_34, %dma_wait3A_35] : memref<10000x128xf32, #tpu.memory_space<hbm>> -> memref<10000x128xf32, #tpu.memory_space<hbm>>
      tpu.wait_indirect_dma semaphore(%arg12 : memref<!tpu.dma_semaphore, #tpu.memory_space<semaphore_mem>>) src(%dma_wait3A_36 : memref<10000x128xf32, #tpu.memory_space<hbm>>) dst(%arg8 : memref<128x128xf32, #tpu.memory_space<vmem>>)
      %run_scoped3A = arith.constant 1 : i32
      "tpu.region"() ({
        %run_scoped3A_37 = tpu.sem_alloc : memref<!tpu.dma_semaphore, #tpu.memory_space<semaphore_mem>>
        %dma_start3A_38 = arith.constant 0 : i32
        %dma_start3A_39 = tpu.memref_slice %arg6[%run_scoped3A, %dma_start3A_38] : memref<2x128xi32, #tpu.memory_space<vmem>> -> memref<1x128xi32, #tpu.memory_space<vmem>>
        %dma_start3A_40 = tpu.memref_squeeze %dma_start3A_39 : memref<1x128xi32, #tpu.memory_space<vmem>> -> memref<128xi32, #tpu.memory_space<vmem>>
        %dma_start3A_41 = arith.constant 0 : i32
        %dma_start3A_42 = arith.constant 0 : i32
        %dma_start3A_43 = tpu.memref_slice %arg10[%dma_start3A_41, %dma_start3A_42] : memref<10240x128xf32, #tpu.memory_space<vmem_shared>> -> memref<10240x128xf32, #tpu.memory_space<vmem_shared>>
        tpu.enqueue_indirect_dma source(%arg8 : memref<128x128xf32, #tpu.memory_space<vmem>>) target(%dma_start3A_43 : memref<10240x128xf32, #tpu.memory_space<vmem_shared>>) offsets(%dma_start3A_40 : memref<128xi32, #tpu.memory_space<vmem>>) semaphore(%run_scoped3A_37 : memref<!tpu.dma_semaphore, #tpu.memory_space<semaphore_mem>>) {add = true}
        %dma_wait3A_44 = arith.constant 0 : i32
        %dma_wait3A_45 = tpu.memref_slice %arg6[%run_scoped3A, %dma_wait3A_44] : memref<2x128xi32, #tpu.memory_space<vmem>> -> memref<1x128xi32, #tpu.memory_space<vmem>>
        %dma_wait3A_46 = tpu.memref_squeeze %dma_wait3A_45 : memref<1x128xi32, #tpu.memory_space<vmem>> -> memref<128xi32, #tpu.memory_space<vmem>>
        %dma_wait3A_47 = arith.constant 0 : i32
        %dma_wait3A_48 = arith.constant 0 : i32
        %dma_wait3A_49 = tpu.memref_slice %arg10[%dma_wait3A_47, %dma_wait3A_48] : memref<10240x128xf32, #tpu.memory_space<vmem_shared>> -> memref<10240x128xf32, #tpu.memory_space<vmem_shared>>
        tpu.wait_indirect_dma semaphore(%run_scoped3A_37 : memref<!tpu.dma_semaphore, #tpu.memory_space<semaphore_mem>>) src(%arg8 : memref<128x128xf32, #tpu.memory_space<vmem>>) dst(%dma_wait3A_49 : memref<10240x128xf32, #tpu.memory_space<vmem_shared>>)
        tpu.yield
      }) : () -> ()
    }
    %scan3A_6 = arith.constant 80 : i32
    %barrier3A_7 = arith.constant 0 : index
    tpu.barrier barrier_id(%barrier3A_7)
    %mul3A_8 = arith.constant 640 : i32
    %mul3A_9 = arith.muli %arg1, %mul3A_8 : i32
    %mul3A_10 = arith.constant 640 : i32
    %mul3A_11 = arith.muli %arg1, %mul3A_10 : i32
    "tpu.region"() ({
      %run_scoped3A = tpu.sem_alloc : memref<!tpu.dma_semaphore, #tpu.memory_space<semaphore_mem>>
      %dma_start3A = arith.constant 0 : i32
      %dma_start3A_12 = tpu.memref_slice %arg5[%arg0, %mul3A_11, %dma_start3A] : memref<2x10240x128xf32, #tpu.memory_space<hbm>> -> memref<1x640x128xf32, #tpu.memory_space<hbm>>
      %dma_start3A_13 = tpu.memref_squeeze %dma_start3A_12 : memref<1x640x128xf32, #tpu.memory_space<hbm>> -> memref<640x128xf32, #tpu.memory_space<hbm>>
      %dma_start3A_14 = arith.constant 0 : i32
      %dma_start3A_15 = tpu.memref_slice %arg10[%mul3A_9, %dma_start3A_14] : memref<10240x128xf32, #tpu.memory_space<vmem_shared>> -> memref<640x128xf32, #tpu.memory_space<vmem_shared>>
      tpu.enqueue_dma source(%dma_start3A_15 : memref<640x128xf32, #tpu.memory_space<vmem_shared>>) target(%dma_start3A_13 : memref<640x128xf32, #tpu.memory_space<hbm>>) target_semaphore(%run_scoped3A : memref<!tpu.dma_semaphore, #tpu.memory_space<semaphore_mem>>)
      %dma_wait3A = arith.constant 0 : i32
      %dma_wait3A_16 = tpu.memref_slice %arg5[%arg0, %mul3A_11, %dma_wait3A] : memref<2x10240x128xf32, #tpu.memory_space<hbm>> -> memref<1x640x128xf32, #tpu.memory_space<hbm>>
      %dma_wait3A_17 = tpu.memref_squeeze %dma_wait3A_16 : memref<1x640x128xf32, #tpu.memory_space<hbm>> -> memref<640x128xf32, #tpu.memory_space<hbm>>
      %dma_wait3A_18 = arith.constant 0 : i32
      %dma_wait3A_19 = tpu.memref_slice %arg10[%mul3A_9, %dma_wait3A_18] : memref<10240x128xf32, #tpu.memory_space<vmem_shared>> -> memref<640x128xf32, #tpu.memory_space<vmem_shared>>
      tpu.wait_dma2 semaphore(%run_scoped3A : memref<!tpu.dma_semaphore, #tpu.memory_space<semaphore_mem>>) src(%dma_wait3A_19 : memref<640x128xf32, #tpu.memory_space<vmem_shared>>) dst(%dma_wait3A_17 : memref<640x128xf32, #tpu.memory_space<hbm>>)
      tpu.yield
    }) : () -> ()
    return
  }
}

#map = affine_map<(d0, d1) -> (0, 0, 0)>
#map1 = affine_map<(d0, d1) -> (0, 0)>
module attributes {stable_mosaic.version = 14 : i64} {
  func.func @scat_kernel(%arg0: i32, %arg1: i32, %arg2: memref<2x10000x128xf32, #tpu.memory_space<hbm>>, %arg3: memref<1280x2x128xi32, #tpu.memory_space<hbm>>, %arg4: memref<640x128xf32, #tpu.memory_space<hbm>>, %arg5: memref<2x10240x128xf32, #tpu.memory_space<hbm>>, %arg6: memref<2x128xi32, #tpu.memory_space<vmem>>, %arg7: memref<2x128xi32, #tpu.memory_space<vmem>>, %arg8: memref<128x128xf32, #tpu.memory_space<vmem>>, %arg9: memref<128x128xf32, #tpu.memory_space<vmem>>, %arg10: memref<10240x128xf32, #tpu.memory_space<vmem_shared>>, %arg11: memref<!tpu.dma_semaphore, #tpu.memory_space<semaphore_mem>>, %arg12: memref<!tpu.dma_semaphore, #tpu.memory_space<semaphore_mem>>, %arg13: memref<!tpu.dma_semaphore, #tpu.memory_space<semaphore_mem>>) attributes {dimension_semantics = [#tpu.dimension_semantics<core_parallel>, #tpu.dimension_semantics<subcore_parallel>], iteration_bounds = array<i64: 2, 16>, scalar_prefetch = 0 : i64, scratch_operands = 8 : i64, tpu.core_type = #tpu.core_type<sc_vector_subcore>, window_params = [{transform_indices = #map}, {transform_indices = #map}, {transform_indices = #map1}, {transform_indices = #map}]} {
    %mul3A = arith.constant 80 : i32
    %mul3A_0 = arith.muli %arg1, %mul3A : i32
    %mul3A_1 = arith.constant 640 : i32
    %mul3A_2 = arith.muli %arg1, %mul3A_1 : i32
    "tpu.region"() ({
      %run_scoped3A = tpu.sem_alloc : memref<!tpu.dma_semaphore, #tpu.memory_space<semaphore_mem>>
      %dma_start3A = arith.constant 0 : i32
      %dma_start3A_12 = tpu.memref_slice %arg10[%mul3A_2, %dma_start3A] : memref<10240x128xf32, #tpu.memory_space<vmem_shared>> -> memref<640x128xf32, #tpu.memory_space<vmem_shared>>
      tpu.enqueue_dma source(%arg4 : memref<640x128xf32, #tpu.memory_space<hbm>>) target(%dma_start3A_12 : memref<640x128xf32, #tpu.memory_space<vmem_shared>>) target_semaphore(%run_scoped3A : memref<!tpu.dma_semaphore, #tpu.memory_space<semaphore_mem>>)
      %dma_wait3A = arith.constant 0 : i32
      %dma_wait3A_13 = tpu.memref_slice %arg10[%mul3A_2, %dma_wait3A] : memref<10240x128xf32, #tpu.memory_space<vmem_shared>> -> memref<640x128xf32, #tpu.memory_space<vmem_shared>>
      tpu.wait_dma2 semaphore(%run_scoped3A : memref<!tpu.dma_semaphore, #tpu.memory_space<semaphore_mem>>) src(%arg4 : memref<640x128xf32, #tpu.memory_space<hbm>>) dst(%dma_wait3A_13 : memref<640x128xf32, #tpu.memory_space<vmem_shared>>)
      tpu.yield
    }) : () -> ()
    %barrier3A = arith.constant 0 : index
    tpu.barrier barrier_id(%barrier3A)
    %scan3A = arith.constant 0 : i32
    %scan3A_3 = arith.constant 80 : i32
    %scan3A_4 = arith.addi %scan3A, %scan3A_3 : i32
    %scan3A_5 = arith.constant 1 : i32
    scf.for %scan3A_12 = %scan3A to %scan3A_4 step %scan3A_5  : i32 {
      %mul3A_13 = arith.constant 1 : i32
      %mul3A_14 = arith.muli %scan3A_12, %mul3A_13 : i32
      %add3A = arith.constant 0 : i32
      %add3A_15 = arith.addi %add3A, %mul3A_14 : i32
      %add3A_16 = arith.addi %mul3A_0, %add3A_15 : i32
      "tpu.region"() ({
        %run_scoped3A_37 = tpu.sem_alloc : memref<!tpu.dma_semaphore, #tpu.memory_space<semaphore_mem>>
        %dma_start3A_38 = arith.constant 0 : i32
        %dma_start3A_39 = arith.constant 0 : i32
        %dma_start3A_40 = tpu.memref_slice %arg3[%add3A_16, %dma_start3A_38, %dma_start3A_39] : memref<1280x2x128xi32, #tpu.memory_space<hbm>> -> memref<1x2x128xi32, #tpu.memory_space<hbm>>
        %dma_start3A_41 = tpu.memref_squeeze %dma_start3A_40 : memref<1x2x128xi32, #tpu.memory_space<hbm>> -> memref<2x128xi32, #tpu.memory_space<hbm>>
        %dma_start3A_42 = arith.constant 0 : i32
        %dma_start3A_43 = arith.constant 0 : i32
        %dma_start3A_44 = tpu.memref_slice %arg3[%add3A_16, %dma_start3A_42, %dma_start3A_43] : memref<1280x2x128xi32, #tpu.memory_space<hbm>> -> memref<1x2x128xi32, #tpu.memory_space<hbm>>
        %dma_start3A_45 = tpu.memref_squeeze %dma_start3A_44 : memref<1x2x128xi32, #tpu.memory_space<hbm>> -> memref<2x128xi32, #tpu.memory_space<hbm>>
        tpu.enqueue_dma source(%dma_start3A_45 : memref<2x128xi32, #tpu.memory_space<hbm>>) target(%arg6 : memref<2x128xi32, #tpu.memory_space<vmem>>) target_semaphore(%run_scoped3A_37 : memref<!tpu.dma_semaphore, #tpu.memory_space<semaphore_mem>>)
        %dma_wait3A_46 = arith.constant 0 : i32
        %dma_wait3A_47 = arith.constant 0 : i32
        %dma_wait3A_48 = tpu.memref_slice %arg3[%add3A_16, %dma_wait3A_46, %dma_wait3A_47] : memref<1280x2x128xi32, #tpu.memory_space<hbm>> -> memref<1x2x128xi32, #tpu.memory_space<hbm>>
        %dma_wait3A_49 = tpu.memref_squeeze %dma_wait3A_48 : memref<1x2x128xi32, #tpu.memory_space<hbm>> -> memref<2x128xi32, #tpu.memory_space<hbm>>
        %dma_wait3A_50 = arith.constant 0 : i32
        %dma_wait3A_51 = arith.constant 0 : i32
        %dma_wait3A_52 = tpu.memref_slice %arg3[%add3A_16, %dma_wait3A_50, %dma_wait3A_51] : memref<1280x2x128xi32, #tpu.memory_space<hbm>> -> memref<1x2x128xi32, #tpu.memory_space<hbm>>
        %dma_wait3A_53 = tpu.memref_squeeze %dma_wait3A_52 : memref<1x2x128xi32, #tpu.memory_space<hbm>> -> memref<2x128xi32, #tpu.memory_space<hbm>>
        tpu.wait_dma2 semaphore(%run_scoped3A_37 : memref<!tpu.dma_semaphore, #tpu.memory_space<semaphore_mem>>) src(%dma_wait3A_53 : memref<2x128xi32, #tpu.memory_space<hbm>>) dst(%arg6 : memref<2x128xi32, #tpu.memory_space<vmem>>)
        tpu.yield
      }) : () -> ()
      %dma_start3A = arith.constant 0 : i32
      %dma_start3A_17 = arith.constant 0 : i32
      %dma_start3A_18 = tpu.memref_slice %arg6[%dma_start3A, %dma_start3A_17] : memref<2x128xi32, #tpu.memory_space<vmem>> -> memref<1x128xi32, #tpu.memory_space<vmem>>
      %dma_start3A_19 = tpu.memref_squeeze %dma_start3A_18 : memref<1x128xi32, #tpu.memory_space<vmem>> -> memref<128xi32, #tpu.memory_space<vmem>>
      %dma_start3A_20 = arith.constant 0 : i32
      %dma_start3A_21 = arith.constant 0 : i32
      %dma_start3A_22 = tpu.memref_slice %arg2[%arg0, %dma_start3A_20, %dma_start3A_21] : memref<2x10000x128xf32, #tpu.memory_space<hbm>> -> memref<1x10000x128xf32, #tpu.memory_space<hbm>>
      %dma_start3A_23 = tpu.memref_squeeze %dma_start3A_22 : memref<1x10000x128xf32, #tpu.memory_space<hbm>> -> memref<10000x128xf32, #tpu.memory_space<hbm>>
      %dma_start3A_24 = arith.constant 0 : i32
      %dma_start3A_25 = arith.constant 0 : i32
      %dma_start3A_26 = tpu.memref_slice %dma_start3A_23[%dma_start3A_24, %dma_start3A_25] : memref<10000x128xf32, #tpu.memory_space<hbm>> -> memref<10000x128xf32, #tpu.memory_space<hbm>>
      tpu.enqueue_indirect_dma source(%dma_start3A_26 : memref<10000x128xf32, #tpu.memory_space<hbm>>) target(%arg8 : memref<128x128xf32, #tpu.memory_space<vmem>>) offsets(%dma_start3A_19 : memref<128xi32, #tpu.memory_space<vmem>>) semaphore(%arg12 : memref<!tpu.dma_semaphore, #tpu.memory_space<semaphore_mem>>)
      %dma_wait3A = arith.constant 0 : i32
      %dma_wait3A_27 = arith.constant 0 : i32
      %dma_wait3A_28 = tpu.memref_slice %arg6[%dma_wait3A, %dma_wait3A_27] : memref<2x128xi32, #tpu.memory_space<vmem>> -> memref<1x128xi32, #tpu.memory_space<vmem>>
      %dma_wait3A_29 = tpu.memref_squeeze %dma_wait3A_28 : memref<1x128xi32, #tpu.memory_space<vmem>> -> memref<128xi32, #tpu.memory_space<vmem>>
      %dma_wait3A_30 = arith.constant 0 : i32
      %dma_wait3A_31 = arith.constant 0 : i32
      %dma_wait3A_32 = tpu.memref_slice %arg2[%arg0, %dma_wait3A_30, %dma_wait3A_31] : memref<2x10000x128xf32, #tpu.memory_space<hbm>> -> memref<1x10000x128xf32, #tpu.memory_space<hbm>>
      %dma_wait3A_33 = tpu.memref_squeeze %dma_wait3A_32 : memref<1x10000x128xf32, #tpu.memory_space<hbm>> -> memref<10000x128xf32, #tpu.memory_space<hbm>>
      %dma_wait3A_34 = arith.constant 0 : i32
      %dma_wait3A_35 = arith.constant 0 : i32
      %dma_wait3A_36 = tpu.memref_slice %dma_wait3A_33[%dma_wait3A_34, %dma_wait3A_35] : memref<10000x128xf32, #tpu.memory_space<hbm>> -> memref<10000x128xf32, #tpu.memory_space<hbm>>
      tpu.wait_indirect_dma semaphore(%arg12 : memref<!tpu.dma_semaphore, #tpu.memory_space<semaphore_mem>>) src(%dma_wait3A_36 : memref<10000x128xf32, #tpu.memory_space<hbm>>) dst(%arg8 : memref<128x128xf32, #tpu.memory_space<vmem>>)
      %run_scoped3A = arith.constant 1 : i32
      "tpu.region"() ({
        %run_scoped3A_37 = tpu.sem_alloc : memref<!tpu.dma_semaphore, #tpu.memory_space<semaphore_mem>>
        %dma_start3A_38 = arith.constant 0 : i32
        %dma_start3A_39 = tpu.memref_slice %arg6[%run_scoped3A, %dma_start3A_38] : memref<2x128xi32, #tpu.memory_space<vmem>> -> memref<1x128xi32, #tpu.memory_space<vmem>>
        %dma_start3A_40 = tpu.memref_squeeze %dma_start3A_39 : memref<1x128xi32, #tpu.memory_space<vmem>> -> memref<128xi32, #tpu.memory_space<vmem>>
        %dma_start3A_41 = arith.constant 0 : i32
        %dma_start3A_42 = arith.constant 0 : i32
        %dma_start3A_43 = tpu.memref_slice %arg10[%dma_start3A_41, %dma_start3A_42] : memref<10240x128xf32, #tpu.memory_space<vmem_shared>> -> memref<10240x128xf32, #tpu.memory_space<vmem_shared>>
        tpu.enqueue_indirect_dma source(%arg8 : memref<128x128xf32, #tpu.memory_space<vmem>>) target(%dma_start3A_43 : memref<10240x128xf32, #tpu.memory_space<vmem_shared>>) offsets(%dma_start3A_40 : memref<128xi32, #tpu.memory_space<vmem>>) semaphore(%run_scoped3A_37 : memref<!tpu.dma_semaphore, #tpu.memory_space<semaphore_mem>>) {add = true}
        %dma_wait3A_44 = arith.constant 0 : i32
        %dma_wait3A_45 = tpu.memref_slice %arg6[%run_scoped3A, %dma_wait3A_44] : memref<2x128xi32, #tpu.memory_space<vmem>> -> memref<1x128xi32, #tpu.memory_space<vmem>>
        %dma_wait3A_46 = tpu.memref_squeeze %dma_wait3A_45 : memref<1x128xi32, #tpu.memory_space<vmem>> -> memref<128xi32, #tpu.memory_space<vmem>>
        %dma_wait3A_47 = arith.constant 0 : i32
        %dma_wait3A_48 = arith.constant 0 : i32
        %dma_wait3A_49 = tpu.memref_slice %arg10[%dma_wait3A_47, %dma_wait3A_48] : memref<10240x128xf32, #tpu.memory_space<vmem_shared>> -> memref<10240x128xf32, #tpu.memory_space<vmem_shared>>
        tpu.wait_indirect_dma semaphore(%run_scoped3A_37 : memref<!tpu.dma_semaphore, #tpu.memory_space<semaphore_mem>>) src(%arg8 : memref<128x128xf32, #tpu.memory_space<vmem>>) dst(%dma_wait3A_49 : memref<10240x128xf32, #tpu.memory_space<vmem_shared>>)
        tpu.yield
      }) : () -> ()
    }
    %scan3A_6 = arith.constant 80 : i32
    %barrier3A_7 = arith.constant 0 : index
    tpu.barrier barrier_id(%barrier3A_7)
    %mul3A_8 = arith.constant 640 : i32
    %mul3A_9 = arith.muli %arg1, %mul3A_8 : i32
    %mul3A_10 = arith.constant 640 : i32
    %mul3A_11 = arith.muli %arg1, %mul3A_10 : i32
    "tpu.region"() ({
      %run_scoped3A = tpu.sem_alloc : memref<!tpu.dma_semaphore, #tpu.memory_space<semaphore_mem>>
      %dma_start3A = arith.constant 0 : i32
      %dma_start3A_12 = tpu.memref_slice %arg5[%arg0, %mul3A_11, %dma_start3A] : memref<2x10240x128xf32, #tpu.memory_space<hbm>> -> memref<1x640x128xf32, #tpu.memory_space<hbm>>
      %dma_start3A_13 = tpu.memref_squeeze %dma_start3A_12 : memref<1x640x128xf32, #tpu.memory_space<hbm>> -> memref<640x128xf32, #tpu.memory_space<hbm>>
      %dma_start3A_14 = arith.constant 0 : i32
      %dma_start3A_15 = tpu.memref_slice %arg10[%mul3A_9, %dma_start3A_14] : memref<10240x128xf32, #tpu.memory_space<vmem_shared>> -> memref<640x128xf32, #tpu.memory_space<vmem_shared>>
      tpu.enqueue_dma source(%dma_start3A_15 : memref<640x128xf32, #tpu.memory_space<vmem_shared>>) target(%dma_start3A_13 : memref<640x128xf32, #tpu.memory_space<hbm>>) target_semaphore(%run_scoped3A : memref<!tpu.dma_semaphore, #tpu.memory_space<semaphore_mem>>)
      %dma_wait3A = arith.constant 0 : i32
      %dma_wait3A_16 = tpu.memref_slice %arg5[%arg0, %mul3A_11, %dma_wait3A] : memref<2x10240x128xf32, #tpu.memory_space<hbm>> -> memref<1x640x128xf32, #tpu.memory_space<hbm>>
      %dma_wait3A_17 = tpu.memref_squeeze %dma_wait3A_16 : memref<1x640x128xf32, #tpu.memory_space<hbm>> -> memref<640x128xf32, #tpu.memory_space<hbm>>
      %dma_wait3A_18 = arith.constant 0 : i32
      %dma_wait3A_19 = tpu.memref_slice %arg10[%mul3A_9, %dma_wait3A_18] : memref<10240x128xf32, #tpu.memory_space<vmem_shared>> -> memref<640x128xf32, #tpu.memory_space<vmem_shared>>
      tpu.wait_dma2 semaphore(%run_scoped3A : memref<!tpu.dma_semaphore, #tpu.memory_space<semaphore_mem>>) src(%dma_wait3A_19 : memref<640x128xf32, #tpu.memory_space<vmem_shared>>) dst(%dma_wait3A_17 : memref<640x128xf32, #tpu.memory_space<hbm>>)
      tpu.yield
    }) : () -> ()
    return
  }
}

#map = affine_map<(d0, d1) -> (0, 0, 0)>
#map1 = affine_map<(d0, d1) -> (0, 0)>
module attributes {stable_mosaic.version = 14 : i64} {
  func.func @scat_kernel(%arg0: i32, %arg1: i32, %arg2: memref<2x10000x128xf32, #tpu.memory_space<hbm>>, %arg3: memref<1280x2x128xi32, #tpu.memory_space<hbm>>, %arg4: memref<640x128xf32, #tpu.memory_space<hbm>>, %arg5: memref<2x10240x128xf32, #tpu.memory_space<hbm>>, %arg6: memref<2x128xi32, #tpu.memory_space<vmem>>, %arg7: memref<2x128xi32, #tpu.memory_space<vmem>>, %arg8: memref<128x128xf32, #tpu.memory_space<vmem>>, %arg9: memref<128x128xf32, #tpu.memory_space<vmem>>, %arg10: memref<10240x128xf32, #tpu.memory_space<vmem_shared>>, %arg11: memref<!tpu.dma_semaphore, #tpu.memory_space<semaphore_mem>>, %arg12: memref<!tpu.dma_semaphore, #tpu.memory_space<semaphore_mem>>, %arg13: memref<!tpu.dma_semaphore, #tpu.memory_space<semaphore_mem>>) attributes {dimension_semantics = [#tpu.dimension_semantics<core_parallel>, #tpu.dimension_semantics<subcore_parallel>], iteration_bounds = array<i64: 2, 16>, scalar_prefetch = 0 : i64, scratch_operands = 8 : i64, tpu.core_type = #tpu.core_type<sc_vector_subcore>, window_params = [{transform_indices = #map}, {transform_indices = #map}, {transform_indices = #map1}, {transform_indices = #map}]} {
    %mul3A = arith.constant 80 : i32
    %mul3A_0 = arith.muli %arg1, %mul3A : i32
    %mul3A_1 = arith.constant 640 : i32
    %mul3A_2 = arith.muli %arg1, %mul3A_1 : i32
    "tpu.region"() ({
      %run_scoped3A = tpu.sem_alloc : memref<!tpu.dma_semaphore, #tpu.memory_space<semaphore_mem>>
      %dma_start3A = arith.constant 0 : i32
      %dma_start3A_12 = tpu.memref_slice %arg10[%mul3A_2, %dma_start3A] : memref<10240x128xf32, #tpu.memory_space<vmem_shared>> -> memref<640x128xf32, #tpu.memory_space<vmem_shared>>
      tpu.enqueue_dma source(%arg4 : memref<640x128xf32, #tpu.memory_space<hbm>>) target(%dma_start3A_12 : memref<640x128xf32, #tpu.memory_space<vmem_shared>>) target_semaphore(%run_scoped3A : memref<!tpu.dma_semaphore, #tpu.memory_space<semaphore_mem>>)
      %dma_wait3A = arith.constant 0 : i32
      %dma_wait3A_13 = tpu.memref_slice %arg10[%mul3A_2, %dma_wait3A] : memref<10240x128xf32, #tpu.memory_space<vmem_shared>> -> memref<640x128xf32, #tpu.memory_space<vmem_shared>>
      tpu.wait_dma2 semaphore(%run_scoped3A : memref<!tpu.dma_semaphore, #tpu.memory_space<semaphore_mem>>) src(%arg4 : memref<640x128xf32, #tpu.memory_space<hbm>>) dst(%dma_wait3A_13 : memref<640x128xf32, #tpu.memory_space<vmem_shared>>)
      tpu.yield
    }) : () -> ()
    %barrier3A = arith.constant 0 : index
    tpu.barrier barrier_id(%barrier3A)
    %scan3A = arith.constant 0 : i32
    %scan3A_3 = arith.constant 80 : i32
    %scan3A_4 = arith.addi %scan3A, %scan3A_3 : i32
    %scan3A_5 = arith.constant 1 : i32
    scf.for %scan3A_12 = %scan3A to %scan3A_4 step %scan3A_5  : i32 {
      %mul3A_13 = arith.constant 1 : i32
      %mul3A_14 = arith.muli %scan3A_12, %mul3A_13 : i32
      %add3A = arith.constant 0 : i32
      %add3A_15 = arith.addi %add3A, %mul3A_14 : i32
      %add3A_16 = arith.addi %mul3A_0, %add3A_15 : i32
      "tpu.region"() ({
        %run_scoped3A_37 = tpu.sem_alloc : memref<!tpu.dma_semaphore, #tpu.memory_space<semaphore_mem>>
        %dma_start3A_38 = arith.constant 0 : i32
        %dma_start3A_39 = arith.constant 0 : i32
        %dma_start3A_40 = tpu.memref_slice %arg3[%add3A_16, %dma_start3A_38, %dma_start3A_39] : memref<1280x2x128xi32, #tpu.memory_space<hbm>> -> memref<1x2x128xi32, #tpu.memory_space<hbm>>
        %dma_start3A_41 = tpu.memref_squeeze %dma_start3A_40 : memref<1x2x128xi32, #tpu.memory_space<hbm>> -> memref<2x128xi32, #tpu.memory_space<hbm>>
        %dma_start3A_42 = arith.constant 0 : i32
        %dma_start3A_43 = arith.constant 0 : i32
        %dma_start3A_44 = tpu.memref_slice %arg3[%add3A_16, %dma_start3A_42, %dma_start3A_43] : memref<1280x2x128xi32, #tpu.memory_space<hbm>> -> memref<1x2x128xi32, #tpu.memory_space<hbm>>
        %dma_start3A_45 = tpu.memref_squeeze %dma_start3A_44 : memref<1x2x128xi32, #tpu.memory_space<hbm>> -> memref<2x128xi32, #tpu.memory_space<hbm>>
        tpu.enqueue_dma source(%dma_start3A_45 : memref<2x128xi32, #tpu.memory_space<hbm>>) target(%arg6 : memref<2x128xi32, #tpu.memory_space<vmem>>) target_semaphore(%run_scoped3A_37 : memref<!tpu.dma_semaphore, #tpu.memory_space<semaphore_mem>>)
        %dma_wait3A_46 = arith.constant 0 : i32
        %dma_wait3A_47 = arith.constant 0 : i32
        %dma_wait3A_48 = tpu.memref_slice %arg3[%add3A_16, %dma_wait3A_46, %dma_wait3A_47] : memref<1280x2x128xi32, #tpu.memory_space<hbm>> -> memref<1x2x128xi32, #tpu.memory_space<hbm>>
        %dma_wait3A_49 = tpu.memref_squeeze %dma_wait3A_48 : memref<1x2x128xi32, #tpu.memory_space<hbm>> -> memref<2x128xi32, #tpu.memory_space<hbm>>
        %dma_wait3A_50 = arith.constant 0 : i32
        %dma_wait3A_51 = arith.constant 0 : i32
        %dma_wait3A_52 = tpu.memref_slice %arg3[%add3A_16, %dma_wait3A_50, %dma_wait3A_51] : memref<1280x2x128xi32, #tpu.memory_space<hbm>> -> memref<1x2x128xi32, #tpu.memory_space<hbm>>
        %dma_wait3A_53 = tpu.memref_squeeze %dma_wait3A_52 : memref<1x2x128xi32, #tpu.memory_space<hbm>> -> memref<2x128xi32, #tpu.memory_space<hbm>>
        tpu.wait_dma2 semaphore(%run_scoped3A_37 : memref<!tpu.dma_semaphore, #tpu.memory_space<semaphore_mem>>) src(%dma_wait3A_53 : memref<2x128xi32, #tpu.memory_space<hbm>>) dst(%arg6 : memref<2x128xi32, #tpu.memory_space<vmem>>)
        tpu.yield
      }) : () -> ()
      %dma_start3A = arith.constant 0 : i32
      %dma_start3A_17 = arith.constant 0 : i32
      %dma_start3A_18 = tpu.memref_slice %arg6[%dma_start3A, %dma_start3A_17] : memref<2x128xi32, #tpu.memory_space<vmem>> -> memref<1x128xi32, #tpu.memory_space<vmem>>
      %dma_start3A_19 = tpu.memref_squeeze %dma_start3A_18 : memref<1x128xi32, #tpu.memory_space<vmem>> -> memref<128xi32, #tpu.memory_space<vmem>>
      %dma_start3A_20 = arith.constant 0 : i32
      %dma_start3A_21 = arith.constant 0 : i32
      %dma_start3A_22 = tpu.memref_slice %arg2[%arg0, %dma_start3A_20, %dma_start3A_21] : memref<2x10000x128xf32, #tpu.memory_space<hbm>> -> memref<1x10000x128xf32, #tpu.memory_space<hbm>>
      %dma_start3A_23 = tpu.memref_squeeze %dma_start3A_22 : memref<1x10000x128xf32, #tpu.memory_space<hbm>> -> memref<10000x128xf32, #tpu.memory_space<hbm>>
      %dma_start3A_24 = arith.constant 0 : i32
      %dma_start3A_25 = arith.constant 0 : i32
      %dma_start3A_26 = tpu.memref_slice %dma_start3A_23[%dma_start3A_24, %dma_start3A_25] : memref<10000x128xf32, #tpu.memory_space<hbm>> -> memref<10000x128xf32, #tpu.memory_space<hbm>>
      tpu.enqueue_indirect_dma source(%dma_start3A_26 : memref<10000x128xf32, #tpu.memory_space<hbm>>) target(%arg8 : memref<128x128xf32, #tpu.memory_space<vmem>>) offsets(%dma_start3A_19 : memref<128xi32, #tpu.memory_space<vmem>>) semaphore(%arg12 : memref<!tpu.dma_semaphore, #tpu.memory_space<semaphore_mem>>)
      %dma_wait3A = arith.constant 0 : i32
      %dma_wait3A_27 = arith.constant 0 : i32
      %dma_wait3A_28 = tpu.memref_slice %arg6[%dma_wait3A, %dma_wait3A_27] : memref<2x128xi32, #tpu.memory_space<vmem>> -> memref<1x128xi32, #tpu.memory_space<vmem>>
      %dma_wait3A_29 = tpu.memref_squeeze %dma_wait3A_28 : memref<1x128xi32, #tpu.memory_space<vmem>> -> memref<128xi32, #tpu.memory_space<vmem>>
      %dma_wait3A_30 = arith.constant 0 : i32
      %dma_wait3A_31 = arith.constant 0 : i32
      %dma_wait3A_32 = tpu.memref_slice %arg2[%arg0, %dma_wait3A_30, %dma_wait3A_31] : memref<2x10000x128xf32, #tpu.memory_space<hbm>> -> memref<1x10000x128xf32, #tpu.memory_space<hbm>>
      %dma_wait3A_33 = tpu.memref_squeeze %dma_wait3A_32 : memref<1x10000x128xf32, #tpu.memory_space<hbm>> -> memref<10000x128xf32, #tpu.memory_space<hbm>>
      %dma_wait3A_34 = arith.constant 0 : i32
      %dma_wait3A_35 = arith.constant 0 : i32
      %dma_wait3A_36 = tpu.memref_slice %dma_wait3A_33[%dma_wait3A_34, %dma_wait3A_35] : memref<10000x128xf32, #tpu.memory_space<hbm>> -> memref<10000x128xf32, #tpu.memory_space<hbm>>
      tpu.wait_indirect_dma semaphore(%arg12 : memref<!tpu.dma_semaphore, #tpu.memory_space<semaphore_mem>>) src(%dma_wait3A_36 : memref<10000x128xf32, #tpu.memory_space<hbm>>) dst(%arg8 : memref<128x128xf32, #tpu.memory_space<vmem>>)
      %run_scoped3A = arith.constant 1 : i32
      "tpu.region"() ({
        %run_scoped3A_37 = tpu.sem_alloc : memref<!tpu.dma_semaphore, #tpu.memory_space<semaphore_mem>>
        %dma_start3A_38 = arith.constant 0 : i32
        %dma_start3A_39 = tpu.memref_slice %arg6[%run_scoped3A, %dma_start3A_38] : memref<2x128xi32, #tpu.memory_space<vmem>> -> memref<1x128xi32, #tpu.memory_space<vmem>>
        %dma_start3A_40 = tpu.memref_squeeze %dma_start3A_39 : memref<1x128xi32, #tpu.memory_space<vmem>> -> memref<128xi32, #tpu.memory_space<vmem>>
        %dma_start3A_41 = arith.constant 0 : i32
        %dma_start3A_42 = arith.constant 0 : i32
        %dma_start3A_43 = tpu.memref_slice %arg10[%dma_start3A_41, %dma_start3A_42] : memref<10240x128xf32, #tpu.memory_space<vmem_shared>> -> memref<10240x128xf32, #tpu.memory_space<vmem_shared>>
        tpu.enqueue_indirect_dma source(%arg8 : memref<128x128xf32, #tpu.memory_space<vmem>>) target(%dma_start3A_43 : memref<10240x128xf32, #tpu.memory_space<vmem_shared>>) offsets(%dma_start3A_40 : memref<128xi32, #tpu.memory_space<vmem>>) semaphore(%run_scoped3A_37 : memref<!tpu.dma_semaphore, #tpu.memory_space<semaphore_mem>>) {add = true}
        %dma_wait3A_44 = arith.constant 0 : i32
        %dma_wait3A_45 = tpu.memref_slice %arg6[%run_scoped3A, %dma_wait3A_44] : memref<2x128xi32, #tpu.memory_space<vmem>> -> memref<1x128xi32, #tpu.memory_space<vmem>>
        %dma_wait3A_46 = tpu.memref_squeeze %dma_wait3A_45 : memref<1x128xi32, #tpu.memory_space<vmem>> -> memref<128xi32, #tpu.memory_space<vmem>>
        %dma_wait3A_47 = arith.constant 0 : i32
        %dma_wait3A_48 = arith.constant 0 : i32
        %dma_wait3A_49 = tpu.memref_slice %arg10[%dma_wait3A_47, %dma_wait3A_48] : memref<10240x128xf32, #tpu.memory_space<vmem_shared>> -> memref<10240x128xf32, #tpu.memory_space<vmem_shared>>
        tpu.wait_indirect_dma semaphore(%run_scoped3A_37 : memref<!tpu.dma_semaphore, #tpu.memory_space<semaphore_mem>>) src(%arg8 : memref<128x128xf32, #tpu.memory_space<vmem>>) dst(%dma_wait3A_49 : memref<10240x128xf32, #tpu.memory_space<vmem_shared>>)
        tpu.yield
      }) : () -> ()
    }
    %scan3A_6 = arith.constant 80 : i32
    %barrier3A_7 = arith.constant 0 : index
    tpu.barrier barrier_id(%barrier3A_7)
    %mul3A_8 = arith.constant 640 : i32
    %mul3A_9 = arith.muli %arg1, %mul3A_8 : i32
    %mul3A_10 = arith.constant 640 : i32
    %mul3A_11 = arith.muli %arg1, %mul3A_10 : i32
    "tpu.region"() ({
      %run_scoped3A = tpu.sem_alloc : memref<!tpu.dma_semaphore, #tpu.memory_space<semaphore_mem>>
      %dma_start3A = arith.constant 0 : i32
      %dma_start3A_12 = tpu.memref_slice %arg5[%arg0, %mul3A_11, %dma_start3A] : memref<2x10240x128xf32, #tpu.memory_space<hbm>> -> memref<1x640x128xf32, #tpu.memory_space<hbm>>
      %dma_start3A_13 = tpu.memref_squeeze %dma_start3A_12 : memref<1x640x128xf32, #tpu.memory_space<hbm>> -> memref<640x128xf32, #tpu.memory_space<hbm>>
      %dma_start3A_14 = arith.constant 0 : i32
      %dma_start3A_15 = tpu.memref_slice %arg10[%mul3A_9, %dma_start3A_14] : memref<10240x128xf32, #tpu.memory_space<vmem_shared>> -> memref<640x128xf32, #tpu.memory_space<vmem_shared>>
      tpu.enqueue_dma source(%dma_start3A_15 : memref<640x128xf32, #tpu.memory_space<vmem_shared>>) target(%dma_start3A_13 : memref<640x128xf32, #tpu.memory_space<hbm>>) target_semaphore(%run_scoped3A : memref<!tpu.dma_semaphore, #tpu.memory_space<semaphore_mem>>)
      %dma_wait3A = arith.constant 0 : i32
      %dma_wait3A_16 = tpu.memref_slice %arg5[%arg0, %mul3A_11, %dma_wait3A] : memref<2x10240x128xf32, #tpu.memory_space<hbm>> -> memref<1x640x128xf32, #tpu.memory_space<hbm>>
      %dma_wait3A_17 = tpu.memref_squeeze %dma_wait3A_16 : memref<1x640x128xf32, #tpu.memory_space<hbm>> -> memref<640x128xf32, #tpu.memory_space<hbm>>
      %dma_wait3A_18 = arith.constant 0 : i32
      %dma_wait3A_19 = tpu.memref_slice %arg10[%mul3A_9, %dma_wait3A_18] : memref<10240x128xf32, #tpu.memory_space<vmem_shared>> -> memref<640x128xf32, #tpu.memory_space<vmem_shared>>
      tpu.wait_dma2 semaphore(%run_scoped3A : memref<!tpu.dma_semaphore, #tpu.memory_space<semaphore_mem>>) src(%dma_wait3A_19 : memref<640x128xf32, #tpu.memory_space<vmem_shared>>) dst(%dma_wait3A_17 : memref<640x128xf32, #tpu.memory_space<hbm>>)
      tpu.yield
    }) : () -> ()
    return
  }
}

#map = affine_map<(d0, d1) -> (0, 0, 0)>
#map1 = affine_map<(d0, d1) -> (0, 0)>
module attributes {stable_mosaic.version = 14 : i64} {
  func.func @scat_kernel(%arg0: i32, %arg1: i32, %arg2: memref<2x10000x128xf32, #tpu.memory_space<hbm>>, %arg3: memref<1280x2x128xi32, #tpu.memory_space<hbm>>, %arg4: memref<640x128xf32, #tpu.memory_space<hbm>>, %arg5: memref<2x10240x128xf32, #tpu.memory_space<hbm>>, %arg6: memref<2x128xi32, #tpu.memory_space<vmem>>, %arg7: memref<2x128xi32, #tpu.memory_space<vmem>>, %arg8: memref<128x128xf32, #tpu.memory_space<vmem>>, %arg9: memref<128x128xf32, #tpu.memory_space<vmem>>, %arg10: memref<10240x128xf32, #tpu.memory_space<vmem_shared>>, %arg11: memref<!tpu.dma_semaphore, #tpu.memory_space<semaphore_mem>>, %arg12: memref<!tpu.dma_semaphore, #tpu.memory_space<semaphore_mem>>, %arg13: memref<!tpu.dma_semaphore, #tpu.memory_space<semaphore_mem>>) attributes {dimension_semantics = [#tpu.dimension_semantics<core_parallel>, #tpu.dimension_semantics<subcore_parallel>], iteration_bounds = array<i64: 2, 16>, scalar_prefetch = 0 : i64, scratch_operands = 8 : i64, tpu.core_type = #tpu.core_type<sc_vector_subcore>, window_params = [{transform_indices = #map}, {transform_indices = #map}, {transform_indices = #map1}, {transform_indices = #map}]} {
    %mul3A = arith.constant 80 : i32
    %mul3A_0 = arith.muli %arg1, %mul3A : i32
    %mul3A_1 = arith.constant 640 : i32
    %mul3A_2 = arith.muli %arg1, %mul3A_1 : i32
    "tpu.region"() ({
      %run_scoped3A = tpu.sem_alloc : memref<!tpu.dma_semaphore, #tpu.memory_space<semaphore_mem>>
      %dma_start3A = arith.constant 0 : i32
      %dma_start3A_12 = tpu.memref_slice %arg10[%mul3A_2, %dma_start3A] : memref<10240x128xf32, #tpu.memory_space<vmem_shared>> -> memref<640x128xf32, #tpu.memory_space<vmem_shared>>
      tpu.enqueue_dma source(%arg4 : memref<640x128xf32, #tpu.memory_space<hbm>>) target(%dma_start3A_12 : memref<640x128xf32, #tpu.memory_space<vmem_shared>>) target_semaphore(%run_scoped3A : memref<!tpu.dma_semaphore, #tpu.memory_space<semaphore_mem>>)
      %dma_wait3A = arith.constant 0 : i32
      %dma_wait3A_13 = tpu.memref_slice %arg10[%mul3A_2, %dma_wait3A] : memref<10240x128xf32, #tpu.memory_space<vmem_shared>> -> memref<640x128xf32, #tpu.memory_space<vmem_shared>>
      tpu.wait_dma2 semaphore(%run_scoped3A : memref<!tpu.dma_semaphore, #tpu.memory_space<semaphore_mem>>) src(%arg4 : memref<640x128xf32, #tpu.memory_space<hbm>>) dst(%dma_wait3A_13 : memref<640x128xf32, #tpu.memory_space<vmem_shared>>)
      tpu.yield
    }) : () -> ()
    %barrier3A = arith.constant 0 : index
    tpu.barrier barrier_id(%barrier3A)
    %scan3A = arith.constant 0 : i32
    %scan3A_3 = arith.constant 80 : i32
    %scan3A_4 = arith.addi %scan3A, %scan3A_3 : i32
    %scan3A_5 = arith.constant 1 : i32
    scf.for %scan3A_12 = %scan3A to %scan3A_4 step %scan3A_5  : i32 {
      %mul3A_13 = arith.constant 1 : i32
      %mul3A_14 = arith.muli %scan3A_12, %mul3A_13 : i32
      %add3A = arith.constant 0 : i32
      %add3A_15 = arith.addi %add3A, %mul3A_14 : i32
      %add3A_16 = arith.addi %mul3A_0, %add3A_15 : i32
      "tpu.region"() ({
        %run_scoped3A_37 = tpu.sem_alloc : memref<!tpu.dma_semaphore, #tpu.memory_space<semaphore_mem>>
        %dma_start3A_38 = arith.constant 0 : i32
        %dma_start3A_39 = arith.constant 0 : i32
        %dma_start3A_40 = tpu.memref_slice %arg3[%add3A_16, %dma_start3A_38, %dma_start3A_39] : memref<1280x2x128xi32, #tpu.memory_space<hbm>> -> memref<1x2x128xi32, #tpu.memory_space<hbm>>
        %dma_start3A_41 = tpu.memref_squeeze %dma_start3A_40 : memref<1x2x128xi32, #tpu.memory_space<hbm>> -> memref<2x128xi32, #tpu.memory_space<hbm>>
        %dma_start3A_42 = arith.constant 0 : i32
        %dma_start3A_43 = arith.constant 0 : i32
        %dma_start3A_44 = tpu.memref_slice %arg3[%add3A_16, %dma_start3A_42, %dma_start3A_43] : memref<1280x2x128xi32, #tpu.memory_space<hbm>> -> memref<1x2x128xi32, #tpu.memory_space<hbm>>
        %dma_start3A_45 = tpu.memref_squeeze %dma_start3A_44 : memref<1x2x128xi32, #tpu.memory_space<hbm>> -> memref<2x128xi32, #tpu.memory_space<hbm>>
        tpu.enqueue_dma source(%dma_start3A_45 : memref<2x128xi32, #tpu.memory_space<hbm>>) target(%arg6 : memref<2x128xi32, #tpu.memory_space<vmem>>) target_semaphore(%run_scoped3A_37 : memref<!tpu.dma_semaphore, #tpu.memory_space<semaphore_mem>>)
        %dma_wait3A_46 = arith.constant 0 : i32
        %dma_wait3A_47 = arith.constant 0 : i32
        %dma_wait3A_48 = tpu.memref_slice %arg3[%add3A_16, %dma_wait3A_46, %dma_wait3A_47] : memref<1280x2x128xi32, #tpu.memory_space<hbm>> -> memref<1x2x128xi32, #tpu.memory_space<hbm>>
        %dma_wait3A_49 = tpu.memref_squeeze %dma_wait3A_48 : memref<1x2x128xi32, #tpu.memory_space<hbm>> -> memref<2x128xi32, #tpu.memory_space<hbm>>
        %dma_wait3A_50 = arith.constant 0 : i32
        %dma_wait3A_51 = arith.constant 0 : i32
        %dma_wait3A_52 = tpu.memref_slice %arg3[%add3A_16, %dma_wait3A_50, %dma_wait3A_51] : memref<1280x2x128xi32, #tpu.memory_space<hbm>> -> memref<1x2x128xi32, #tpu.memory_space<hbm>>
        %dma_wait3A_53 = tpu.memref_squeeze %dma_wait3A_52 : memref<1x2x128xi32, #tpu.memory_space<hbm>> -> memref<2x128xi32, #tpu.memory_space<hbm>>
        tpu.wait_dma2 semaphore(%run_scoped3A_37 : memref<!tpu.dma_semaphore, #tpu.memory_space<semaphore_mem>>) src(%dma_wait3A_53 : memref<2x128xi32, #tpu.memory_space<hbm>>) dst(%arg6 : memref<2x128xi32, #tpu.memory_space<vmem>>)
        tpu.yield
      }) : () -> ()
      %dma_start3A = arith.constant 0 : i32
      %dma_start3A_17 = arith.constant 0 : i32
      %dma_start3A_18 = tpu.memref_slice %arg6[%dma_start3A, %dma_start3A_17] : memref<2x128xi32, #tpu.memory_space<vmem>> -> memref<1x128xi32, #tpu.memory_space<vmem>>
      %dma_start3A_19 = tpu.memref_squeeze %dma_start3A_18 : memref<1x128xi32, #tpu.memory_space<vmem>> -> memref<128xi32, #tpu.memory_space<vmem>>
      %dma_start3A_20 = arith.constant 0 : i32
      %dma_start3A_21 = arith.constant 0 : i32
      %dma_start3A_22 = tpu.memref_slice %arg2[%arg0, %dma_start3A_20, %dma_start3A_21] : memref<2x10000x128xf32, #tpu.memory_space<hbm>> -> memref<1x10000x128xf32, #tpu.memory_space<hbm>>
      %dma_start3A_23 = tpu.memref_squeeze %dma_start3A_22 : memref<1x10000x128xf32, #tpu.memory_space<hbm>> -> memref<10000x128xf32, #tpu.memory_space<hbm>>
      %dma_start3A_24 = arith.constant 0 : i32
      %dma_start3A_25 = arith.constant 0 : i32
      %dma_start3A_26 = tpu.memref_slice %dma_start3A_23[%dma_start3A_24, %dma_start3A_25] : memref<10000x128xf32, #tpu.memory_space<hbm>> -> memref<10000x128xf32, #tpu.memory_space<hbm>>
      tpu.enqueue_indirect_dma source(%dma_start3A_26 : memref<10000x128xf32, #tpu.memory_space<hbm>>) target(%arg8 : memref<128x128xf32, #tpu.memory_space<vmem>>) offsets(%dma_start3A_19 : memref<128xi32, #tpu.memory_space<vmem>>) semaphore(%arg12 : memref<!tpu.dma_semaphore, #tpu.memory_space<semaphore_mem>>)
      %dma_wait3A = arith.constant 0 : i32
      %dma_wait3A_27 = arith.constant 0 : i32
      %dma_wait3A_28 = tpu.memref_slice %arg6[%dma_wait3A, %dma_wait3A_27] : memref<2x128xi32, #tpu.memory_space<vmem>> -> memref<1x128xi32, #tpu.memory_space<vmem>>
      %dma_wait3A_29 = tpu.memref_squeeze %dma_wait3A_28 : memref<1x128xi32, #tpu.memory_space<vmem>> -> memref<128xi32, #tpu.memory_space<vmem>>
      %dma_wait3A_30 = arith.constant 0 : i32
      %dma_wait3A_31 = arith.constant 0 : i32
      %dma_wait3A_32 = tpu.memref_slice %arg2[%arg0, %dma_wait3A_30, %dma_wait3A_31] : memref<2x10000x128xf32, #tpu.memory_space<hbm>> -> memref<1x10000x128xf32, #tpu.memory_space<hbm>>
      %dma_wait3A_33 = tpu.memref_squeeze %dma_wait3A_32 : memref<1x10000x128xf32, #tpu.memory_space<hbm>> -> memref<10000x128xf32, #tpu.memory_space<hbm>>
      %dma_wait3A_34 = arith.constant 0 : i32
      %dma_wait3A_35 = arith.constant 0 : i32
      %dma_wait3A_36 = tpu.memref_slice %dma_wait3A_33[%dma_wait3A_34, %dma_wait3A_35] : memref<10000x128xf32, #tpu.memory_space<hbm>> -> memref<10000x128xf32, #tpu.memory_space<hbm>>
      tpu.wait_indirect_dma semaphore(%arg12 : memref<!tpu.dma_semaphore, #tpu.memory_space<semaphore_mem>>) src(%dma_wait3A_36 : memref<10000x128xf32, #tpu.memory_space<hbm>>) dst(%arg8 : memref<128x128xf32, #tpu.memory_space<vmem>>)
      %run_scoped3A = arith.constant 1 : i32
      "tpu.region"() ({
        %run_scoped3A_37 = tpu.sem_alloc : memref<!tpu.dma_semaphore, #tpu.memory_space<semaphore_mem>>
        %dma_start3A_38 = arith.constant 0 : i32
        %dma_start3A_39 = tpu.memref_slice %arg6[%run_scoped3A, %dma_start3A_38] : memref<2x128xi32, #tpu.memory_space<vmem>> -> memref<1x128xi32, #tpu.memory_space<vmem>>
        %dma_start3A_40 = tpu.memref_squeeze %dma_start3A_39 : memref<1x128xi32, #tpu.memory_space<vmem>> -> memref<128xi32, #tpu.memory_space<vmem>>
        %dma_start3A_41 = arith.constant 0 : i32
        %dma_start3A_42 = arith.constant 0 : i32
        %dma_start3A_43 = tpu.memref_slice %arg10[%dma_start3A_41, %dma_start3A_42] : memref<10240x128xf32, #tpu.memory_space<vmem_shared>> -> memref<10240x128xf32, #tpu.memory_space<vmem_shared>>
        tpu.enqueue_indirect_dma source(%arg8 : memref<128x128xf32, #tpu.memory_space<vmem>>) target(%dma_start3A_43 : memref<10240x128xf32, #tpu.memory_space<vmem_shared>>) offsets(%dma_start3A_40 : memref<128xi32, #tpu.memory_space<vmem>>) semaphore(%run_scoped3A_37 : memref<!tpu.dma_semaphore, #tpu.memory_space<semaphore_mem>>) {add = true}
        %dma_wait3A_44 = arith.constant 0 : i32
        %dma_wait3A_45 = tpu.memref_slice %arg6[%run_scoped3A, %dma_wait3A_44] : memref<2x128xi32, #tpu.memory_space<vmem>> -> memref<1x128xi32, #tpu.memory_space<vmem>>
        %dma_wait3A_46 = tpu.memref_squeeze %dma_wait3A_45 : memref<1x128xi32, #tpu.memory_space<vmem>> -> memref<128xi32, #tpu.memory_space<vmem>>
        %dma_wait3A_47 = arith.constant 0 : i32
        %dma_wait3A_48 = arith.constant 0 : i32
        %dma_wait3A_49 = tpu.memref_slice %arg10[%dma_wait3A_47, %dma_wait3A_48] : memref<10240x128xf32, #tpu.memory_space<vmem_shared>> -> memref<10240x128xf32, #tpu.memory_space<vmem_shared>>
        tpu.wait_indirect_dma semaphore(%run_scoped3A_37 : memref<!tpu.dma_semaphore, #tpu.memory_space<semaphore_mem>>) src(%arg8 : memref<128x128xf32, #tpu.memory_space<vmem>>) dst(%dma_wait3A_49 : memref<10240x128xf32, #tpu.memory_space<vmem_shared>>)
        tpu.yield
      }) : () -> ()
    }
    %scan3A_6 = arith.constant 80 : i32
    %barrier3A_7 = arith.constant 0 : index
    tpu.barrier barrier_id(%barrier3A_7)
    %mul3A_8 = arith.constant 640 : i32
    %mul3A_9 = arith.muli %arg1, %mul3A_8 : i32
    %mul3A_10 = arith.constant 640 : i32
    %mul3A_11 = arith.muli %arg1, %mul3A_10 : i32
    "tpu.region"() ({
      %run_scoped3A = tpu.sem_alloc : memref<!tpu.dma_semaphore, #tpu.memory_space<semaphore_mem>>
      %dma_start3A = arith.constant 0 : i32
      %dma_start3A_12 = tpu.memref_slice %arg5[%arg0, %mul3A_11, %dma_start3A] : memref<2x10240x128xf32, #tpu.memory_space<hbm>> -> memref<1x640x128xf32, #tpu.memory_space<hbm>>
      %dma_start3A_13 = tpu.memref_squeeze %dma_start3A_12 : memref<1x640x128xf32, #tpu.memory_space<hbm>> -> memref<640x128xf32, #tpu.memory_space<hbm>>
      %dma_start3A_14 = arith.constant 0 : i32
      %dma_start3A_15 = tpu.memref_slice %arg10[%mul3A_9, %dma_start3A_14] : memref<10240x128xf32, #tpu.memory_space<vmem_shared>> -> memref<640x128xf32, #tpu.memory_space<vmem_shared>>
      tpu.enqueue_dma source(%dma_start3A_15 : memref<640x128xf32, #tpu.memory_space<vmem_shared>>) target(%dma_start3A_13 : memref<640x128xf32, #tpu.memory_space<hbm>>) target_semaphore(%run_scoped3A : memref<!tpu.dma_semaphore, #tpu.memory_space<semaphore_mem>>)
      %dma_wait3A = arith.constant 0 : i32
      %dma_wait3A_16 = tpu.memref_slice %arg5[%arg0, %mul3A_11, %dma_wait3A] : memref<2x10240x128xf32, #tpu.memory_space<hbm>> -> memref<1x640x128xf32, #tpu.memory_space<hbm>>
      %dma_wait3A_17 = tpu.memref_squeeze %dma_wait3A_16 : memref<1x640x128xf32, #tpu.memory_space<hbm>> -> memref<640x128xf32, #tpu.memory_space<hbm>>
      %dma_wait3A_18 = arith.constant 0 : i32
      %dma_wait3A_19 = tpu.memref_slice %arg10[%mul3A_9, %dma_wait3A_18] : memref<10240x128xf32, #tpu.memory_space<vmem_shared>> -> memref<640x128xf32, #tpu.memory_space<vmem_shared>>
      tpu.wait_dma2 semaphore(%run_scoped3A : memref<!tpu.dma_semaphore, #tpu.memory_space<semaphore_mem>>) src(%dma_wait3A_19 : memref<640x128xf32, #tpu.memory_space<vmem_shared>>) dst(%dma_wait3A_17 : memref<640x128xf32, #tpu.memory_space<hbm>>)
      tpu.yield
    }) : () -> ()
    return
  }
}

module attributes {stable_mosaic.version = 14 : i64} {
  func.func @body(%arg0: i32, %arg1: memref<1000x256xf32, #tpu.memory_space<vmem>>, %arg2: memref<256x256xf32, #tpu.memory_space<vmem>>, %arg3: memref<2x1000x16xf32, #tpu.memory_space<vmem>>, %arg4: memref<2x1000x128xf32, #tpu.memory_space<vmem>>, %arg5: memref<1000x256xf32, #tpu.memory_space<vmem>>, %arg6: memref<1000x1xf32, #tpu.memory_space<vmem>>) attributes {dimension_semantics = [#tpu.dimension_semantics<arbitrary>], iteration_bounds = array<i64: 10>, scalar_prefetch = 0 : i64, scratch_operands = 0 : i64, tpu.core_type = #tpu.core_type<tc>, window_params = [{transform_indices = @transform_0, window_bounds = array<i64: 1000, 256>}, {pipeline_mode = #tpu.pipeline_mode<synchronous>, transform_indices = @transform_1, window_bounds = array<i64: 256, 256>}, {transform_indices = @transform_2, window_bounds = array<i64: 2, 1000, 16>}, {transform_indices = @transform_3, window_bounds = array<i64: 2, 1000, 128>}, {transform_indices = @transform_4, window_bounds = array<i64: 1000, 256>}, {transform_indices = @transform_5, window_bounds = array<i64: 1000, 1>}]} {
    %get3A = arith.constant 0 : index
    %get3A_0 = arith.constant 0 : index
    %get3A_1 = arith.constant 0 : index
    %get3A_2 = vector.load %arg3[%get3A, %get3A_0, %get3A_1] : memref<2x1000x16xf32, #tpu.memory_space<vmem>>, vector<1x1000x1xf32>
    %get3A_3 = vector.shape_cast %get3A_2 : vector<1x1000x1xf32> to vector<1000x1xf32>
    %get3A_4 = arith.constant 1 : index
    %get3A_5 = arith.constant 0 : index
    %get3A_6 = arith.constant 0 : index
    %get3A_7 = vector.load %arg3[%get3A_4, %get3A_5, %get3A_6] : memref<2x1000x16xf32, #tpu.memory_space<vmem>>, vector<1x1000x1xf32>
    %get3A_8 = vector.shape_cast %get3A_7 : vector<1x1000x1xf32> to vector<1000x1xf32>
    %add3A = arith.addf %get3A_3, %get3A_8 : vector<1000x1xf32>
    %add3A_9 = arith.constant 1.000000e+00 : f32
    %add3A_10 = vector.broadcast %add3A_9 : f32 to vector<1000x1xf32>
    %add3A_11 = arith.addf %add3A, %add3A_10 : vector<1000x1xf32>
    %rsqrt3A = math.rsqrt %add3A_11 : vector<1000x1xf32>
    %get3A_12 = arith.constant 0 : index
    %get3A_13 = arith.constant 0 : index
    %get3A_14 = vector.load %arg1[%get3A_12, %get3A_13] : memref<1000x256xf32, #tpu.memory_space<vmem>>, vector<1000x256xf32>
    %get3A_15 = arith.constant 0 : index
    %get3A_16 = arith.constant 0 : index
    %get3A_17 = vector.load %arg2[%get3A_15, %get3A_16] : memref<256x256xf32, #tpu.memory_space<vmem>>, vector<256x256xf32>
    %dot_general3A = arith.constant dense<0.000000e+00> : vector<1000x256xf32>
    %dot_general3A_18 = tpu.matmul %get3A_14, %get3A_17, %dot_general3A {dimension_numbers = #tpu.dot_dimension_numbers<[1], [0], [0], [1], [0, 0, 1, 1], [], []>, transpose_lhs_hint = false} : vector<1000x256xf32>, vector<256x256xf32>, vector<1000x256xf32> -> vector<1000x256xf32>
    %mul3A = vector.broadcast %rsqrt3A : vector<1000x1xf32> to vector<1000x256xf32>
    %mul3A_19 = arith.mulf %dot_general3A_18, %mul3A : vector<1000x256xf32>
    %slice3A = vector.extract_strided_slice %mul3A_19 {offsets = [0, 0], sizes = [1000, 128], strides = [1, 1]} : vector<1000x256xf32> to vector<1000x128xf32>
    %swap3A = arith.constant 0 : index
    %swap3A_20 = arith.constant 0 : index
    %swap3A_21 = arith.constant 0 : index
    %swap3A_22 = vector.load %arg4[%swap3A, %swap3A_20, %swap3A_21] : memref<2x1000x128xf32, #tpu.memory_space<vmem>>, vector<1x1000x128xf32>
    %swap3A_23 = vector.shape_cast %swap3A_22 : vector<1x1000x128xf32> to vector<1000x128xf32>
    %swap3A_24 = vector.shape_cast %slice3A : vector<1000x128xf32> to vector<1x1000x128xf32>
    tpu.vector_store %arg4[%swap3A, %swap3A_20, %swap3A_21], %swap3A_24 {strides = array<i32>} : memref<2x1000x128xf32, #tpu.memory_space<vmem>>, vector<1x1000x128xf32>,
    %slice3A_25 = vector.extract_strided_slice %mul3A_19 {offsets = [0, 128], sizes = [1000, 128], strides = [1, 1]} : vector<1000x256xf32> to vector<1000x128xf32>
    %swap3A_26 = arith.constant 1 : index
    %swap3A_27 = arith.constant 0 : index
    %swap3A_28 = arith.constant 0 : index
    %swap3A_29 = vector.load %arg4[%swap3A_26, %swap3A_27, %swap3A_28] : memref<2x1000x128xf32, #tpu.memory_space<vmem>>, vector<1x1000x128xf32>
    %swap3A_30 = vector.shape_cast %swap3A_29 : vector<1x1000x128xf32> to vector<1000x128xf32>
    %swap3A_31 = vector.shape_cast %slice3A_25 : vector<1000x128xf32> to vector<1x1000x128xf32>
    tpu.vector_store %arg4[%swap3A_26, %swap3A_27, %swap3A_28], %swap3A_31 {strides = array<i32>} : memref<2x1000x128xf32, #tpu.memory_space<vmem>>, vector<1x1000x128xf32>,
    %swap3A_32 = arith.constant 0 : index
    %swap3A_33 = arith.constant 0 : index
    %swap3A_34 = vector.load %arg5[%swap3A_32, %swap3A_33] : memref<1000x256xf32, #tpu.memory_space<vmem>>, vector<1000x256xf32>
    tpu.vector_store %arg5[%swap3A_32, %swap3A_33], %dot_general3A_18 {strides = array<i32>} : memref<1000x256xf32, #tpu.memory_space<vmem>>, vector<1000x256xf32>,
    %swap3A_35 = arith.constant 0 : index
    %swap3A_36 = arith.constant 0 : index
    %swap3A_37 = vector.load %arg6[%swap3A_35, %swap3A_36] : memref<1000x1xf32, #tpu.memory_space<vmem>>, vector<1000x1xf32>
    tpu.vector_store %arg6[%swap3A_35, %swap3A_36], %rsqrt3A {strides = array<i32>} : memref<1000x1xf32, #tpu.memory_space<vmem>>, vector<1000x1xf32>,
    return
  }
  func.func @transform_0(%arg0: i32) -> (i32, i32) {
    %c0_i32 = arith.constant 0 : i32
    %c0_i32_0 = arith.constant 0 : i32
    return %arg0, %c0_i32 : i32, i32
  }
  func.func @transform_1(%arg0: i32) -> (i32, i32) {
    %c0_i32 = arith.constant 0 : i32
    %c0_i32_0 = arith.constant 0 : i32
    %c0_i32_1 = arith.constant 0 : i32
    return %c0_i32, %c0_i32_0 : i32, i32
  }
  func.func @transform_2(%arg0: i32) -> (i32, i32, i32) {
    %c0_i32 = arith.constant 0 : i32
    %c0_i32_0 = arith.constant 0 : i32
    %c0_i32_1 = arith.constant 0 : i32
    return %c0_i32, %arg0, %c0_i32_0 : i32, i32, i32
  }
  func.func @transform_3(%arg0: i32) -> (i32, i32, i32) {
    %c0_i32 = arith.constant 0 : i32
    %c0_i32_0 = arith.constant 0 : i32
    %c0_i32_1 = arith.constant 0 : i32
    return %c0_i32, %arg0, %c0_i32_0 : i32, i32, i32
  }
  func.func @transform_4(%arg0: i32) -> (i32, i32) {
    %c0_i32 = arith.constant 0 : i32
    %c0_i32_0 = arith.constant 0 : i32
    return %arg0, %c0_i32 : i32, i32
  }
  func.func @transform_5(%arg0: i32) -> (i32, i32) {
    %c0_i32 = arith.constant 0 : i32
    %c0_i32_0 = arith.constant 0 : i32
    return %arg0, %c0_i32 : i32, i32
  }
}

module attributes {stable_mosaic.version = 14 : i64} {
  func.func @body(%arg0: memref<256x256xf32, #tpu.memory_space<vmem>>, %arg1: memref<256x256xf32, #tpu.memory_space<vmem>>, %arg2: memref<256x256xf32, #tpu.memory_space<vmem>>, %arg3: memref<256x256xf32, #tpu.memory_space<vmem>>, %arg4: memref<256x256xf32, #tpu.memory_space<vmem>>, %arg5: memref<8x256xf32, #tpu.memory_space<vmem>>, %arg6: memref<8x256xf32, #tpu.memory_space<vmem>>, %arg7: memref<256x256xf32, #tpu.memory_space<vmem>>, %arg8: memref<256x256xf32, #tpu.memory_space<vmem>>, %arg9: memref<256x256xf32, #tpu.memory_space<vmem>>, %arg10: memref<8x256xf32, #tpu.memory_space<vmem>>, %arg11: memref<8x256xf32, #tpu.memory_space<vmem>>, %arg12: memref<8x256xf32, #tpu.memory_space<vmem>>) attributes {dimension_semantics = [], scalar_prefetch = 0 : i64, scratch_operands = 0 : i64, tpu.core_type = #tpu.core_type<tc>} {
    %get3A = arith.constant 0 : index
    %get3A_0 = arith.constant 0 : index
    %get3A_1 = vector.load %arg0[%get3A, %get3A_0] : memref<256x256xf32, #tpu.memory_space<vmem>>, vector<256x256xf32>
    %get3A_2 = arith.constant 0 : index
    %get3A_3 = arith.constant 0 : index
    %get3A_4 = vector.load %arg2[%get3A_2, %get3A_3] : memref<256x256xf32, #tpu.memory_space<vmem>>, vector<256x256xf32>
    %dot_general3A = arith.constant dense<0.000000e+00> : vector<256x256xf32>
    %dot_general3A_5 = tpu.matmul %get3A_1, %get3A_4, %dot_general3A {dimension_numbers = #tpu.dot_dimension_numbers<[1], [0], [0], [1], [0, 0, 1, 1], [], []>, transpose_lhs_hint = false} : vector<256x256xf32>, vector<256x256xf32>, vector<256x256xf32> -> vector<256x256xf32>
    %swap3A = arith.constant 0 : index
    %swap3A_6 = arith.constant 0 : index
    %swap3A_7 = vector.load %arg7[%swap3A, %swap3A_6] : memref<256x256xf32, #tpu.memory_space<vmem>>, vector<256x256xf32>
    tpu.vector_store %arg7[%swap3A, %swap3A_6], %dot_general3A_5 {strides = array<i32>} : memref<256x256xf32, #tpu.memory_space<vmem>>, vector<256x256xf32>,
    %get3A_8 = arith.constant 0 : index
    %get3A_9 = arith.constant 0 : index
    %get3A_10 = vector.load %arg1[%get3A_8, %get3A_9] : memref<256x256xf32, #tpu.memory_space<vmem>>, vector<256x256xf32>
    %dot_general3A_11 = arith.constant dense<0.000000e+00> : vector<256x256xf32>
    %dot_general3A_12 = tpu.matmul %get3A_1, %get3A_10, %dot_general3A_11 {dimension_numbers = #tpu.dot_dimension_numbers<[1], [0], [0], [1], [0, 0, 1, 1], [], []>, transpose_lhs_hint = false} : vector<256x256xf32>, vector<256x256xf32>, vector<256x256xf32> -> vector<256x256xf32>
    %get3A_13 = arith.constant 0 : index
    %get3A_14 = arith.constant 0 : index
    %get3A_15 = vector.load %arg3[%get3A_13, %get3A_14] : memref<256x256xf32, #tpu.memory_space<vmem>>, vector<256x256xf32>
    %dot_general3A_16 = arith.constant dense<0.000000e+00> : vector<256x256xf32>
    %dot_general3A_17 = tpu.matmul %dot_general3A_12, %get3A_15, %dot_general3A_16 {dimension_numbers = #tpu.dot_dimension_numbers<[1], [0], [0], [1], [0, 0, 1, 1], [], []>, transpose_lhs_hint = false} : vector<256x256xf32>, vector<256x256xf32>, vector<256x256xf32> -> vector<256x256xf32>
    %swap3A_18 = arith.constant 0 : index
    %swap3A_19 = arith.constant 0 : index
    %swap3A_20 = vector.load %arg8[%swap3A_18, %swap3A_19] : memref<256x256xf32, #tpu.memory_space<vmem>>, vector<256x256xf32>
    tpu.vector_store %arg8[%swap3A_18, %swap3A_19], %dot_general3A_17 {strides = array<i32>} : memref<256x256xf32, #tpu.memory_space<vmem>>, vector<256x256xf32>,
    %get3A_21 = arith.constant 0 : index
    %get3A_22 = arith.constant 0 : index
    %get3A_23 = vector.load %arg4[%get3A_21, %get3A_22] : memref<256x256xf32, #tpu.memory_space<vmem>>, vector<256x256xf32>
    %dot_general3A_24 = arith.constant dense<0.000000e+00> : vector<256x256xf32>
    %dot_general3A_25 = tpu.matmul %get3A_1, %get3A_23, %dot_general3A_24 {dimension_numbers = #tpu.dot_dimension_numbers<[1], [0], [0], [1], [0, 0, 1, 1], [], []>, transpose_lhs_hint = false} : vector<256x256xf32>, vector<256x256xf32>, vector<256x256xf32> -> vector<256x256xf32>
    %swap3A_26 = arith.constant 0 : index
    %swap3A_27 = arith.constant 0 : index
    %swap3A_28 = vector.load %arg9[%swap3A_26, %swap3A_27] : memref<256x256xf32, #tpu.memory_space<vmem>>, vector<256x256xf32>
    tpu.vector_store %arg9[%swap3A_26, %swap3A_27], %dot_general3A_25 {strides = array<i32>} : memref<256x256xf32, #tpu.memory_space<vmem>>, vector<256x256xf32>,
    %get3A_29 = arith.constant 0 : index
    %get3A_30 = arith.constant 0 : index
    %get3A_31 = vector.load %arg5[%get3A_29, %get3A_30] : memref<8x256xf32, #tpu.memory_space<vmem>>, vector<8x256xf32>
    %get3A_32 = arith.constant 0 : index
    %get3A_33 = arith.constant 0 : index
    %get3A_34 = vector.load %arg2[%get3A_32, %get3A_33] : memref<256x256xf32, #tpu.memory_space<vmem>>, vector<256x256xf32>
    %dot_general3A_35 = arith.constant dense<0.000000e+00> : vector<8x256xf32>
    %dot_general3A_36 = tpu.matmul %get3A_31, %get3A_34, %dot_general3A_35 {dimension_numbers = #tpu.dot_dimension_numbers<[1], [0], [0], [1], [0, 0, 1, 1], [], []>, transpose_lhs_hint = false} : vector<8x256xf32>, vector<256x256xf32>, vector<8x256xf32> -> vector<8x256xf32>
    %swap3A_37 = arith.constant 0 : index
    %swap3A_38 = arith.constant 0 : index
    %swap3A_39 = vector.load %arg10[%swap3A_37, %swap3A_38] : memref<8x256xf32, #tpu.memory_space<vmem>>, vector<8x256xf32>
    tpu.vector_store %arg10[%swap3A_37, %swap3A_38], %dot_general3A_36 {strides = array<i32>} : memref<8x256xf32, #tpu.memory_space<vmem>>, vector<8x256xf32>,
    %get3A_40 = arith.constant 0 : index
    %get3A_41 = arith.constant 0 : index
    %get3A_42 = vector.load %arg5[%get3A_40, %get3A_41] : memref<8x256xf32, #tpu.memory_space<vmem>>, vector<8x256xf32>
    %get3A_43 = arith.constant 0 : index
    %get3A_44 = arith.constant 0 : index
    %get3A_45 = vector.load %arg1[%get3A_43, %get3A_44] : memref<256x256xf32, #tpu.memory_space<vmem>>, vector<256x256xf32>
    %dot_general3A_46 = arith.constant dense<0.000000e+00> : vector<8x256xf32>
    %dot_general3A_47 = tpu.matmul %get3A_42, %get3A_45, %dot_general3A_46 {dimension_numbers = #tpu.dot_dimension_numbers<[1], [0], [0], [1], [0, 0, 1, 1], [], []>, transpose_lhs_hint = false} : vector<8x256xf32>, vector<256x256xf32>, vector<8x256xf32> -> vector<8x256xf32>
    %get3A_48 = arith.constant 0 : index
    %get3A_49 = arith.constant 0 : index
    %get3A_50 = vector.load %arg6[%get3A_48, %get3A_49] : memref<8x256xf32, #tpu.memory_space<vmem>>, vector<8x256xf32>
    %add3A = arith.addf %dot_general3A_47, %get3A_50 : vector<8x256xf32>
    %get3A_51 = arith.constant 0 : index
    %get3A_52 = arith.constant 0 : index
    %get3A_53 = vector.load %arg3[%get3A_51, %get3A_52] : memref<256x256xf32, #tpu.memory_space<vmem>>, vector<256x256xf32>
    %dot_general3A_54 = arith.constant dense<0.000000e+00> : vector<8x256xf32>
    %dot_general3A_55 = tpu.matmul %add3A, %get3A_53, %dot_general3A_54 {dimension_numbers = #tpu.dot_dimension_numbers<[1], [0], [0], [1], [0, 0, 1, 1], [], []>, transpose_lhs_hint = false} : vector<8x256xf32>, vector<256x256xf32>, vector<8x256xf32> -> vector<8x256xf32>
    %swap3A_56 = arith.constant 0 : index
    %swap3A_57 = arith.constant 0 : index
    %swap3A_58 = vector.load %arg11[%swap3A_56, %swap3A_57] : memref<8x256xf32, #tpu.memory_space<vmem>>, vector<8x256xf32>
    tpu.vector_store %arg11[%swap3A_56, %swap3A_57], %dot_general3A_55 {strides = array<i32>} : memref<8x256xf32, #tpu.memory_space<vmem>>, vector<8x256xf32>,
    %get3A_59 = arith.constant 0 : index
    %get3A_60 = arith.constant 0 : index
    %get3A_61 = vector.load %arg5[%get3A_59, %get3A_60] : memref<8x256xf32, #tpu.memory_space<vmem>>, vector<8x256xf32>
    %get3A_62 = arith.constant 0 : index
    %get3A_63 = arith.constant 0 : index
    %get3A_64 = vector.load %arg4[%get3A_62, %get3A_63] : memref<256x256xf32, #tpu.memory_space<vmem>>, vector<256x256xf32>
    %dot_general3A_65 = arith.constant dense<0.000000e+00> : vector<8x256xf32>
    %dot_general3A_66 = tpu.matmul %get3A_61, %get3A_64, %dot_general3A_65 {dimension_numbers = #tpu.dot_dimension_numbers<[1], [0], [0], [1], [0, 0, 1, 1], [], []>, transpose_lhs_hint = false} : vector<8x256xf32>, vector<256x256xf32>, vector<8x256xf32> -> vector<8x256xf32>
    %swap3A_67 = arith.constant 0 : index
    %swap3A_68 = arith.constant 0 : index
    %swap3A_69 = vector.load %arg12[%swap3A_67, %swap3A_68] : memref<8x256xf32, #tpu.memory_space<vmem>>, vector<8x256xf32>
    tpu.vector_store %arg12[%swap3A_67, %swap3A_68], %dot_general3A_66 {strides = array<i32>} : memref<8x256xf32, #tpu.memory_space<vmem>>, vector<8x256xf32>,
    return
  }
}

module attributes {stable_mosaic.version = 14 : i64} {
  func.func @body(%arg0: i32, %arg1: memref<2x1000x128xf32, #tpu.memory_space<vmem>>, %arg2: memref<1000x256xf32, #tpu.memory_space<vmem>>, %arg3: memref<1000x1xf32, #tpu.memory_space<vmem>>, %arg4: memref<1x256xf32, #tpu.memory_space<vmem>>, %arg5: memref<256x256xf32, #tpu.memory_space<vmem>>, %arg6: memref<8x256xf32, #tpu.memory_space<vmem>>, %arg7: memref<2x1000x128xf32, #tpu.memory_space<vmem>>, %arg8: memref<1000x256xf32, #tpu.memory_space<vmem>>) attributes {dimension_semantics = [#tpu.dimension_semantics<arbitrary>], iteration_bounds = array<i64: 10>, scalar_prefetch = 0 : i64, scratch_operands = 0 : i64, tpu.core_type = #tpu.core_type<tc>, window_params = [{transform_indices = @transform_0, window_bounds = array<i64: 2, 1000, 128>}, {transform_indices = @transform_1, window_bounds = array<i64: 1000, 256>}, {transform_indices = @transform_2, window_bounds = array<i64: 1000, 1>}, {pipeline_mode = #tpu.pipeline_mode<synchronous>, transform_indices = @transform_3, window_bounds = array<i64: 1, 256>}, {pipeline_mode = #tpu.pipeline_mode<synchronous>, transform_indices = @transform_4, window_bounds = array<i64: 256, 256>}, {pipeline_mode = #tpu.pipeline_mode<synchronous>, transform_indices = @transform_5, window_bounds = array<i64: 8, 256>}, {transform_indices = @transform_6, window_bounds = array<i64: 2, 1000, 128>}, {transform_indices = @transform_7, window_bounds = array<i64: 1000, 256>}]} {
    %get3A = arith.constant 0 : index
    %get3A_0 = arith.constant 0 : index
    %get3A_1 = vector.load %arg3[%get3A, %get3A_0] : memref<1000x1xf32, #tpu.memory_space<vmem>>, vector<1000x1xf32>
    %get3A_2 = arith.constant 0 : index
    %get3A_3 = arith.constant 0 : index
    %get3A_4 = arith.constant 0 : index
    %get3A_5 = vector.load %arg1[%get3A_2, %get3A_3, %get3A_4] : memref<2x1000x128xf32, #tpu.memory_space<vmem>>, vector<1x1000x128xf32>
    %get3A_6 = vector.shape_cast %get3A_5 : vector<1x1000x128xf32> to vector<1000x128xf32>
    %get3A_7 = arith.constant 1 : index
    %get3A_8 = arith.constant 0 : index
    %get3A_9 = arith.constant 0 : index
    %get3A_10 = vector.load %arg1[%get3A_7, %get3A_8, %get3A_9] : memref<2x1000x128xf32, #tpu.memory_space<vmem>>, vector<1x1000x128xf32>
    %get3A_11 = vector.shape_cast %get3A_10 : vector<1x1000x128xf32> to vector<1000x128xf32>
    %concatenate3A = tpu.concatenate %get3A_6, %get3A_11 in 1 : vector<1000x128xf32>, vector<1000x128xf32> -> vector<1000x256xf32>
    %mul3A = vector.broadcast %get3A_1 : vector<1000x1xf32> to vector<1000x256xf32>
    %mul3A_12 = arith.mulf %mul3A, %concatenate3A : vector<1000x256xf32>
    %mul3A_13 = arith.mulf %get3A_1, %get3A_1 : vector<1000x1xf32>
    %get3A_14 = arith.constant 0 : index
    %get3A_15 = arith.constant 0 : index
    %get3A_16 = vector.load %arg2[%get3A_14, %get3A_15] : memref<1000x256xf32, #tpu.memory_space<vmem>>, vector<1000x256xf32>
    %mul3A_17 = vector.broadcast %mul3A_13 : vector<1000x1xf32> to vector<1000x256xf32>
    %mul3A_18 = arith.mulf %mul3A_17, %get3A_16 : vector<1000x256xf32>
    %add3A = arith.addf %mul3A_12, %mul3A_18 : vector<1000x256xf32>
    %get3A_19 = arith.constant 0 : index
    %get3A_20 = arith.constant 0 : index
    %get3A_21 = vector.load %arg4[%get3A_19, %get3A_20] : memref<1x256xf32, #tpu.memory_space<vmem>>, vector<1x256xf32>
    %add3A_22 = vector.broadcast %get3A_21 : vector<1x256xf32> to vector<1000x256xf32>
    %add3A_23 = arith.addf %add3A, %add3A_22 : vector<1000x256xf32>
    %max3A = arith.constant 0.000000e+00 : f32
    %max3A_24 = vector.broadcast %max3A : f32 to vector<1000x256xf32>
    %max3A_25 = arith.maximumf %add3A_23, %max3A_24 : vector<1000x256xf32>
    %get3A_26 = arith.constant 0 : index
    %get3A_27 = arith.constant 0 : index
    %get3A_28 = vector.load %arg5[%get3A_26, %get3A_27] : memref<256x256xf32, #tpu.memory_space<vmem>>, vector<256x256xf32>
    %dot_general3A = arith.constant dense<0.000000e+00> : vector<1000x256xf32>
    %dot_general3A_29 = tpu.matmul %max3A_25, %get3A_28, %dot_general3A {dimension_numbers = #tpu.dot_dimension_numbers<[1], [0], [0], [1], [0, 0, 1, 1], [], []>, transpose_lhs_hint = false} : vector<1000x256xf32>, vector<256x256xf32>, vector<1000x256xf32> -> vector<1000x256xf32>
    %get3A_30 = arith.constant 0 : index
    %get3A_31 = arith.constant 0 : index
    %get3A_32 = vector.load %arg6[%get3A_30, %get3A_31] : memref<8x256xf32, #tpu.memory_space<vmem>>, vector<1x256xf32>
    %add3A_33 = vector.broadcast %get3A_32 : vector<1x256xf32> to vector<1000x256xf32>
    %add3A_34 = arith.addf %dot_general3A_29, %add3A_33 : vector<1000x256xf32>
    %mul3A_35 = vector.broadcast %get3A_1 : vector<1000x1xf32> to vector<1000x256xf32>
    %mul3A_36 = arith.mulf %add3A_34, %mul3A_35 : vector<1000x256xf32>
    %slice3A = vector.extract_strided_slice %mul3A_36 {offsets = [0, 0], sizes = [1000, 128], strides = [1, 1]} : vector<1000x256xf32> to vector<1000x128xf32>
    %swap3A = arith.constant 0 : index
    %swap3A_37 = arith.constant 0 : index
    %swap3A_38 = arith.constant 0 : index
    %swap3A_39 = vector.load %arg7[%swap3A, %swap3A_37, %swap3A_38] : memref<2x1000x128xf32, #tpu.memory_space<vmem>>, vector<1x1000x128xf32>
    %swap3A_40 = vector.shape_cast %swap3A_39 : vector<1x1000x128xf32> to vector<1000x128xf32>
    %swap3A_41 = vector.shape_cast %slice3A : vector<1000x128xf32> to vector<1x1000x128xf32>
    tpu.vector_store %arg7[%swap3A, %swap3A_37, %swap3A_38], %swap3A_41 {strides = array<i32>} : memref<2x1000x128xf32, #tpu.memory_space<vmem>>, vector<1x1000x128xf32>,
    %slice3A_42 = vector.extract_strided_slice %mul3A_36 {offsets = [0, 128], sizes = [1000, 128], strides = [1, 1]} : vector<1000x256xf32> to vector<1000x128xf32>
    %swap3A_43 = arith.constant 1 : index
    %swap3A_44 = arith.constant 0 : index
    %swap3A_45 = arith.constant 0 : index
    %swap3A_46 = vector.load %arg7[%swap3A_43, %swap3A_44, %swap3A_45] : memref<2x1000x128xf32, #tpu.memory_space<vmem>>, vector<1x1000x128xf32>
    %swap3A_47 = vector.shape_cast %swap3A_46 : vector<1x1000x128xf32> to vector<1000x128xf32>
    %swap3A_48 = vector.shape_cast %slice3A_42 : vector<1000x128xf32> to vector<1x1000x128xf32>
    tpu.vector_store %arg7[%swap3A_43, %swap3A_44, %swap3A_45], %swap3A_48 {strides = array<i32>} : memref<2x1000x128xf32, #tpu.memory_space<vmem>>, vector<1x1000x128xf32>,
    %swap3A_49 = arith.constant 0 : index
    %swap3A_50 = arith.constant 0 : index
    %swap3A_51 = vector.load %arg8[%swap3A_49, %swap3A_50] : memref<1000x256xf32, #tpu.memory_space<vmem>>, vector<1000x256xf32>
    tpu.vector_store %arg8[%swap3A_49, %swap3A_50], %add3A_34 {strides = array<i32>} : memref<1000x256xf32, #tpu.memory_space<vmem>>, vector<1000x256xf32>,
    return
  }
  func.func @transform_0(%arg0: i32) -> (i32, i32, i32) {
    %c0_i32 = arith.constant 0 : i32
    %c0_i32_0 = arith.constant 0 : i32
    %c0_i32_1 = arith.constant 0 : i32
    return %c0_i32, %arg0, %c0_i32_0 : i32, i32, i32
  }
  func.func @transform_1(%arg0: i32) -> (i32, i32) {
    %c0_i32 = arith.constant 0 : i32
    %c0_i32_0 = arith.constant 0 : i32
    return %arg0, %c0_i32 : i32, i32
  }
  func.func @transform_2(%arg0: i32) -> (i32, i32) {
    %c0_i32 = arith.constant 0 : i32
    %c0_i32_0 = arith.constant 0 : i32
    return %arg0, %c0_i32 : i32, i32
  }
  func.func @transform_3(%arg0: i32) -> (i32, i32) {
    %c0_i32 = arith.constant 0 : i32
    %c0_i32_0 = arith.constant 0 : i32
    %c0_i32_1 = arith.constant 0 : i32
    return %c0_i32, %c0_i32_0 : i32, i32
  }
  func.func @transform_4(%arg0: i32) -> (i32, i32) {
    %c0_i32 = arith.constant 0 : i32
    %c0_i32_0 = arith.constant 0 : i32
    %c0_i32_1 = arith.constant 0 : i32
    return %c0_i32, %c0_i32_0 : i32, i32
  }
  func.func @transform_5(%arg0: i32) -> (i32, i32) {
    %c0_i32 = arith.constant 0 : i32
    %c0_i32_0 = arith.constant 0 : i32
    %c0_i32_1 = arith.constant 0 : i32
    return %c0_i32, %c0_i32_0 : i32, i32
  }
  func.func @transform_6(%arg0: i32) -> (i32, i32, i32) {
    %c0_i32 = arith.constant 0 : i32
    %c0_i32_0 = arith.constant 0 : i32
    %c0_i32_1 = arith.constant 0 : i32
    return %c0_i32, %arg0, %c0_i32_0 : i32, i32, i32
  }
  func.func @transform_7(%arg0: i32) -> (i32, i32) {
    %c0_i32 = arith.constant 0 : i32
    %c0_i32_0 = arith.constant 0 : i32
    return %arg0, %c0_i32 : i32, i32
  }
}

module attributes {stable_mosaic.version = 14 : i64} {
  func.func @body(%arg0: i32, %arg1: memref<2x1000x128xf32, #tpu.memory_space<vmem>>, %arg2: memref<1000x256xf32, #tpu.memory_space<vmem>>, %arg3: memref<1000x1xf32, #tpu.memory_space<vmem>>, %arg4: memref<1x256xf32, #tpu.memory_space<vmem>>, %arg5: memref<256x256xf32, #tpu.memory_space<vmem>>, %arg6: memref<1x256xf32, #tpu.memory_space<vmem>>, %arg7: memref<1000x1xi32, #tpu.memory_space<vmem>>, %arg8: memref<256x4xf32, #tpu.memory_space<vmem>>, %arg9: memref<1x4xf32, #tpu.memory_space<vmem>>, %arg10: memref<64x4xf32, #tpu.memory_space<vmem>>, %arg11: memref<64x256xf32, #tpu.memory_space<vmem>>, %arg12: memref<64x1xf32, #tpu.memory_space<vmem>>) attributes {dimension_semantics = [#tpu.dimension_semantics<arbitrary>], iteration_bounds = array<i64: 10>, scalar_prefetch = 0 : i64, scratch_operands = 2 : i64, tpu.core_type = #tpu.core_type<tc>, window_params = [{transform_indices = @transform_0, window_bounds = array<i64: 2, 1000, 128>}, {transform_indices = @transform_1, window_bounds = array<i64: 1000, 256>}, {transform_indices = @transform_2, window_bounds = array<i64: 1000, 1>}, {pipeline_mode = #tpu.pipeline_mode<synchronous>, transform_indices = @transform_3, window_bounds = array<i64: 1, 256>}, {pipeline_mode = #tpu.pipeline_mode<synchronous>, transform_indices = @transform_4, window_bounds = array<i64: 256, 256>}, {pipeline_mode = #tpu.pipeline_mode<synchronous>, transform_indices = @transform_5, window_bounds = array<i64: 1, 256>}, {transform_indices = @transform_6, window_bounds = array<i64: 1000, 1>}, {pipeline_mode = #tpu.pipeline_mode<synchronous>, transform_indices = @transform_7, window_bounds = array<i64: 256, 4>}, {pipeline_mode = #tpu.pipeline_mode<synchronous>, transform_indices = @transform_8, window_bounds = array<i64: 1, 4>}, {pipeline_mode = #tpu.pipeline_mode<synchronous>, transform_indices = @transform_9, window_bounds = array<i64: 64, 4>}]} {
    %get3A = arith.constant 0 : index
    %get3A_0 = arith.constant 0 : index
    %get3A_1 = vector.load %arg3[%get3A, %get3A_0] : memref<1000x1xf32, #tpu.memory_space<vmem>>, vector<1000x1xf32>
    %get3A_2 = arith.constant 0 : index
    %get3A_3 = arith.constant 0 : index
    %get3A_4 = arith.constant 0 : index
    %get3A_5 = vector.load %arg1[%get3A_2, %get3A_3, %get3A_4] : memref<2x1000x128xf32, #tpu.memory_space<vmem>>, vector<1x1000x128xf32>
    %get3A_6 = vector.shape_cast %get3A_5 : vector<1x1000x128xf32> to vector<1000x128xf32>
    %get3A_7 = arith.constant 1 : index
    %get3A_8 = arith.constant 0 : index
    %get3A_9 = arith.constant 0 : index
    %get3A_10 = vector.load %arg1[%get3A_7, %get3A_8, %get3A_9] : memref<2x1000x128xf32, #tpu.memory_space<vmem>>, vector<1x1000x128xf32>
    %get3A_11 = vector.shape_cast %get3A_10 : vector<1x1000x128xf32> to vector<1000x128xf32>
    %concatenate3A = tpu.concatenate %get3A_6, %get3A_11 in 1 : vector<1000x128xf32>, vector<1000x128xf32> -> vector<1000x256xf32>
    %mul3A = vector.broadcast %get3A_1 : vector<1000x1xf32> to vector<1000x256xf32>
    %mul3A_12 = arith.mulf %mul3A, %concatenate3A : vector<1000x256xf32>
    %mul3A_13 = arith.mulf %get3A_1, %get3A_1 : vector<1000x1xf32>
    %get3A_14 = arith.constant 0 : index
    %get3A_15 = arith.constant 0 : index
    %get3A_16 = vector.load %arg2[%get3A_14, %get3A_15] : memref<1000x256xf32, #tpu.memory_space<vmem>>, vector<1000x256xf32>
    %mul3A_17 = vector.broadcast %mul3A_13 : vector<1000x1xf32> to vector<1000x256xf32>
    %mul3A_18 = arith.mulf %mul3A_17, %get3A_16 : vector<1000x256xf32>
    %add3A = arith.addf %mul3A_12, %mul3A_18 : vector<1000x256xf32>
    %get3A_19 = arith.constant 0 : index
    %get3A_20 = arith.constant 0 : index
    %get3A_21 = vector.load %arg4[%get3A_19, %get3A_20] : memref<1x256xf32, #tpu.memory_space<vmem>>, vector<1x256xf32>
    %add3A_22 = vector.broadcast %get3A_21 : vector<1x256xf32> to vector<1000x256xf32>
    %add3A_23 = arith.addf %add3A, %add3A_22 : vector<1000x256xf32>
    %get3A_24 = arith.constant 0 : index
    %get3A_25 = arith.constant 0 : index
    %get3A_26 = vector.load %arg5[%get3A_24, %get3A_25] : memref<256x256xf32, #tpu.memory_space<vmem>>, vector<256x256xf32>
    %dot_general3A = arith.constant dense<0.000000e+00> : vector<1000x256xf32>
    %dot_general3A_27 = tpu.matmul %add3A_23, %get3A_26, %dot_general3A {dimension_numbers = #tpu.dot_dimension_numbers<[1], [0], [0], [1], [0, 0, 1, 1], [], []>, transpose_lhs_hint = false} : vector<1000x256xf32>, vector<256x256xf32>, vector<1000x256xf32> -> vector<1000x256xf32>
    %get3A_28 = arith.constant 0 : index
    %get3A_29 = arith.constant 0 : index
    %get3A_30 = vector.load %arg6[%get3A_28, %get3A_29] : memref<1x256xf32, #tpu.memory_space<vmem>>, vector<1x256xf32>
    %add3A_31 = vector.broadcast %get3A_30 : vector<1x256xf32> to vector<1000x256xf32>
    %add3A_32 = arith.addf %dot_general3A_27, %add3A_31 : vector<1000x256xf32>
    %max3A = arith.constant 0.000000e+00 : f32
    %max3A_33 = vector.broadcast %max3A : f32 to vector<1000x256xf32>
    %max3A_34 = arith.maximumf %add3A_32, %max3A_33 : vector<1000x256xf32>
    %get3A_35 = arith.constant 0 : index
    %get3A_36 = arith.constant 0 : index
    %get3A_37 = vector.load %arg7[%get3A_35, %get3A_36] : memref<1000x1xi32, #tpu.memory_space<vmem>>, vector<1000x1xi32>
    %iota3A = tpu.iota {dimensions = array<i32: 1>} : vector<1000x64xi32>
    %eq3A = vector.broadcast %get3A_37 : vector<1000x1xi32> to vector<1000x64xi32>
    %eq3A_38 = arith.cmpi eq, %eq3A, %iota3A : vector<1000x64xi32>
    %convert_element_type3A = arith.extui %eq3A_38 : vector<1000x64xi1> to vector<1000x64xi32>
    %convert_element_type3A_39 = arith.sitofp %convert_element_type3A : vector<1000x64xi32> to vector<1000x64xf32>
    %dot_general3A_40 = arith.constant dense<0.000000e+00> : vector<64x256xf32>
    %dot_general3A_41 = tpu.matmul %convert_element_type3A_39, %max3A_34, %dot_general3A_40 {dimension_numbers = #tpu.dot_dimension_numbers<[0], [0], [1], [1], [0, 1, 1, 1], [], []>, transpose_lhs_hint = false} : vector<1000x64xf32>, vector<1000x256xf32>, vector<64x256xf32> -> vector<64x256xf32>
    %broadcast_in_dim3A = arith.constant 1.000000e+00 : f32
    %broadcast_in_dim3A_42 = vector.broadcast %broadcast_in_dim3A : f32 to vector<1000x1xf32>
    %dot_general3A_43 = arith.constant dense<0.000000e+00> : vector<64x1xf32>
    %dot_general3A_44 = tpu.matmul %convert_element_type3A_39, %broadcast_in_dim3A_42, %dot_general3A_43 {dimension_numbers = #tpu.dot_dimension_numbers<[0], [0], [1], [1], [0, 1, 1, 1], [], []>, transpose_lhs_hint = false} : vector<1000x64xf32>, vector<1000x1xf32>, vector<64x1xf32> -> vector<64x1xf32>
    %eq3A_45 = arith.constant 0 : i32
    %eq3A_46 = arith.cmpi eq, %arg0, %eq3A_45 : i32
    %convert_element_type3A_47 = arith.extui %eq3A_46 : i1 to i32
    %cond3A = arith.constant 0 : i32
    %cond3A_48 = arith.cmpi ne, %convert_element_type3A_47, %cond3A : i32
    scf.if %cond3A_48 {
      %swap3A_75 = arith.constant 0 : index
      %swap3A_76 = arith.constant 0 : index
      %swap3A_77 = vector.load %arg11[%swap3A_75, %swap3A_76] : memref<64x256xf32, #tpu.memory_space<vmem>>, vector<64x256xf32>
      tpu.vector_store %arg11[%swap3A_75, %swap3A_76], %dot_general3A_41 {strides = array<i32>} : memref<64x256xf32, #tpu.memory_space<vmem>>, vector<64x256xf32>,
      %swap3A_78 = arith.constant 0 : index
      %swap3A_79 = arith.constant 0 : index
      %swap3A_80 = vector.load %arg12[%swap3A_78, %swap3A_79] : memref<64x1xf32, #tpu.memory_space<vmem>>, vector<64x1xf32>
      tpu.vector_store %arg12[%swap3A_78, %swap3A_79], %dot_general3A_44 {strides = array<i32>} : memref<64x1xf32, #tpu.memory_space<vmem>>, vector<64x1xf32>,
    } else {
    }
    %gt3A = arith.constant 0 : i32
    %gt3A_49 = arith.cmpi sgt, %arg0, %gt3A : i32
    %convert_element_type3A_50 = arith.extui %gt3A_49 : i1 to i32
    %cond3A_51 = arith.constant 0 : i32
    %cond3A_52 = arith.cmpi ne, %convert_element_type3A_50, %cond3A_51 : i32
    scf.if %cond3A_52 {
      %get3A_75 = arith.constant 0 : index
      %get3A_76 = arith.constant 0 : index
      %get3A_77 = vector.load %arg11[%get3A_75, %get3A_76] : memref<64x256xf32, #tpu.memory_space<vmem>>, vector<64x256xf32>
      %add3A_78 = arith.addf %get3A_77, %dot_general3A_41 : vector<64x256xf32>
      %swap3A_79 = arith.constant 0 : index
      %swap3A_80 = arith.constant 0 : index
      %swap3A_81 = vector.load %arg11[%swap3A_79, %swap3A_80] : memref<64x256xf32, #tpu.memory_space<vmem>>, vector<64x256xf32>
      tpu.vector_store %arg11[%swap3A_79, %swap3A_80], %add3A_78 {strides = array<i32>} : memref<64x256xf32, #tpu.memory_space<vmem>>, vector<64x256xf32>,
      %get3A_82 = arith.constant 0 : index
      %get3A_83 = arith.constant 0 : index
      %get3A_84 = vector.load %arg12[%get3A_82, %get3A_83] : memref<64x1xf32, #tpu.memory_space<vmem>>, vector<64x1xf32>
      %add3A_85 = arith.addf %get3A_84, %dot_general3A_44 : vector<64x1xf32>
      %swap3A_86 = arith.constant 0 : index
      %swap3A_87 = arith.constant 0 : index
      %swap3A_88 = vector.load %arg12[%swap3A_86, %swap3A_87] : memref<64x1xf32, #tpu.memory_space<vmem>>, vector<64x1xf32>
      tpu.vector_store %arg12[%swap3A_86, %swap3A_87], %add3A_85 {strides = array<i32>} : memref<64x1xf32, #tpu.memory_space<vmem>>, vector<64x1xf32>,
    } else {
    }
    %get3A_53 = arith.constant 0 : index
    %get3A_54 = arith.constant 0 : index
    %get3A_55 = vector.load %arg11[%get3A_53, %get3A_54] : memref<64x256xf32, #tpu.memory_space<vmem>>, vector<64x256xf32>
    %get3A_56 = arith.constant 0 : index
    %get3A_57 = arith.constant 0 : index
    %get3A_58 = vector.load %arg12[%get3A_56, %get3A_57] : memref<64x1xf32, #tpu.memory_space<vmem>>, vector<64x1xf32>
    %max3A_59 = arith.constant 1.000000e+00 : f32
    %max3A_60 = vector.broadcast %max3A_59 : f32 to vector<64x1xf32>
    %max3A_61 = arith.maximumf %get3A_58, %max3A_60 : vector<64x1xf32>
    %div3A = vector.broadcast %max3A_61 : vector<64x1xf32> to vector<64x256xf32>
    %div3A_62 = arith.divf %get3A_55, %div3A : vector<64x256xf32>
    %get3A_63 = arith.constant 0 : index
    %get3A_64 = arith.constant 0 : index
    %get3A_65 = vector.load %arg8[%get3A_63, %get3A_64] : memref<256x4xf32, #tpu.memory_space<vmem>>, vector<256x4xf32>
    %dot_general3A_66 = arith.constant dense<0.000000e+00> : vector<64x4xf32>
    %dot_general3A_67 = tpu.matmul %div3A_62, %get3A_65, %dot_general3A_66 {dimension_numbers = #tpu.dot_dimension_numbers<[1], [0], [0], [1], [0, 0, 1, 1], [], []>, transpose_lhs_hint = false} : vector<64x256xf32>, vector<256x4xf32>, vector<64x4xf32> -> vector<64x4xf32>
    %get3A_68 = arith.constant 0 : index
    %get3A_69 = arith.constant 0 : index
    %get3A_70 = vector.load %arg9[%get3A_68, %get3A_69] : memref<1x4xf32, #tpu.memory_space<vmem>>, vector<1x4xf32>
    %add3A_71 = vector.broadcast %get3A_70 : vector<1x4xf32> to vector<64x4xf32>
    %add3A_72 = arith.addf %dot_general3A_67, %add3A_71 : vector<64x4xf32>
    %swap3A = arith.constant 0 : index
    %swap3A_73 = arith.constant 0 : index
    %swap3A_74 = vector.load %arg10[%swap3A, %swap3A_73] : memref<64x4xf32, #tpu.memory_space<vmem>>, vector<64x4xf32>
    tpu.vector_store %arg10[%swap3A, %swap3A_73], %add3A_72 {strides = array<i32>} : memref<64x4xf32, #tpu.memory_space<vmem>>, vector<64x4xf32>,
    return
  }
  func.func @transform_0(%arg0: i32) -> (i32, i32, i32) {
    %c0_i32 = arith.constant 0 : i32
    %c0_i32_0 = arith.constant 0 : i32
    %c0_i32_1 = arith.constant 0 : i32
    return %c0_i32, %arg0, %c0_i32_0 : i32, i32, i32
  }
  func.func @transform_1(%arg0: i32) -> (i32, i32) {
    %c0_i32 = arith.constant 0 : i32
    %c0_i32_0 = arith.constant 0 : i32
    return %arg0, %c0_i32 : i32, i32
  }
  func.func @transform_2(%arg0: i32) -> (i32, i32) {
    %c0_i32 = arith.constant 0 : i32
    %c0_i32_0 = arith.constant 0 : i32
    return %arg0, %c0_i32 : i32, i32
  }
  func.func @transform_3(%arg0: i32) -> (i32, i32) {
    %c0_i32 = arith.constant 0 : i32
    %c0_i32_0 = arith.constant 0 : i32
    %c0_i32_1 = arith.constant 0 : i32
    return %c0_i32, %c0_i32_0 : i32, i32
  }
  func.func @transform_4(%arg0: i32) -> (i32, i32) {
    %c0_i32 = arith.constant 0 : i32
    %c0_i32_0 = arith.constant 0 : i32
    %c0_i32_1 = arith.constant 0 : i32
    return %c0_i32, %c0_i32_0 : i32, i32
  }
  func.func @transform_5(%arg0: i32) -> (i32, i32) {
    %c0_i32 = arith.constant 0 : i32
    %c0_i32_0 = arith.constant 0 : i32
    %c0_i32_1 = arith.constant 0 : i32
    return %c0_i32, %c0_i32_0 : i32, i32
  }
  func.func @transform_6(%arg0: i32) -> (i32, i32) {
    %c0_i32 = arith.constant 0 : i32
    %c0_i32_0 = arith.constant 0 : i32
    return %arg0, %c0_i32 : i32, i32
  }
  func.func @transform_7(%arg0: i32) -> (i32, i32) {
    %c0_i32 = arith.constant 0 : i32
    %c0_i32_0 = arith.constant 0 : i32
    %c0_i32_1 = arith.constant 0 : i32
    return %c0_i32, %c0_i32_0 : i32, i32
  }
  func.func @transform_8(%arg0: i32) -> (i32, i32) {
    %c0_i32 = arith.constant 0 : i32
    %c0_i32_0 = arith.constant 0 : i32
    %c0_i32_1 = arith.constant 0 : i32
    return %c0_i32, %c0_i32_0 : i32, i32
  }
  func.func @transform_9(%arg0: i32) -> (i32, i32) {
    %c0_i32 = arith.constant 0 : i32
    %c0_i32_0 = arith.constant 0 : i32
    %c0_i32_1 = arith.constant 0 : i32
    return %c0_i32, %c0_i32_0 : i32, i32
  }
}

</mosaic_0001>

<sc_bundles>
// kernel: kernel.15.cloned.1.call-start
scs
__scs_entry_jumppad:
0x0: {  	(pc) =	sbr.rel $0x88, $3  }
0x1: {  	(tag) =	ssettag $0x0;
	lr =	simm.s32 $0x1  }
0x2: {  	[smem:$0x3F90] =	sst lr;
	_ =	strace $0xD0000000  }
0x3: {  	_ = 	snop  }
0x4: {  	_ = 	snop  }
0x5: {  	_ = 	snop  }
0x6: {  	_ = 	snop  }
0x7: {  	_ = 	snop  }
__scs_overlays_trampoline_lowered:
0x8: {  	[smem:$0x3F9F] =	sst s0  }
0x9: {  	[smem:$0x3FA0] =	sst s1  }
0xa: {  	[smem:$0x3FA1] =	sst s2  }
0xb: {  	[smem:$0x3FA2] =	sst s3  }
0xc: {  	[smem:$0x3FA3] =	sst s4  }
0xd: {  	[smem:$0x3FA4] =	sst s5  }
0xe: {  	[smem:$0x3FA5] =	sst s6  }
0xf: {  	[smem:$0x3FA6] =	sst s7  }
0x10: {  	[smem:$0x3FA7] =	sst s8  }
0x11: {  	[smem:$0x3FA8] =	sst s9;
	s0 =	simm.s32 @!p0 $0x0  }
0x12: {  	s1 =	sld [smem:$0x3F8E];
	s0 =	simm.s32 @p0 $0x1  }
0x13: {  	[smem:$0x3FA9] =	sst s0;
	s0 =	simm.s32 @!p1 $0x0  }
0x14: {  	s2 =	sld [smem:$0x3F8D];
	s0 =	simm.s32 @p1 $0x1  }
0x15: {  	[smem:$0x3FAA] =	sst s0;
	s0 =	simm.s32 @!p2 $0x0  }
0x16: {  	s3 =	sld [smem:$0x3FDB];
	s0 =	simm.s32 @p2 $0x1  }
0x17: {  	s4 =	simm.s32 $0x1BF5;
	[smem:$0x3FAC] =	sst s0  }
0x18: {  	s0 =	sld [smem:$0x3F8F];
	_ =	swait.ge [sflag:s4], $0x0  }
0x19: {  	s7 =	sld [smem:$0x3F90]  }
0x1a: {  	s8 =	sadd.s32 $0xFFFFE003, lr  }
0x1b: {  	s9 =	sadd.s32 $0xFFFFFEF7, lr;
	s5 =	simm.s32 $0xFFFFFFFF;
	p2 =	slt.u32 s8, $0xFFFFF086  }
0x1c: {  	p1 =	slt.u32 s9, $0xF7A;
	s5 =	simm.s32 @!p2 $0x0  }
0x1d: {  	s5 =	simm.s32 @p1 $0x1;
	p0 =	seq.s32 s7, s2  }
0x1e: {  	s7 =	smul.u32 @!p0 $0xF7A, s2;
	p2 =	seq.s32 @!p0 s5, $0x0  }
0x1f: {  	s9 =	smul.u32 $0xF7A, s1;
	s8 =	simm.s32 @!p0 $0x1BF5;
	p2 =	por !p2, p0  }
0x20: {  	[sflag:s8] =	ssyncset.s32 @!p0 $0xFFFFF086;
	s6 =	sadd.s32 @!p0 s3, s7;
	s7 =	simm.s32 @!p0 $0x108  }
0x21: {  	s3 =	sadd.s32 s3, s9;
	s6 =	sadd.s32 @!p0 $0x88, s6;
	s7 =	simm.s32 @p2 $0x1082  }
0x22: {  	[simem:s7], [sflag:s8] =	dma.local @!p0 [hbm:s6], $0xF7A  }
0x23: {  	s9 =	sor.u32 $0xD0000000, s2;
	s6 =	simm.s32 $0x108;
	_ =	swait.ge @!p0 [sflag:s8], $0x0  }
0x24: {  	s3 =	sadd.s32 $0x88, s3;
	s6 =	simm.s32 @!p1 $0x1082;
	[sflag:s4] =	ssyncset.s32 $0xFFFFF086  }
0x25: {  	[simem:s6], [sflag:s4] =	dma.local [hbm:s3], $0xF7A  }
0x26: {  	[smem:$0x3F90] =	sst s1;
	(tag) =	ssettag s2;
	_ =	strace s9  }
0x27: {  	s1 =	sld [smem:$0x3FA0]  }
0x28: {  	s2 =	sld [smem:$0x3FA1]  }
0x29: {  	s4 =	sld [smem:$0x3FA3]  }
0x2a: {  	p0 =	seq.s32 s5, $0x0;
	s5 =	sld [smem:$0x3FA4]  }
0x2b: {  	s6 =	sld [smem:$0x3FA5]  }
0x2c: {  	s7 =	sld [smem:$0x3FA6]  }
0x2d: {  	s3 =	simm.s32 $0x108;
	s8 =	sld [smem:$0x3FA7]  }
0x2e: {  	s3 =	simm.s32 @!p0 $0x1082;
	s9 =	sld [smem:$0x3FA8]  }
0x2f: {  	lr =	sadd.s32 s0, s3;
	s0 =	sld [smem:$0x3F9F]  }
0x30: {  	s3 =	sld [smem:$0x3FA2]  }
0x31: {  	[smem:$0x3FAB] =	sst s10  }
0x32: {  	s10 =	sld [smem:$0x3FA9];
	_ =	sdelay $0x3  }
0x33: {  	p0 =	seq.s32 s10, $0x1;
	s10 =	sld [smem:$0x3FAB];
	_ =	sdelay $0x3  }
0x34: {  	[smem:$0x3FAB] =	sst s10  }
0x35: {  	s10 =	sld [smem:$0x3FAA];
	_ =	sdelay $0x3  }
0x36: {  	p1 =	seq.s32 s10, $0x1;
	s10 =	sld [smem:$0x3FAB];
	_ =	sdelay $0x3  }
0x37: {  	[smem:$0x3FAB] =	sst s10  }
0x38: {  	s10 =	sld [smem:$0x3FAC]  }
0x39: {  	_ = 	snop;
	(pc) =	sbr.ind lr, $3  }
0x3a: {  	_ = 	snop  }
0x3b: {  	_ = 	snop  }
0x3c: {  	p2 =	seq.s32 s10, $0x1;
	s10 =	sld [smem:$0x3FAB]  }
0x3d: {  	_ =	shalt  }
0x3e: {  	_ =	shalt  }
0x3f: {  	_ =	shalt  }
0x40: {  	_ =	shalt  }
0x41: {  	_ =	shalt  }
0x42: {  	_ =	shalt  }
0x43: {  	_ =	shalt  }
0x44: {  	_ =	shalt  }
0x45: {  	_ =	shalt  }
0x46: {  	_ =	shalt  }
0x47: {  	_ =	shalt  }
0x48: {  	_ =	shalt  }
0x49: {  	_ =	shalt  }
0x4a: {  	_ =	shalt  }
0x4b: {  	_ =	shalt  }
0x4c: {  	_ =	shalt  }
0x4d: {  	_ =	shalt  }
0x4e: {  	_ =	shalt  }
0x4f: {  	_ =	shalt  }
0x50: {  	_ =	shalt  }
0x51: {  	_ =	shalt  }
0x52: {  	_ =	shalt  }
0x53: {  	_ =	shalt  }
0x54: {  	_ =	shalt  }
0x55: {  	_ =	shalt  }
0x56: {  	_ =	shalt  }
0x57: {  	_ =	shalt  }
0x58: {  	_ =	shalt  }
0x59: {  	_ =	shalt  }
0x5a: {  	_ =	shalt  }
0x5b: {  	_ =	shalt  }
0x5c: {  	_ =	shalt  }
0x5d: {  	_ =	shalt  }
0x5e: {  	_ =	shalt  }
0x5f: {  	_ =	shalt  }
0x60: {  	_ =	shalt  }
0x61: {  	_ =	shalt  }
0x62: {  	_ =	shalt  }
0x63: {  	_ =	shalt  }
0x64: {  	_ =	shalt  }
0x65: {  	_ =	shalt  }
0x66: {  	_ =	shalt  }
0x67: {  	_ =	shalt  }
0x68: {  	_ =	shalt  }
0x69: {  	_ =	shalt  }
0x6a: {  	_ =	shalt  }
0x6b: {  	_ =	shalt  }
0x6c: {  	_ =	shalt  }
0x6d: {  	_ =	shalt  }
0x6e: {  	_ =	shalt  }
0x6f: {  	_ =	shalt  }
0x70: {  	_ =	shalt  }
0x71: {  	_ =	shalt  }
0x72: {  	_ =	shalt  }
0x73: {  	_ =	shalt  }
0x74: {  	_ =	shalt  }
0x75: {  	_ =	shalt  }
0x76: {  	_ =	shalt  }
0x77: {  	_ =	shalt  }
0x78: {  	_ =	shalt  }
0x79: {  	_ =	shalt  }
0x7a: {  	_ =	shalt  }
0x7b: {  	_ =	shalt  }
0x7c: {  	_ =	shalt  }
0x7d: {  	_ =	shalt  }
0x7e: {  	_ =	shalt  }
0x7f: {  	_ =	shalt  }
0x80: {  	_ =	shalt  }
0x81: {  	_ =	shalt  }
0x82: {  	_ =	shalt  }
0x83: {  	_ =	shalt  }
0x84: {  	_ =	shalt  }
0x85: {  	_ =	shalt  }
0x86: {  	_ =	shalt  }
0x87: {  	_ =	shalt  }
.Lfunc_end0:
.L_simem_size_0:
called_computation_lowered:
.L_overlay_start_0:
0x88: {  	s2 =	sld [smem:$0x3FD9]  }
0x89: {  	s3 =	sld [smem:$0x3FFE];
	_ =	sdelay $0x1  }
0x8a: {  	s1 =	srdreg.scid  }
0x8b: {  	s0 =	sand.u32 $0x1, s1  }
0x8c: {  	s16 =	sshll.u32 s0, $0xA;
	s2 =	sadd.s32 s3, s2  }
0x8d: {  	s2 =	sadd.s32 s2, s16  }
0x8e: {  	[smem:$0x3FB7] =	sst s2  }
0x8f: {  	_ = 	snop  }
0x90: {  	(tm) =	ssettm $0x1  }
0x91: {  	s17 =	sld [smem:$0x3FFB];
	_ =	sdelay $0x3  }
0x92: {  	_ =	strace s17  }
0x93: {  	s2 =	sld [smem:$0x3FFC];
	_ =	sdelay $0x3  }
0x94: {  	_ =	strace s2  }
0x95: {  	s2 =	sld [smem:$0x3FFD];
	_ =	sdelay $0x3  }
0x96: {  	_ =	strace s2  }
0x97: {  	_ =	strace $0x8FFFFFFF  }
0x98: {  	s18 =	sld [smem:$0x3FDB];
	_ =	sdelay $0x1  }
0x99: {  	s19 =	simm.s32 $_scs_section_size  }
0x9a: {  	s4 =	simm.s32 $_size__tile_overlayer_lowered;
	s5 =	simm.s32 $_tile_overlayer_lowered  }
0x9b: {  	s22 =	simm.s32 $0x1BFF;
	s21 =	sshll.u32 s5, $0x1;
	s2 =	sadd.s32 s19, s18  }
0x9c: {  	s6 =	simm.s32 $0x0;
	s20 =	sshll.u32 s4, $0x1;
	s4 =	sadd.s32 s21, s2  }
0x9d: {  	[timem:s6], [sflag:s22] =	dma.local [hbm:s4], s20  }
0x9e: {  	_ =	swait.ge [sflag:s22], s20  }
0x9f: {  	s3 =	ssub.s32 $0x0, s20;
	[sflag:s22] =	ssyncset.done $0x0  }
0xa0: {  	[sflag:s22] =	ssyncadd.s32 s3;
	_ =	sdelay $0x1  }
0xa1: {  	s23 =	simm.s32 $0x1B8B  }
0xa2: {  	_ =	swait.ge [sflag:s23], $0x1  }
0xa3: {  	[sflag:s23] =	ssyncset.done $0x0  }
0xa4: {  	s25 =	simm.s32 $0x1B8E;
	s24 =	sld [smem:$0x3FFE];
	[sflag:s23] =	ssyncadd.s32 $0xFFFFFFFF  }
0xa5: {  	s26 =	simm.s32 $execute0_lowered;
	[smem:$0x3FD2] =	sst s25  }
0xa6: {  	s4 =	sshll.u32 s26, $0x1;
	_ =	strace $0x80000046;
	[dreg:$0x1] =	wrdreg $0xFFFFFFFF  }
0xa7: {  	s28 =	simm.s32 $_size_execute0_lowered;
	s2 =	sadd.s32 s2, s4;
	[dreg:$0x0] =	wrdreg $0x0  }
0xa8: {  	s4 =	sshll.u32 s28, $0x1;
	[dreg:$0x2] =	wrdreg s2  }
0xa9: {  	[dreg:$0x3] =	wrdreg s4  }
0xaa: {  	[dreg:$0x4] =	wrdreg $0xC0  }
0xab: {  	_ =	task [dreg:s6], $0x5FFFF  }
0xac: {  	[dreg:$0x1] =	wrdreg $0xFFFFFFFF  }
0xad: {  	[dreg:$0x0] =	wrdreg $0x60  }
0xae: {  	[dreg:$0x2] =	wrdreg s24  }
0xaf: {  	[dreg:$0x3] =	wrdreg $0x40800  }
0xb0: {  	[dreg:$0x4] =	wrdreg $0x9  }
0xb1: {  	_ =	task.clear_ibuf [dreg:s6], $0x5FFFF;
	_ =	strace $0x90000046  }
0xb2: {  	s29 =	simm.s32 $0x9;
	_ =	strace $0x80000048  }
0xb3: {  	_ =	swait.ge [sflag:s29], $0x1  }
0xb4: {  	[sflag:s29] =	ssyncadd.s32 $0xFFFFFFFF  }
0xb5: {  	_ =	strace $0x90000048  }
0xb6: {  	_ =	sfence  }
0xb7: {  	s30 =	sld [smem:$0x0];
	_ =	sdelay $0x2  }
0xb8: {  	s31 =	sshll.u32 s1, $0xD;
	s1 =	sshrl.u32 s1, $0x2  }
0xb9: {  	s3 =	sand.u32 $0x4000, s31;
	s1 =	sadd.s32 s1, s30  }
0xba: {  	s0 =	sor.u32 s3, s0;
	s1 =	sshll.u32 s1, $0x11  }
0xbb: {  	s0 =	sor.u32 s1, s0  }
0xbc: {  	s0 =	sadd.s32 $0x8F2B, s0  }
0xbd: {  	[sflag:s0] =	ssyncadd.remote.s32 $0x1  }
0xbe: {  	_ =	sfence.sel $0xFFFF  }
0xbf: {  	[dreg:$0x0] =	wrdreg $0xFFFFFFFF;
	(pc) =	sbr.abs _section_cstart, $3  }
0xc0: {  	[dreg:$0x1] =	wrdreg $0xFFFFFFFF  }
0xc1: {  	_ =	task.clear_ibuf [dreg:s6], $0x2FFFF;
	_ =	strace $0x9FFFFFFF  }
0xc2: {  	(tm) =	ssettm $0x7FFFFFFF  }
0xc3: {  	_ =	shalt  }
tec
execute0_lowered:
.L_overlay_start_1:
0x0: {  	(tag) =	ssettag $0x1  }
0x1: {  	s0 =	srdreg.scid  }
0x2: {  	s6 =	rddreg [dreg:$0x0];
	s1 =	stileid.u32  }
0x3: {  	s2 =	rddreg [dreg:$0x1];
	s8 =	smul.u32 $0x14000, s1  }
0x4: {  	s3 =	simm.s32 $0x0;
	s13 =	simm.s32 $0x0;
	s10 =	smul.u32 $0x50000, s1  }
0x5: {  	s7 =	sand.u32 $0x1, s0;
	s0 =	rddreg [dreg:$0x2];
	s11 =	smul.u32 $0x280, s1  }
0x6: {  	[smem:$0x7FF] =	sst s3;
	s31 =	sshll.u32 s1, $0x6;
	s4 =	smul.u32 $0x2800, s7  }
0x7: {  	s5 =	smul.u32 $0x140000, s7;
	_ =	strace $0x80000047;
	s30 =	ssub.s32 $0x2, s7  }
0x8: {  	s7 =	sshrl.u32 s30, $0x1;
	s10 =	sshrl.u32 s10, $0x2;
	s9 =	sadd.s32 s4, s6  }
0x9: {  	s5 =	sadd.s32 s8, s5;
	s4 =	sadd.s32 $0xC000, s6;
	s12 =	ssub.s32 s30, s7  }
0xa: {  	s10 =	sadd.s32 s10, s2;
	s8 =	sshrl.u32 s5, $0x3;
	s5 =	sadd.s32 $0x9800, s6  }
0xb: {  	s9 =	sadd.s32 s11, s9;
	s10 =	sshrl.u32 s10, $0x3;
	s11 =	simm.s32 $0x1  }
0xc: {  	s8 =	sadd.s32 s8, s6;
	s6 =	sor.u32 $0x1C01, s31;
	s9 =	sadd.s32 $0x4800, s9  }
0xd: {  	s7 =	sadd.s32 $0xC800, s8;
	s8 =	smax.u32 s12, $0x1;
	s12 =	simm.s32 $0x80  }
.LBB2_1:
0xe: {  	[spmem:s10], [sflag:s6] =	dma.local [hbm:s5], $0x2800  }
0xf: {  	_ =	swait.ge [sflag:s11], $0x2800  }
0x10: {  	[sflag:s11] =	ssyncset.done $0x0  }
0x11: {  	[sflag:s11] =	ssyncadd.s32 $0xFFFFD800  }
0x12: {  	[tilespmem:s12], [sflag:$0x1] =	stream.linear.gather [hbm4b:s4+s3], $0x4000, $0x38;
	[tilespmem:$0x6880] =	vst v63  }
0x13: {  	_ =	swait.ge [sflag:s11], $0x4000  }
0x14: {  	[sflag:s11] =	ssyncset.done $0x0  }
0x15: {  	[sflag:s11] =	ssyncadd.s32 $0xFFFFC000  }
0x16: {  	s14 =	sadd.s32 $0x0, s9;
	[bflag:$0x0] =	sbarrier.arrive $0xFFFF  }
0x17: {  	[tilespmem:s3], [sflag:$0x1] =	stream.linear.gather [hbm4b:s14+s3], $0x80, $0x38;
	[tilespmem:$0x6880] =	vst v63  }
0x18: {  	_ =	swait.ge [sflag:s11], $0x80  }
0x19: {  	[sflag:s11] =	ssyncset.done $0x0  }
0x1a: {  	[sflag:s11] =	ssyncadd.s32 $0xFFFFFF80  }
0x1b: {  	[spmem:s2] =	stream.indirect.scatter.add.f32 [tilespmem:s12], [sflag:$0x1], $0x10, s3, s12, $0xb8;
	[tilespmem:$0x6880] =	vst v63  }
0x1c: {  	_ =	swait.ge [sflag:s11], $0x800  }
0x1d: {  	s15 =	simm.s32 $0x20;
	s14 =	simm.s32 $0x10;
	[sflag:s11] =	ssyncset.done $0x0  }
.LBB2_2:
0x1e: {  	s16 =	sadd.s32 s14, s9  }
0x1f: {  	[sflag:s11] =	ssyncadd.s32 $0xFFFFF800;
	s14 =	smov.u32 s15;
	s17 =	sadd.s32 $0x10, s15  }
0x20: {  	[tilespmem:s3], [sflag:$0x1] =	stream.linear.gather [hbm4b:s16+s3], $0x80, $0x38;
	[tilespmem:$0x6880] =	vst v63  }
0x21: {  	p0 =	sne.s32 s15, $0x270;
	_ =	swait.ge [sflag:s11], $0x80  }
.Ltmp0:
0x22: {  	[sflag:s11] =	ssyncset.done $0x0;
	(pc) =	sbr.rel @p0 .LBB2_2-.Ltmp0, $4  }
0x23: {  	[sflag:s11] =	ssyncadd.s32 $0xFFFFFF80  }
0x24: {  	[spmem:s2] =	stream.indirect.scatter.add.f32 [tilespmem:s12], [sflag:$0x1], $0x10, s3, s12, $0xb8;
	[tilespmem:$0x6880] =	vst v63  }
0x25: {  	_ =	swait.ge [sflag:s11], $0x800  }
0x26: {  	s15 =	smov.u32 s17;
	[sflag:s11] =	ssyncset.done $0x0  }
0x27: {  	s14 =	sadd.s32 s14, s9;
	[sflag:s11] =	ssyncadd.s32 $0xFFFFF800  }
0x28: {  	[tilespmem:s3], [sflag:$0x1] =	stream.linear.gather [hbm4b:s14+s3], $0x80, $0x38;
	[tilespmem:$0x6880] =	vst v63  }
0x29: {  	_ =	swait.ge [sflag:s11], $0x80  }
0x2a: {  	[sflag:s11] =	ssyncset.done $0x0  }
0x2b: {  	[sflag:s11] =	ssyncadd.s32 $0xFFFFFF80  }
0x2c: {  	[spmem:s2] =	stream.indirect.scatter.add.f32 [tilespmem:s12], [sflag:$0x1], $0x10, s3, s12, $0xb8;
	[tilespmem:$0x6880] =	vst v63  }
0x2d: {  	_ =	swait.ge [sflag:s11], $0x800  }
0x2e: {  	s13 =	sadd.s32 $0x1, s13;
	[sflag:s11] =	ssyncset.done $0x0  }
0x2f: {  	p0 =	sne.s32 s13, s8;
	[sflag:s11] =	ssyncadd.s32 $0xFFFFF800  }
.Ltmp1:
0x30: {  	[bflag:$0x0] =	sbarrier.arrive $0xFFFF;
	(pc) =	sbr.rel @p0 .LBB2_1-.Ltmp1, $4  }
0x31: {  	[hbm:s7], [sflag:s6] =	dma.local [spmem:s10], $0x2800  }
0x32: {  	_ =	swait.ge [sflag:s11], $0x2800  }
0x33: {  	[sflag:s11] =	ssyncset.done $0x0  }
0x34: {  	[sflag:s11] =	ssyncadd.s32 $0xFFFFD800  }
0x35: {  	_ =	sfence.sel $0x180000  }
0x36: {  	[bflag:$0x0] =	sbarrier.arrive $0xFFFF  }
0x37: {  	p0 =	sne.s32 s1, $0x0;
	_ =	strace $0x90000047  }
0x38: {  	s0 =	sadd.s32 @!p0 $0x100000, s0;
	[bflag:$0x2] =	sbarrier.arrive $0xFFFF  }
0x39: {  	[sflag:s0] =	ssyncadd.tile.s32 @!p0 $0x1;
	_ =	shalt  }
.Lfunc_end2:
_tile_overlayer_lowered:
.L_overlay_start_2:
0x3a: {  	(tag) =	ssettag $0x2  }
0x3b: {  	s0 =	rddreg [dreg:$0x0];
	s2 =	stileid.u32  }
0x3c: {  	s1 =	rddreg [dreg:$0x1];
	p0 =	sne.s32 s2, $0x0  }
0x3d: {  	s3 =	rddreg [dreg:$0x2];
	[bflag:$0x3] =	sbarrier.arrive $0xFFFF;
	s2 =	simm.s32 @!p0 $0x1C01  }
0x3e: {  	[timem:s3], [sflag:s2] =	dma.local @!p0 [hbm:s0], s1  }
0x3f: {  	s0 =	simm.s32 @!p0 $0x1  }
0x40: {  	_ =	swait.ge @!p0 [sflag:s0], s1  }
0x41: {  	s1 =	ssub.s32 @!p0 $0x0, s1;
	[sflag:s0] =	ssyncset.done @!p0 $0x0  }
0x42: {  	[sflag:s0] =	ssyncadd.s32 @!p0 s1  }
0x43: {  	[bflag:$0x3] =	sbarrier.arrive $0xFFFF  }
0x44: {  	_ =	shalt  }

// kernel: kernel.18.cloned.1.call-start
scs
__scs_entry_jumppad:
0x0: {  	(pc) =	sbr.rel $0x88, $3  }
0x1: {  	(tag) =	ssettag $0x0;
	lr =	simm.s32 $0x1  }
0x2: {  	[smem:$0x3F90] =	sst lr;
	_ =	strace $0xD0000000  }
0x3: {  	_ = 	snop  }
0x4: {  	_ = 	snop  }
0x5: {  	_ = 	snop  }
0x6: {  	_ = 	snop  }
0x7: {  	_ = 	snop  }
__scs_overlays_trampoline_lowered:
0x8: {  	[smem:$0x3F9F] =	sst s0  }
0x9: {  	[smem:$0x3FA0] =	sst s1  }
0xa: {  	[smem:$0x3FA1] =	sst s2  }
0xb: {  	[smem:$0x3FA2] =	sst s3  }
0xc: {  	[smem:$0x3FA3] =	sst s4  }
0xd: {  	[smem:$0x3FA4] =	sst s5  }
0xe: {  	[smem:$0x3FA5] =	sst s6  }
0xf: {  	[smem:$0x3FA6] =	sst s7  }
0x10: {  	[smem:$0x3FA7] =	sst s8  }
0x11: {  	[smem:$0x3FA8] =	sst s9;
	s0 =	simm.s32 @!p0 $0x0  }
0x12: {  	s1 =	sld [smem:$0x3F8E];
	s0 =	simm.s32 @p0 $0x1  }
0x13: {  	[smem:$0x3FA9] =	sst s0;
	s0 =	simm.s32 @!p1 $0x0  }
0x14: {  	s2 =	sld [smem:$0x3F8D];
	s0 =	simm.s32 @p1 $0x1  }
0x15: {  	[smem:$0x3FAA] =	sst s0;
	s0 =	simm.s32 @!p2 $0x0  }
0x16: {  	s3 =	sld [smem:$0x3FDB];
	s0 =	simm.s32 @p2 $0x1  }
0x17: {  	s4 =	simm.s32 $0x1BF5;
	[smem:$0x3FAC] =	sst s0  }
0x18: {  	s0 =	sld [smem:$0x3F8F];
	_ =	swait.ge [sflag:s4], $0x0  }
0x19: {  	s7 =	sld [smem:$0x3F90]  }
0x1a: {  	s8 =	sadd.s32 $0xFFFFE003, lr  }
0x1b: {  	s9 =	sadd.s32 $0xFFFFFEF7, lr;
	s5 =	simm.s32 $0xFFFFFFFF;
	p2 =	slt.u32 s8, $0xFFFFF086  }
0x1c: {  	p1 =	slt.u32 s9, $0xF7A;
	s5 =	simm.s32 @!p2 $0x0  }
0x1d: {  	s5 =	simm.s32 @p1 $0x1;
	p0 =	seq.s32 s7, s2  }
0x1e: {  	s7 =	smul.u32 @!p0 $0xF7A, s2;
	p2 =	seq.s32 @!p0 s5, $0x0  }
0x1f: {  	s9 =	smul.u32 $0xF7A, s1;
	s8 =	simm.s32 @!p0 $0x1BF5;
	p2 =	por !p2, p0  }
0x20: {  	[sflag:s8] =	ssyncset.s32 @!p0 $0xFFFFF086;
	s6 =	sadd.s32 @!p0 s3, s7;
	s7 =	simm.s32 @!p0 $0x108  }
0x21: {  	s3 =	sadd.s32 s3, s9;
	s6 =	sadd.s32 @!p0 $0x88, s6;
	s7 =	simm.s32 @p2 $0x1082  }
0x22: {  	[simem:s7], [sflag:s8] =	dma.local @!p0 [hbm:s6], $0xF7A  }
0x23: {  	s9 =	sor.u32 $0xD0000000, s2;
	s6 =	simm.s32 $0x108;
	_ =	swait.ge @!p0 [sflag:s8], $0x0  }
0x24: {  	s3 =	sadd.s32 $0x88, s3;
	s6 =	simm.s32 @!p1 $0x1082;
	[sflag:s4] =	ssyncset.s32 $0xFFFFF086  }
0x25: {  	[simem:s6], [sflag:s4] =	dma.local [hbm:s3], $0xF7A  }
0x26: {  	[smem:$0x3F90] =	sst s1;
	(tag) =	ssettag s2;
	_ =	strace s9  }
0x27: {  	s1 =	sld [smem:$0x3FA0]  }
0x28: {  	s2 =	sld [smem:$0x3FA1]  }
0x29: {  	s4 =	sld [smem:$0x3FA3]  }
0x2a: {  	p0 =	seq.s32 s5, $0x0;
	s5 =	sld [smem:$0x3FA4]  }
0x2b: {  	s6 =	sld [smem:$0x3FA5]  }
0x2c: {  	s7 =	sld [smem:$0x3FA6]  }
0x2d: {  	s3 =	simm.s32 $0x108;
	s8 =	sld [smem:$0x3FA7]  }
0x2e: {  	s3 =	simm.s32 @!p0 $0x1082;
	s9 =	sld [smem:$0x3FA8]  }
0x2f: {  	lr =	sadd.s32 s0, s3;
	s0 =	sld [smem:$0x3F9F]  }
0x30: {  	s3 =	sld [smem:$0x3FA2]  }
0x31: {  	[smem:$0x3FAB] =	sst s10  }
0x32: {  	s10 =	sld [smem:$0x3FA9];
	_ =	sdelay $0x3  }
0x33: {  	p0 =	seq.s32 s10, $0x1;
	s10 =	sld [smem:$0x3FAB];
	_ =	sdelay $0x3  }
0x34: {  	[smem:$0x3FAB] =	sst s10  }
0x35: {  	s10 =	sld [smem:$0x3FAA];
	_ =	sdelay $0x3  }
0x36: {  	p1 =	seq.s32 s10, $0x1;
	s10 =	sld [smem:$0x3FAB];
	_ =	sdelay $0x3  }
0x37: {  	[smem:$0x3FAB] =	sst s10  }
0x38: {  	s10 =	sld [smem:$0x3FAC]  }
0x39: {  	_ = 	snop;
	(pc) =	sbr.ind lr, $3  }
0x3a: {  	_ = 	snop  }
0x3b: {  	_ = 	snop  }
0x3c: {  	p2 =	seq.s32 s10, $0x1;
	s10 =	sld [smem:$0x3FAB]  }
0x3d: {  	_ =	shalt  }
0x3e: {  	_ =	shalt  }
0x3f: {  	_ =	shalt  }
0x40: {  	_ =	shalt  }
0x41: {  	_ =	shalt  }
0x42: {  	_ =	shalt  }
0x43: {  	_ =	shalt  }
0x44: {  	_ =	shalt  }
0x45: {  	_ =	shalt  }
0x46: {  	_ =	shalt  }
0x47: {  	_ =	shalt  }
0x48: {  	_ =	shalt  }
0x49: {  	_ =	shalt  }
0x4a: {  	_ =	shalt  }
0x4b: {  	_ =	shalt  }
0x4c: {  	_ =	shalt  }
0x4d: {  	_ =	shalt  }
0x4e: {  	_ =	shalt  }
0x4f: {  	_ =	shalt  }
0x50: {  	_ =	shalt  }
0x51: {  	_ =	shalt  }
0x52: {  	_ =	shalt  }
0x53: {  	_ =	shalt  }
0x54: {  	_ =	shalt  }
0x55: {  	_ =	shalt  }
0x56: {  	_ =	shalt  }
0x57: {  	_ =	shalt  }
0x58: {  	_ =	shalt  }
0x59: {  	_ =	shalt  }
0x5a: {  	_ =	shalt  }
0x5b: {  	_ =	shalt  }
0x5c: {  	_ =	shalt  }
0x5d: {  	_ =	shalt  }
0x5e: {  	_ =	shalt  }
0x5f: {  	_ =	shalt  }
0x60: {  	_ =	shalt  }
0x61: {  	_ =	shalt  }
0x62: {  	_ =	shalt  }
0x63: {  	_ =	shalt  }
0x64: {  	_ =	shalt  }
0x65: {  	_ =	shalt  }
0x66: {  	_ =	shalt  }
0x67: {  	_ =	shalt  }
0x68: {  	_ =	shalt  }
0x69: {  	_ =	shalt  }
0x6a: {  	_ =	shalt  }
0x6b: {  	_ =	shalt  }
0x6c: {  	_ =	shalt  }
0x6d: {  	_ =	shalt  }
0x6e: {  	_ =	shalt  }
0x6f: {  	_ =	shalt  }
0x70: {  	_ =	shalt  }
0x71: {  	_ =	shalt  }
0x72: {  	_ =	shalt  }
0x73: {  	_ =	shalt  }
0x74: {  	_ =	shalt  }
0x75: {  	_ =	shalt  }
0x76: {  	_ =	shalt  }
0x77: {  	_ =	shalt  }
0x78: {  	_ =	shalt  }
0x79: {  	_ =	shalt  }
0x7a: {  	_ =	shalt  }
0x7b: {  	_ =	shalt  }
0x7c: {  	_ =	shalt  }
0x7d: {  	_ =	shalt  }
0x7e: {  	_ =	shalt  }
0x7f: {  	_ =	shalt  }
0x80: {  	_ =	shalt  }
0x81: {  	_ =	shalt  }
0x82: {  	_ =	shalt  }
0x83: {  	_ =	shalt  }
0x84: {  	_ =	shalt  }
0x85: {  	_ =	shalt  }
0x86: {  	_ =	shalt  }
0x87: {  	_ =	shalt  }
.Lfunc_end0:
.L_simem_size_0:
called_computation.1_lowered:
.L_overlay_start_0:
0x88: {  	s2 =	sld [smem:$0x3FD9]  }
0x89: {  	s3 =	sld [smem:$0x3FFE];
	_ =	sdelay $0x1  }
0x8a: {  	s1 =	srdreg.scid  }
0x8b: {  	s0 =	sand.u32 $0x1, s1  }
0x8c: {  	s16 =	sshll.u32 s0, $0xA;
	s2 =	sadd.s32 s3, s2  }
0x8d: {  	s2 =	sadd.s32 s2, s16  }
0x8e: {  	[smem:$0x3FB7] =	sst s2  }
0x8f: {  	_ = 	snop  }
0x90: {  	(tm) =	ssettm $0x1  }
0x91: {  	s17 =	sld [smem:$0x3FFB];
	_ =	sdelay $0x3  }
0x92: {  	_ =	strace s17  }
0x93: {  	s2 =	sld [smem:$0x3FFC];
	_ =	sdelay $0x3  }
0x94: {  	_ =	strace s2  }
0x95: {  	s2 =	sld [smem:$0x3FFD];
	_ =	sdelay $0x3  }
0x96: {  	_ =	strace s2  }
0x97: {  	_ =	strace $0x8FFFFFFF  }
0x98: {  	s18 =	sld [smem:$0x3FDB];
	_ =	sdelay $0x1  }
0x99: {  	s19 =	simm.s32 $_scs_section_size  }
0x9a: {  	s4 =	simm.s32 $_size__tile_overlayer_lowered;
	s5 =	simm.s32 $_tile_overlayer_lowered  }
0x9b: {  	s22 =	simm.s32 $0x1BFF;
	s21 =	sshll.u32 s5, $0x1;
	s2 =	sadd.s32 s19, s18  }
0x9c: {  	s6 =	simm.s32 $0x0;
	s20 =	sshll.u32 s4, $0x1;
	s4 =	sadd.s32 s21, s2  }
0x9d: {  	[timem:s6], [sflag:s22] =	dma.local [hbm:s4], s20  }
0x9e: {  	_ =	swait.ge [sflag:s22], s20  }
0x9f: {  	s3 =	ssub.s32 $0x0, s20;
	[sflag:s22] =	ssyncset.done $0x0  }
0xa0: {  	[sflag:s22] =	ssyncadd.s32 s3;
	_ =	sdelay $0x1  }
0xa1: {  	s23 =	simm.s32 $0x1B8B  }
0xa2: {  	_ =	swait.ge [sflag:s23], $0x1  }
0xa3: {  	[sflag:s23] =	ssyncset.done $0x0  }
0xa4: {  	s25 =	simm.s32 $0x1B8E;
	s24 =	sld [smem:$0x3FFE];
	[sflag:s23] =	ssyncadd.s32 $0xFFFFFFFF  }
0xa5: {  	s26 =	simm.s32 $execute0_lowered;
	[smem:$0x3FD2] =	sst s25  }
0xa6: {  	s4 =	sshll.u32 s26, $0x1;
	_ =	strace $0x80000049;
	[dreg:$0x1] =	wrdreg $0xFFFFFFFF  }
0xa7: {  	s28 =	simm.s32 $_size_execute0_lowered;
	s2 =	sadd.s32 s2, s4;
	[dreg:$0x0] =	wrdreg $0x0  }
0xa8: {  	s4 =	sshll.u32 s28, $0x1;
	[dreg:$0x2] =	wrdreg s2  }
0xa9: {  	[dreg:$0x3] =	wrdreg s4  }
0xaa: {  	[dreg:$0x4] =	wrdreg $0xC0  }
0xab: {  	_ =	task [dreg:s6], $0x5FFFF  }
0xac: {  	[dreg:$0x1] =	wrdreg $0xFFFFFFFF  }
0xad: {  	[dreg:$0x0] =	wrdreg $0x60  }
0xae: {  	[dreg:$0x2] =	wrdreg s24  }
0xaf: {  	[dreg:$0x3] =	wrdreg $0x41000  }
0xb0: {  	[dreg:$0x4] =	wrdreg $0x9  }
0xb1: {  	_ =	task.clear_ibuf [dreg:s6], $0x5FFFF;
	_ =	strace $0x90000049  }
0xb2: {  	s29 =	simm.s32 $0x9;
	_ =	strace $0x8000004B  }
0xb3: {  	_ =	swait.ge [sflag:s29], $0x1  }
0xb4: {  	[sflag:s29] =	ssyncadd.s32 $0xFFFFFFFF  }
0xb5: {  	_ =	strace $0x9000004B  }
0xb6: {  	_ =	sfence  }
0xb7: {  	s30 =	sld [smem:$0x0];
	_ =	sdelay $0x2  }
0xb8: {  	s31 =	sshll.u32 s1, $0xD;
	s1 =	sshrl.u32 s1, $0x2  }
0xb9: {  	s3 =	sand.u32 $0x4000, s31;
	s1 =	sadd.s32 s1, s30  }
0xba: {  	s0 =	sor.u32 s3, s0;
	s1 =	sshll.u32 s1, $0x11  }
0xbb: {  	s0 =	sor.u32 s1, s0  }
0xbc: {  	s0 =	sadd.s32 $0x8F2B, s0  }
0xbd: {  	[sflag:s0] =	ssyncadd.remote.s32 $0x1  }
0xbe: {  	_ =	sfence.sel $0xFFFF  }
0xbf: {  	[dreg:$0x0] =	wrdreg $0xFFFFFFFF;
	(pc) =	sbr.abs _section_cstart, $3  }
0xc0: {  	[dreg:$0x1] =	wrdreg $0xFFFFFFFF  }
0xc1: {  	_ =	task.clear_ibuf [dreg:s6], $0x2FFFF;
	_ =	strace $0x9FFFFFFF  }
0xc2: {  	(tm) =	ssettm $0x7FFFFFFF  }
0xc3: {  	_ =	shalt  }
tec
execute0_lowered:
.L_overlay_start_1:
0x0: {  	(tag) =	ssettag $0x1  }
0x1: {  	s5 =	rddreg [dreg:$0x0]  }
0x2: {  	s0 =	srdreg.scid;
	s2 =	rddreg [dreg:$0x1]  }
0x3: {  	s1 =	rddreg [dreg:$0x2];
	s4 =	sand.u32 $0x1, s0  }
0x4: {  	s0 =	stileid.u32;
	s6 =	smul.u32 $0x27100, s4  }
0x5: {  	s3 =	simm.s32 $0x0;
	s12 =	simm.s32 $0x80;
	s7 =	smul.u32 $0xA00, s0  }
0x6: {  	s13 =	simm.s32 $0x100;
	s14 =	simm.s32 $0x1;
	s8 =	smul.u32 $0x140000, s4  }
0x7: {  	s15 =	simm.s32 $0x0;
	[smem:$0x7FF] =	sst s3;
	s9 =	smul.u32 $0x14000, s0  }
0x8: {  	_ =	strace $0x8000004A;
	s26 =	ssub.s32 $0x2, s4;
	s28 =	smul.u32 $0x50000, s0  }
0x9: {  	s4 =	sadd.s32 $0x52A00, s5;
	s31 =	sshll.u32 s0, $0x6;
	s29 =	sshrl.u32 s26, $0x1  }
0xa: {  	s6 =	sadd.s32 s6, s5;
	s10 =	sadd.s32 s7, s5;
	s25 =	sadd.s32 s9, s8  }
0xb: {  	s8 =	ssub.s32 s26, s29;
	s30 =	sshrl.u32 s28, $0x2;
	s7 =	sshrl.u32 s25, $0x3  }
0xc: {  	s11 =	sadd.s32 s30, s2;
	s6 =	sadd.s32 $0x4800, s6;
	s8 =	smax.u32 s8, $0x1  }
0xd: {  	s9 =	sadd.s32 $0x5C800, s10;
	s7 =	sadd.s32 s7, s5;
	s5 =	sor.u32 $0x1C02, s31  }
0xe: {  	s10 =	sshrl.u32 s11, $0x3;
	s11 =	simm.s32 $0x2;
	s7 =	sadd.s32 $0xB4A00, s7  }
.LBB2_1:
0xf: {  	[spmem:s10], [sflag:s5] =	dma.local [hbm:s4], $0x2800  }
0x10: {  	_ =	swait.ge [sflag:s11], $0x2800  }
0x11: {  	[sflag:s11] =	ssyncset.done $0x0  }
0x12: {  	[sflag:s11] =	ssyncadd.s32 $0xFFFFD800  }
0x13: {  	s16 =	sadd.s32 $0x0, s9;
	[bflag:$0x0] =	sbarrier.arrive $0xFFFF  }
0x14: {  	[tilespmem:s3], [sflag:$0x2] =	stream.linear.gather [hbm4b:s16+s3], $0x100, $0x38;
	[tilespmem:$0x18100] =	vst v63  }
0x15: {  	_ =	swait.ge [sflag:s11], $0x100  }
0x16: {  	[sflag:s11] =	ssyncset.done $0x0  }
0x17: {  	[sflag:s11] =	ssyncadd.s32 $0xFFFFFF00  }
0x18: {  	[tilespmem:s13], [sflag:$0x1] =	stream.indirect.gather [hbm4b:s6+s12], $0x80, s3, s12, $0xb8;
	[tilespmem:$0x18100] =	vst v63  }
0x19: {  	_ =	swait.ge [sflag:s14], $0x4000  }
0x1a: {  	[sflag:s14] =	ssyncset.done $0x0  }
0x1b: {  	[sflag:s14] =	ssyncadd.s32 $0xFFFFC000  }
0x1c: {  	[spmem:s2] =	stream.indirect.scatter.add.f32 [tilespmem:s13], [sflag:$0x2], $0x80, s12, s12, $0xb8;
	[tilespmem:$0x18100] =	vst v63  }
0x1d: {  	_ =	swait.ge [sflag:s11], $0x4000  }
0x1e: {  	s17 =	simm.s32 $0x40;
	s16 =	simm.s32 $0x20;
	[sflag:s11] =	ssyncset.done $0x0  }
.LBB2_2:
0x1f: {  	s18 =	sadd.s32 s16, s9  }
0x20: {  	[sflag:s11] =	ssyncadd.s32 $0xFFFFC000;
	s16 =	smov.u32 s17;
	s19 =	sadd.s32 $0x20, s17  }
0x21: {  	[tilespmem:s3], [sflag:$0x2] =	stream.linear.gather [hbm4b:s18+s3], $0x100, $0x38;
	[tilespmem:$0x18100] =	vst v63  }
0x22: {  	p0 =	sne.s32 s17, $0x9E0;
	_ =	swait.ge [sflag:s11], $0x100  }
0x23: {  	[sflag:s11] =	ssyncset.done $0x0  }
0x24: {  	[sflag:s11] =	ssyncadd.s32 $0xFFFFFF00  }
0x25: {  	[tilespmem:s13], [sflag:$0x1] =	stream.indirect.gather [hbm4b:s6+s12], $0x80, s3, s12, $0xb8;
	[tilespmem:$0x18100] =	vst v63  }
0x26: {  	_ =	swait.ge [sflag:s14], $0x4000  }
.Ltmp0:
0x27: {  	[sflag:s14] =	ssyncset.done $0x0;
	(pc) =	sbr.rel @p0 .LBB2_2-.Ltmp0, $4  }
0x28: {  	[sflag:s14] =	ssyncadd.s32 $0xFFFFC000  }
0x29: {  	[spmem:s2] =	stream.indirect.scatter.add.f32 [tilespmem:s13], [sflag:$0x2], $0x80, s12, s12, $0xb8;
	[tilespmem:$0x18100] =	vst v63  }
0x2a: {  	_ =	swait.ge [sflag:s11], $0x4000  }
0x2b: {  	s17 =	smov.u32 s19;
	[sflag:s11] =	ssyncset.done $0x0  }
0x2c: {  	s16 =	sadd.s32 s16, s9;
	[sflag:s11] =	ssyncadd.s32 $0xFFFFC000  }
0x2d: {  	[tilespmem:s3], [sflag:$0x2] =	stream.linear.gather [hbm4b:s16+s3], $0x100, $0x38;
	[tilespmem:$0x18100] =	vst v63  }
0x2e: {  	_ =	swait.ge [sflag:s11], $0x100  }
0x2f: {  	[sflag:s11] =	ssyncset.done $0x0  }
0x30: {  	[sflag:s11] =	ssyncadd.s32 $0xFFFFFF00  }
0x31: {  	[tilespmem:s13], [sflag:$0x1] =	stream.indirect.gather [hbm4b:s6+s12], $0x80, s3, s12, $0xb8;
	[tilespmem:$0x18100] =	vst v63  }
0x32: {  	_ =	swait.ge [sflag:s14], $0x4000  }
0x33: {  	[sflag:s14] =	ssyncset.done $0x0  }
0x34: {  	[sflag:s14] =	ssyncadd.s32 $0xFFFFC000  }
0x35: {  	[spmem:s2] =	stream.indirect.scatter.add.f32 [tilespmem:s13], [sflag:$0x2], $0x80, s12, s12, $0xb8;
	[tilespmem:$0x18100] =	vst v63  }
0x36: {  	_ =	swait.ge [sflag:s11], $0x4000  }
0x37: {  	s15 =	sadd.s32 $0x1, s15;
	[sflag:s11] =	ssyncset.done $0x0  }
0x38: {  	p0 =	sne.s32 s15, s8;
	[sflag:s11] =	ssyncadd.s32 $0xFFFFC000  }
.Ltmp1:
0x39: {  	[bflag:$0x0] =	sbarrier.arrive $0xFFFF;
	(pc) =	sbr.rel @p0 .LBB2_1-.Ltmp1, $4  }
0x3a: {  	[hbm:s7], [sflag:s5] =	dma.local [spmem:s10], $0x2800  }
0x3b: {  	_ =	swait.ge [sflag:s11], $0x2800  }
0x3c: {  	[sflag:s11] =	ssyncset.done $0x0  }
0x3d: {  	[sflag:s11] =	ssyncadd.s32 $0xFFFFD800  }
0x3e: {  	_ =	sfence.sel $0x180000  }
0x3f: {  	[bflag:$0x0] =	sbarrier.arrive $0xFFFF  }
0x40: {  	p0 =	sne.s32 s0, $0x0;
	_ =	strace $0x9000004A  }
0x41: {  	s0 =	sadd.s32 @!p0 $0x100000, s1;
	[bflag:$0x2] =	sbarrier.arrive $0xFFFF  }
0x42: {  	[sflag:s0] =	ssyncadd.tile.s32 @!p0 $0x1;
	_ =	shalt  }
.Lfunc_end2:
_tile_overlayer_lowered:
.L_overlay_start_2:
0x43: {  	(tag) =	ssettag $0x2  }
0x44: {  	s0 =	rddreg [dreg:$0x0];
	s2 =	stileid.u32  }
0x45: {  	s1 =	rddreg [dreg:$0x1];
	p0 =	sne.s32 s2, $0x0  }
0x46: {  	s3 =	rddreg [dreg:$0x2];
	[bflag:$0x3] =	sbarrier.arrive $0xFFFF;
	s2 =	simm.s32 @!p0 $0x1C02  }
0x47: {  	[timem:s3], [sflag:s2] =	dma.local @!p0 [hbm:s0], s1  }
0x48: {  	s0 =	simm.s32 @!p0 $0x2  }
0x49: {  	_ =	swait.ge @!p0 [sflag:s0], s1  }
0x4a: {  	s1 =	ssub.s32 @!p0 $0x0, s1;
	[sflag:s0] =	ssyncset.done @!p0 $0x0  }
0x4b: {  	[sflag:s0] =	ssyncadd.s32 @!p0 s1  }
0x4c: {  	[bflag:$0x3] =	sbarrier.arrive $0xFFFF  }
0x4d: {  	_ =	shalt  }

// kernel: kernel.21.cloned.1.call-start
scs
__scs_entry_jumppad:
0x0: {  	(pc) =	sbr.rel $0x88, $3  }
0x1: {  	(tag) =	ssettag $0x0;
	lr =	simm.s32 $0x1  }
0x2: {  	[smem:$0x3F90] =	sst lr;
	_ =	strace $0xD0000000  }
0x3: {  	_ = 	snop  }
0x4: {  	_ = 	snop  }
0x5: {  	_ = 	snop  }
0x6: {  	_ = 	snop  }
0x7: {  	_ = 	snop  }
__scs_overlays_trampoline_lowered:
0x8: {  	[smem:$0x3F9F] =	sst s0  }
0x9: {  	[smem:$0x3FA0] =	sst s1  }
0xa: {  	[smem:$0x3FA1] =	sst s2  }
0xb: {  	[smem:$0x3FA2] =	sst s3  }
0xc: {  	[smem:$0x3FA3] =	sst s4  }
0xd: {  	[smem:$0x3FA4] =	sst s5  }
0xe: {  	[smem:$0x3FA5] =	sst s6  }
0xf: {  	[smem:$0x3FA6] =	sst s7  }
0x10: {  	[smem:$0x3FA7] =	sst s8  }
0x11: {  	[smem:$0x3FA8] =	sst s9;
	s0 =	simm.s32 @!p0 $0x0  }
0x12: {  	s1 =	sld [smem:$0x3F8E];
	s0 =	simm.s32 @p0 $0x1  }
0x13: {  	[smem:$0x3FA9] =	sst s0;
	s0 =	simm.s32 @!p1 $0x0  }
0x14: {  	s2 =	sld [smem:$0x3F8D];
	s0 =	simm.s32 @p1 $0x1  }
0x15: {  	[smem:$0x3FAA] =	sst s0;
	s0 =	simm.s32 @!p2 $0x0  }
0x16: {  	s3 =	sld [smem:$0x3FDB];
	s0 =	simm.s32 @p2 $0x1  }
0x17: {  	s4 =	simm.s32 $0x1BF5;
	[smem:$0x3FAC] =	sst s0  }
0x18: {  	s0 =	sld [smem:$0x3F8F];
	_ =	swait.ge [sflag:s4], $0x0  }
0x19: {  	s7 =	sld [smem:$0x3F90]  }
0x1a: {  	s8 =	sadd.s32 $0xFFFFE003, lr  }
0x1b: {  	s9 =	sadd.s32 $0xFFFFFEF7, lr;
	s5 =	simm.s32 $0xFFFFFFFF;
	p2 =	slt.u32 s8, $0xFFFFF086  }
0x1c: {  	p1 =	slt.u32 s9, $0xF7A;
	s5 =	simm.s32 @!p2 $0x0  }
0x1d: {  	s5 =	simm.s32 @p1 $0x1;
	p0 =	seq.s32 s7, s2  }
0x1e: {  	s7 =	smul.u32 @!p0 $0xF7A, s2;
	p2 =	seq.s32 @!p0 s5, $0x0  }
0x1f: {  	s9 =	smul.u32 $0xF7A, s1;
	s8 =	simm.s32 @!p0 $0x1BF5;
	p2 =	por !p2, p0  }
0x20: {  	[sflag:s8] =	ssyncset.s32 @!p0 $0xFFFFF086;
	s6 =	sadd.s32 @!p0 s3, s7;
	s7 =	simm.s32 @!p0 $0x108  }
0x21: {  	s3 =	sadd.s32 s3, s9;
	s6 =	sadd.s32 @!p0 $0x88, s6;
	s7 =	simm.s32 @p2 $0x1082  }
0x22: {  	[simem:s7], [sflag:s8] =	dma.local @!p0 [hbm:s6], $0xF7A  }
0x23: {  	s9 =	sor.u32 $0xD0000000, s2;
	s6 =	simm.s32 $0x108;
	_ =	swait.ge @!p0 [sflag:s8], $0x0  }
0x24: {  	s3 =	sadd.s32 $0x88, s3;
	s6 =	simm.s32 @!p1 $0x1082;
	[sflag:s4] =	ssyncset.s32 $0xFFFFF086  }
0x25: {  	[simem:s6], [sflag:s4] =	dma.local [hbm:s3], $0xF7A  }
0x26: {  	[smem:$0x3F90] =	sst s1;
	(tag) =	ssettag s2;
	_ =	strace s9  }
0x27: {  	s1 =	sld [smem:$0x3FA0]  }
0x28: {  	s2 =	sld [smem:$0x3FA1]  }
0x29: {  	s4 =	sld [smem:$0x3FA3]  }
0x2a: {  	p0 =	seq.s32 s5, $0x0;
	s5 =	sld [smem:$0x3FA4]  }
0x2b: {  	s6 =	sld [smem:$0x3FA5]  }
0x2c: {  	s7 =	sld [smem:$0x3FA6]  }
0x2d: {  	s3 =	simm.s32 $0x108;
	s8 =	sld [smem:$0x3FA7]  }
0x2e: {  	s3 =	simm.s32 @!p0 $0x1082;
	s9 =	sld [smem:$0x3FA8]  }
0x2f: {  	lr =	sadd.s32 s0, s3;
	s0 =	sld [smem:$0x3F9F]  }
0x30: {  	s3 =	sld [smem:$0x3FA2]  }
0x31: {  	[smem:$0x3FAB] =	sst s10  }
0x32: {  	s10 =	sld [smem:$0x3FA9];
	_ =	sdelay $0x3  }
0x33: {  	p0 =	seq.s32 s10, $0x1;
	s10 =	sld [smem:$0x3FAB];
	_ =	sdelay $0x3  }
0x34: {  	[smem:$0x3FAB] =	sst s10  }
0x35: {  	s10 =	sld [smem:$0x3FAA];
	_ =	sdelay $0x3  }
0x36: {  	p1 =	seq.s32 s10, $0x1;
	s10 =	sld [smem:$0x3FAB];
	_ =	sdelay $0x3  }
0x37: {  	[smem:$0x3FAB] =	sst s10  }
0x38: {  	s10 =	sld [smem:$0x3FAC]  }
0x39: {  	_ = 	snop;
	(pc) =	sbr.ind lr, $3  }
0x3a: {  	_ = 	snop  }
0x3b: {  	_ = 	snop  }
0x3c: {  	p2 =	seq.s32 s10, $0x1;
	s10 =	sld [smem:$0x3FAB]  }
0x3d: {  	_ =	shalt  }
0x3e: {  	_ =	shalt  }
0x3f: {  	_ =	shalt  }
0x40: {  	_ =	shalt  }
0x41: {  	_ =	shalt  }
0x42: {  	_ =	shalt  }
0x43: {  	_ =	shalt  }
0x44: {  	_ =	shalt  }
0x45: {  	_ =	shalt  }
0x46: {  	_ =	shalt  }
0x47: {  	_ =	shalt  }
0x48: {  	_ =	shalt  }
0x49: {  	_ =	shalt  }
0x4a: {  	_ =	shalt  }
0x4b: {  	_ =	shalt  }
0x4c: {  	_ =	shalt  }
0x4d: {  	_ =	shalt  }
0x4e: {  	_ =	shalt  }
0x4f: {  	_ =	shalt  }
0x50: {  	_ =	shalt  }
0x51: {  	_ =	shalt  }
0x52: {  	_ =	shalt  }
0x53: {  	_ =	shalt  }
0x54: {  	_ =	shalt  }
0x55: {  	_ =	shalt  }
0x56: {  	_ =	shalt  }
0x57: {  	_ =	shalt  }
0x58: {  	_ =	shalt  }
0x59: {  	_ =	shalt  }
0x5a: {  	_ =	shalt  }
0x5b: {  	_ =	shalt  }
0x5c: {  	_ =	shalt  }
0x5d: {  	_ =	shalt  }
0x5e: {  	_ =	shalt  }
0x5f: {  	_ =	shalt  }
0x60: {  	_ =	shalt  }
0x61: {  	_ =	shalt  }
0x62: {  	_ =	shalt  }
0x63: {  	_ =	shalt  }
0x64: {  	_ =	shalt  }
0x65: {  	_ =	shalt  }
0x66: {  	_ =	shalt  }
0x67: {  	_ =	shalt  }
0x68: {  	_ =	shalt  }
0x69: {  	_ =	shalt  }
0x6a: {  	_ =	shalt  }
0x6b: {  	_ =	shalt  }
0x6c: {  	_ =	shalt  }
0x6d: {  	_ =	shalt  }
0x6e: {  	_ =	shalt  }
0x6f: {  	_ =	shalt  }
0x70: {  	_ =	shalt  }
0x71: {  	_ =	shalt  }
0x72: {  	_ =	shalt  }
0x73: {  	_ =	shalt  }
0x74: {  	_ =	shalt  }
0x75: {  	_ =	shalt  }
0x76: {  	_ =	shalt  }
0x77: {  	_ =	shalt  }
0x78: {  	_ =	shalt  }
0x79: {  	_ =	shalt  }
0x7a: {  	_ =	shalt  }
0x7b: {  	_ =	shalt  }
0x7c: {  	_ =	shalt  }
0x7d: {  	_ =	shalt  }
0x7e: {  	_ =	shalt  }
0x7f: {  	_ =	shalt  }
0x80: {  	_ =	shalt  }
0x81: {  	_ =	shalt  }
0x82: {  	_ =	shalt  }
0x83: {  	_ =	shalt  }
0x84: {  	_ =	shalt  }
0x85: {  	_ =	shalt  }
0x86: {  	_ =	shalt  }
0x87: {  	_ =	shalt  }
.Lfunc_end0:
.L_simem_size_0:
called_computation.2_lowered:
.L_overlay_start_0:
0x88: {  	s2 =	sld [smem:$0x3FD9]  }
0x89: {  	s3 =	sld [smem:$0x3FFE];
	_ =	sdelay $0x1  }
0x8a: {  	s1 =	srdreg.scid  }
0x8b: {  	s0 =	sand.u32 $0x1, s1  }
0x8c: {  	s16 =	sshll.u32 s0, $0xA;
	s2 =	sadd.s32 s3, s2  }
0x8d: {  	s2 =	sadd.s32 s2, s16  }
0x8e: {  	[smem:$0x3FB7] =	sst s2  }
0x8f: {  	_ = 	snop  }
0x90: {  	(tm) =	ssettm $0x1  }
0x91: {  	s17 =	sld [smem:$0x3FFB];
	_ =	sdelay $0x3  }
0x92: {  	_ =	strace s17  }
0x93: {  	s2 =	sld [smem:$0x3FFC];
	_ =	sdelay $0x3  }
0x94: {  	_ =	strace s2  }
0x95: {  	s2 =	sld [smem:$0x3FFD];
	_ =	sdelay $0x3  }
0x96: {  	_ =	strace s2  }
0x97: {  	_ =	strace $0x8FFFFFFF  }
0x98: {  	s18 =	sld [smem:$0x3FDB];
	_ =	sdelay $0x1  }
0x99: {  	s19 =	simm.s32 $_scs_section_size  }
0x9a: {  	s4 =	simm.s32 $_size__tile_overlayer_lowered;
	s5 =	simm.s32 $_tile_overlayer_lowered  }
0x9b: {  	s22 =	simm.s32 $0x1BFF;
	s21 =	sshll.u32 s5, $0x1;
	s2 =	sadd.s32 s19, s18  }
0x9c: {  	s6 =	simm.s32 $0x0;
	s20 =	sshll.u32 s4, $0x1;
	s4 =	sadd.s32 s21, s2  }
0x9d: {  	[timem:s6], [sflag:s22] =	dma.local [hbm:s4], s20  }
0x9e: {  	_ =	swait.ge [sflag:s22], s20  }
0x9f: {  	s3 =	ssub.s32 $0x0, s20;
	[sflag:s22] =	ssyncset.done $0x0  }
0xa0: {  	[sflag:s22] =	ssyncadd.s32 s3;
	_ =	sdelay $0x1  }
0xa1: {  	s23 =	simm.s32 $0x1B8B  }
0xa2: {  	_ =	swait.ge [sflag:s23], $0x1  }
0xa3: {  	[sflag:s23] =	ssyncset.done $0x0  }
0xa4: {  	s25 =	simm.s32 $0x1B8E;
	s24 =	sld [smem:$0x3FFE];
	[sflag:s23] =	ssyncadd.s32 $0xFFFFFFFF  }
0xa5: {  	s26 =	simm.s32 $execute0_lowered;
	[smem:$0x3FD2] =	sst s25  }
0xa6: {  	s4 =	sshll.u32 s26, $0x1;
	_ =	strace $0x8000004C;
	[dreg:$0x1] =	wrdreg $0xFFFFFFFF  }
0xa7: {  	s28 =	simm.s32 $_size_execute0_lowered;
	s2 =	sadd.s32 s2, s4;
	[dreg:$0x0] =	wrdreg $0x0  }
0xa8: {  	s4 =	sshll.u32 s28, $0x1;
	[dreg:$0x2] =	wrdreg s2  }
0xa9: {  	[dreg:$0x3] =	wrdreg s4  }
0xaa: {  	[dreg:$0x4] =	wrdreg $0xC0  }
0xab: {  	_ =	task [dreg:s6], $0x5FFFF  }
0xac: {  	[dreg:$0x1] =	wrdreg $0xFFFFFFFF  }
0xad: {  	[dreg:$0x0] =	wrdreg $0x60  }
0xae: {  	[dreg:$0x2] =	wrdreg s24  }
0xaf: {  	[dreg:$0x3] =	wrdreg $0x41000  }
0xb0: {  	[dreg:$0x4] =	wrdreg $0x9  }
0xb1: {  	_ =	task.clear_ibuf [dreg:s6], $0x5FFFF;
	_ =	strace $0x9000004C  }
0xb2: {  	s29 =	simm.s32 $0x9;
	_ =	strace $0x8000004E  }
0xb3: {  	_ =	swait.ge [sflag:s29], $0x1  }
0xb4: {  	[sflag:s29] =	ssyncadd.s32 $0xFFFFFFFF  }
0xb5: {  	_ =	strace $0x9000004E  }
0xb6: {  	_ =	sfence  }
0xb7: {  	s30 =	sld [smem:$0x0];
	_ =	sdelay $0x2  }
0xb8: {  	s31 =	sshll.u32 s1, $0xD;
	s1 =	sshrl.u32 s1, $0x2  }
0xb9: {  	s3 =	sand.u32 $0x4000, s31;
	s1 =	sadd.s32 s1, s30  }
0xba: {  	s0 =	sor.u32 s3, s0;
	s1 =	sshll.u32 s1, $0x11  }
0xbb: {  	s0 =	sor.u32 s1, s0  }
0xbc: {  	s0 =	sadd.s32 $0x8F2B, s0  }
0xbd: {  	[sflag:s0] =	ssyncadd.remote.s32 $0x1  }
0xbe: {  	_ =	sfence.sel $0xFFFF  }
0xbf: {  	[dreg:$0x0] =	wrdreg $0xFFFFFFFF;
	(pc) =	sbr.abs _section_cstart, $3  }
0xc0: {  	[dreg:$0x1] =	wrdreg $0xFFFFFFFF  }
0xc1: {  	_ =	task.clear_ibuf [dreg:s6], $0x2FFFF;
	_ =	strace $0x9FFFFFFF  }
0xc2: {  	(tm) =	ssettm $0x7FFFFFFF  }
0xc3: {  	_ =	shalt  }
tec
execute0_lowered:
.L_overlay_start_1:
0x0: {  	(tag) =	ssettag $0x1  }
0x1: {  	s5 =	rddreg [dreg:$0x0]  }
0x2: {  	s0 =	srdreg.scid;
	s2 =	rddreg [dreg:$0x1]  }
0x3: {  	s1 =	rddreg [dreg:$0x2];
	s4 =	sand.u32 $0x1, s0  }
0x4: {  	s0 =	stileid.u32;
	s6 =	smul.u32 $0x27100, s4  }
0x5: {  	s3 =	simm.s32 $0x0;
	s12 =	simm.s32 $0x80;
	s7 =	smul.u32 $0xA00, s0  }
0x6: {  	s13 =	simm.s32 $0x100;
	s14 =	simm.s32 $0x1;
	s8 =	smul.u32 $0x140000, s4  }
0x7: {  	s15 =	simm.s32 $0x0;
	[smem:$0x7FF] =	sst s3;
	s9 =	smul.u32 $0x14000, s0  }
0x8: {  	_ =	strace $0x8000004D;
	s26 =	ssub.s32 $0x2, s4;
	s28 =	smul.u32 $0x50000, s0  }
0x9: {  	s4 =	sadd.s32 $0x52A00, s5;
	s31 =	sshll.u32 s0, $0x6;
	s29 =	sshrl.u32 s26, $0x1  }
0xa: {  	s6 =	sadd.s32 s6, s5;
	s10 =	sadd.s32 s7, s5;
	s25 =	sadd.s32 s9, s8  }
0xb: {  	s8 =	ssub.s32 s26, s29;
	s30 =	sshrl.u32 s28, $0x2;
	s7 =	sshrl.u32 s25, $0x3  }
0xc: {  	s11 =	sadd.s32 s30, s2;
	s6 =	sadd.s32 $0x66800, s6;
	s8 =	smax.u32 s8, $0x1  }
0xd: {  	s9 =	sadd.s32 $0x5C800, s10;
	s7 =	sadd.s32 s7, s5;
	s5 =	sor.u32 $0x1C02, s31  }
0xe: {  	s10 =	sshrl.u32 s11, $0x3;
	s11 =	simm.s32 $0x2;
	s7 =	sadd.s32 $0xB4A00, s7  }
.LBB2_1:
0xf: {  	[spmem:s10], [sflag:s5] =	dma.local [hbm:s4], $0x2800  }
0x10: {  	_ =	swait.ge [sflag:s11], $0x2800  }
0x11: {  	[sflag:s11] =	ssyncset.done $0x0  }
0x12: {  	[sflag:s11] =	ssyncadd.s32 $0xFFFFD800  }
0x13: {  	s16 =	sadd.s32 $0x0, s9;
	[bflag:$0x0] =	sbarrier.arrive $0xFFFF  }
0x14: {  	[tilespmem:s3], [sflag:$0x2] =	stream.linear.gather [hbm4b:s16+s3], $0x100, $0x38;
	[tilespmem:$0x18100] =	vst v63  }
0x15: {  	_ =	swait.ge [sflag:s11], $0x100  }
0x16: {  	[sflag:s11] =	ssyncset.done $0x0  }
0x17: {  	[sflag:s11] =	ssyncadd.s32 $0xFFFFFF00  }
0x18: {  	[tilespmem:s13], [sflag:$0x1] =	stream.indirect.gather [hbm4b:s6+s12], $0x80, s3, s12, $0xb8;
	[tilespmem:$0x18100] =	vst v63  }
0x19: {  	_ =	swait.ge [sflag:s14], $0x4000  }
0x1a: {  	[sflag:s14] =	ssyncset.done $0x0  }
0x1b: {  	[sflag:s14] =	ssyncadd.s32 $0xFFFFC000  }
0x1c: {  	[spmem:s2] =	stream.indirect.scatter.add.f32 [tilespmem:s13], [sflag:$0x2], $0x80, s12, s12, $0xb8;
	[tilespmem:$0x18100] =	vst v63  }
0x1d: {  	_ =	swait.ge [sflag:s11], $0x4000  }
0x1e: {  	s17 =	simm.s32 $0x40;
	s16 =	simm.s32 $0x20;
	[sflag:s11] =	ssyncset.done $0x0  }
.LBB2_2:
0x1f: {  	s18 =	sadd.s32 s16, s9  }
0x20: {  	[sflag:s11] =	ssyncadd.s32 $0xFFFFC000;
	s16 =	smov.u32 s17;
	s19 =	sadd.s32 $0x20, s17  }
0x21: {  	[tilespmem:s3], [sflag:$0x2] =	stream.linear.gather [hbm4b:s18+s3], $0x100, $0x38;
	[tilespmem:$0x18100] =	vst v63  }
0x22: {  	p0 =	sne.s32 s17, $0x9E0;
	_ =	swait.ge [sflag:s11], $0x100  }
0x23: {  	[sflag:s11] =	ssyncset.done $0x0  }
0x24: {  	[sflag:s11] =	ssyncadd.s32 $0xFFFFFF00  }
0x25: {  	[tilespmem:s13], [sflag:$0x1] =	stream.indirect.gather [hbm4b:s6+s12], $0x80, s3, s12, $0xb8;
	[tilespmem:$0x18100] =	vst v63  }
0x26: {  	_ =	swait.ge [sflag:s14], $0x4000  }
.Ltmp0:
0x27: {  	[sflag:s14] =	ssyncset.done $0x0;
	(pc) =	sbr.rel @p0 .LBB2_2-.Ltmp0, $4  }
0x28: {  	[sflag:s14] =	ssyncadd.s32 $0xFFFFC000  }
0x29: {  	[spmem:s2] =	stream.indirect.scatter.add.f32 [tilespmem:s13], [sflag:$0x2], $0x80, s12, s12, $0xb8;
	[tilespmem:$0x18100] =	vst v63  }
0x2a: {  	_ =	swait.ge [sflag:s11], $0x4000  }
0x2b: {  	s17 =	smov.u32 s19;
	[sflag:s11] =	ssyncset.done $0x0  }
0x2c: {  	s16 =	sadd.s32 s16, s9;
	[sflag:s11] =	ssyncadd.s32 $0xFFFFC000  }
0x2d: {  	[tilespmem:s3], [sflag:$0x2] =	stream.linear.gather [hbm4b:s16+s3], $0x100, $0x38;
	[tilespmem:$0x18100] =	vst v63  }
0x2e: {  	_ =	swait.ge [sflag:s11], $0x100  }
0x2f: {  	[sflag:s11] =	ssyncset.done $0x0  }
0x30: {  	[sflag:s11] =	ssyncadd.s32 $0xFFFFFF00  }
0x31: {  	[tilespmem:s13], [sflag:$0x1] =	stream.indirect.gather [hbm4b:s6+s12], $0x80, s3, s12, $0xb8;
	[tilespmem:$0x18100] =	vst v63  }
0x32: {  	_ =	swait.ge [sflag:s14], $0x4000  }
0x33: {  	[sflag:s14] =	ssyncset.done $0x0  }
0x34: {  	[sflag:s14] =	ssyncadd.s32 $0xFFFFC000  }
0x35: {  	[spmem:s2] =	stream.indirect.scatter.add.f32 [tilespmem:s13], [sflag:$0x2], $0x80, s12, s12, $0xb8;
	[tilespmem:$0x18100] =	vst v63  }
0x36: {  	_ =	swait.ge [sflag:s11], $0x4000  }
0x37: {  	s15 =	sadd.s32 $0x1, s15;
	[sflag:s11] =	ssyncset.done $0x0  }
0x38: {  	p0 =	sne.s32 s15, s8;
	[sflag:s11] =	ssyncadd.s32 $0xFFFFC000  }
.Ltmp1:
0x39: {  	[bflag:$0x0] =	sbarrier.arrive $0xFFFF;
	(pc) =	sbr.rel @p0 .LBB2_1-.Ltmp1, $4  }
0x3a: {  	[hbm:s7], [sflag:s5] =	dma.local [spmem:s10], $0x2800  }
0x3b: {  	_ =	swait.ge [sflag:s11], $0x2800  }
0x3c: {  	[sflag:s11] =	ssyncset.done $0x0  }
0x3d: {  	[sflag:s11] =	ssyncadd.s32 $0xFFFFD800  }
0x3e: {  	_ =	sfence.sel $0x180000  }
0x3f: {  	[bflag:$0x0] =	sbarrier.arrive $0xFFFF  }
0x40: {  	p0 =	sne.s32 s0, $0x0;
	_ =	strace $0x9000004D  }
0x41: {  	s0 =	sadd.s32 @!p0 $0x100000, s1;
	[bflag:$0x2] =	sbarrier.arrive $0xFFFF  }
0x42: {  	[sflag:s0] =	ssyncadd.tile.s32 @!p0 $0x1;
	_ =	shalt  }
.Lfunc_end2:
_tile_overlayer_lowered:
.L_overlay_start_2:
0x43: {  	(tag) =	ssettag $0x2  }
0x44: {  	s0 =	rddreg [dreg:$0x0];
	s2 =	stileid.u32  }
0x45: {  	s1 =	rddreg [dreg:$0x1];
	p0 =	sne.s32 s2, $0x0  }
0x46: {  	s3 =	rddreg [dreg:$0x2];
	[bflag:$0x3] =	sbarrier.arrive $0xFFFF;
	s2 =	simm.s32 @!p0 $0x1C02  }
0x47: {  	[timem:s3], [sflag:s2] =	dma.local @!p0 [hbm:s0], s1  }
0x48: {  	s0 =	simm.s32 @!p0 $0x2  }
0x49: {  	_ =	swait.ge @!p0 [sflag:s0], s1  }
0x4a: {  	s1 =	ssub.s32 @!p0 $0x0, s1;
	[sflag:s0] =	ssyncset.done @!p0 $0x0  }
0x4b: {  	[sflag:s0] =	ssyncadd.s32 @!p0 s1  }
0x4c: {  	[bflag:$0x3] =	sbarrier.arrive $0xFFFF  }
0x4d: {  	_ =	shalt  }

// kernel: kernel.24.cloned.1.call-start
scs
__scs_entry_jumppad:
0x0: {  	(pc) =	sbr.rel $0x88, $3  }
0x1: {  	(tag) =	ssettag $0x0;
	lr =	simm.s32 $0x1  }
0x2: {  	[smem:$0x3F90] =	sst lr;
	_ =	strace $0xD0000000  }
0x3: {  	_ = 	snop  }
0x4: {  	_ = 	snop  }
0x5: {  	_ = 	snop  }
0x6: {  	_ = 	snop  }
0x7: {  	_ = 	snop  }
__scs_overlays_trampoline_lowered:
0x8: {  	[smem:$0x3F9F] =	sst s0  }
0x9: {  	[smem:$0x3FA0] =	sst s1  }
0xa: {  	[smem:$0x3FA1] =	sst s2  }
0xb: {  	[smem:$0x3FA2] =	sst s3  }
0xc: {  	[smem:$0x3FA3] =	sst s4  }
0xd: {  	[smem:$0x3FA4] =	sst s5  }
0xe: {  	[smem:$0x3FA5] =	sst s6  }
0xf: {  	[smem:$0x3FA6] =	sst s7  }
0x10: {  	[smem:$0x3FA7] =	sst s8  }
0x11: {  	[smem:$0x3FA8] =	sst s9;
	s0 =	simm.s32 @!p0 $0x0  }
0x12: {  	s1 =	sld [smem:$0x3F8E];
	s0 =	simm.s32 @p0 $0x1  }
0x13: {  	[smem:$0x3FA9] =	sst s0;
	s0 =	simm.s32 @!p1 $0x0  }
0x14: {  	s2 =	sld [smem:$0x3F8D];
	s0 =	simm.s32 @p1 $0x1  }
0x15: {  	[smem:$0x3FAA] =	sst s0;
	s0 =	simm.s32 @!p2 $0x0  }
0x16: {  	s3 =	sld [smem:$0x3FDB];
	s0 =	simm.s32 @p2 $0x1  }
0x17: {  	s4 =	simm.s32 $0x1BF5;
	[smem:$0x3FAC] =	sst s0  }
0x18: {  	s0 =	sld [smem:$0x3F8F];
	_ =	swait.ge [sflag:s4], $0x0  }
0x19: {  	s7 =	sld [smem:$0x3F90]  }
0x1a: {  	s8 =	sadd.s32 $0xFFFFE003, lr  }
0x1b: {  	s9 =	sadd.s32 $0xFFFFFEF7, lr;
	s5 =	simm.s32 $0xFFFFFFFF;
	p2 =	slt.u32 s8, $0xFFFFF086  }
0x1c: {  	p1 =	slt.u32 s9, $0xF7A;
	s5 =	simm.s32 @!p2 $0x0  }
0x1d: {  	s5 =	simm.s32 @p1 $0x1;
	p0 =	seq.s32 s7, s2  }
0x1e: {  	s7 =	smul.u32 @!p0 $0xF7A, s2;
	p2 =	seq.s32 @!p0 s5, $0x0  }
0x1f: {  	s9 =	smul.u32 $0xF7A, s1;
	s8 =	simm.s32 @!p0 $0x1BF5;
	p2 =	por !p2, p0  }
0x20: {  	[sflag:s8] =	ssyncset.s32 @!p0 $0xFFFFF086;
	s6 =	sadd.s32 @!p0 s3, s7;
	s7 =	simm.s32 @!p0 $0x108  }
0x21: {  	s3 =	sadd.s32 s3, s9;
	s6 =	sadd.s32 @!p0 $0x88, s6;
	s7 =	simm.s32 @p2 $0x1082  }
0x22: {  	[simem:s7], [sflag:s8] =	dma.local @!p0 [hbm:s6], $0xF7A  }
0x23: {  	s9 =	sor.u32 $0xD0000000, s2;
	s6 =	simm.s32 $0x108;
	_ =	swait.ge @!p0 [sflag:s8], $0x0  }
0x24: {  	s3 =	sadd.s32 $0x88, s3;
	s6 =	simm.s32 @!p1 $0x1082;
	[sflag:s4] =	ssyncset.s32 $0xFFFFF086  }
0x25: {  	[simem:s6], [sflag:s4] =	dma.local [hbm:s3], $0xF7A  }
0x26: {  	[smem:$0x3F90] =	sst s1;
	(tag) =	ssettag s2;
	_ =	strace s9  }
0x27: {  	s1 =	sld [smem:$0x3FA0]  }
0x28: {  	s2 =	sld [smem:$0x3FA1]  }
0x29: {  	s4 =	sld [smem:$0x3FA3]  }
0x2a: {  	p0 =	seq.s32 s5, $0x0;
	s5 =	sld [smem:$0x3FA4]  }
0x2b: {  	s6 =	sld [smem:$0x3FA5]  }
0x2c: {  	s7 =	sld [smem:$0x3FA6]  }
0x2d: {  	s3 =	simm.s32 $0x108;
	s8 =	sld [smem:$0x3FA7]  }
0x2e: {  	s3 =	simm.s32 @!p0 $0x1082;
	s9 =	sld [smem:$0x3FA8]  }
0x2f: {  	lr =	sadd.s32 s0, s3;
	s0 =	sld [smem:$0x3F9F]  }
0x30: {  	s3 =	sld [smem:$0x3FA2]  }
0x31: {  	[smem:$0x3FAB] =	sst s10  }
0x32: {  	s10 =	sld [smem:$0x3FA9];
	_ =	sdelay $0x3  }
0x33: {  	p0 =	seq.s32 s10, $0x1;
	s10 =	sld [smem:$0x3FAB];
	_ =	sdelay $0x3  }
0x34: {  	[smem:$0x3FAB] =	sst s10  }
0x35: {  	s10 =	sld [smem:$0x3FAA];
	_ =	sdelay $0x3  }
0x36: {  	p1 =	seq.s32 s10, $0x1;
	s10 =	sld [smem:$0x3FAB];
	_ =	sdelay $0x3  }
0x37: {  	[smem:$0x3FAB] =	sst s10  }
0x38: {  	s10 =	sld [smem:$0x3FAC]  }
0x39: {  	_ = 	snop;
	(pc) =	sbr.ind lr, $3  }
0x3a: {  	_ = 	snop  }
0x3b: {  	_ = 	snop  }
0x3c: {  	p2 =	seq.s32 s10, $0x1;
	s10 =	sld [smem:$0x3FAB]  }
0x3d: {  	_ =	shalt  }
0x3e: {  	_ =	shalt  }
0x3f: {  	_ =	shalt  }
0x40: {  	_ =	shalt  }
0x41: {  	_ =	shalt  }
0x42: {  	_ =	shalt  }
0x43: {  	_ =	shalt  }
0x44: {  	_ =	shalt  }
0x45: {  	_ =	shalt  }
0x46: {  	_ =	shalt  }
0x47: {  	_ =	shalt  }
0x48: {  	_ =	shalt  }
0x49: {  	_ =	shalt  }
0x4a: {  	_ =	shalt  }
0x4b: {  	_ =	shalt  }
0x4c: {  	_ =	shalt  }
0x4d: {  	_ =	shalt  }
0x4e: {  	_ =	shalt  }
0x4f: {  	_ =	shalt  }
0x50: {  	_ =	shalt  }
0x51: {  	_ =	shalt  }
0x52: {  	_ =	shalt  }
0x53: {  	_ =	shalt  }
0x54: {  	_ =	shalt  }
0x55: {  	_ =	shalt  }
0x56: {  	_ =	shalt  }
0x57: {  	_ =	shalt  }
0x58: {  	_ =	shalt  }
0x59: {  	_ =	shalt  }
0x5a: {  	_ =	shalt  }
0x5b: {  	_ =	shalt  }
0x5c: {  	_ =	shalt  }
0x5d: {  	_ =	shalt  }
0x5e: {  	_ =	shalt  }
0x5f: {  	_ =	shalt  }
0x60: {  	_ =	shalt  }
0x61: {  	_ =	shalt  }
0x62: {  	_ =	shalt  }
0x63: {  	_ =	shalt  }
0x64: {  	_ =	shalt  }
0x65: {  	_ =	shalt  }
0x66: {  	_ =	shalt  }
0x67: {  	_ =	shalt  }
0x68: {  	_ =	shalt  }
0x69: {  	_ =	shalt  }
0x6a: {  	_ =	shalt  }
0x6b: {  	_ =	shalt  }
0x6c: {  	_ =	shalt  }
0x6d: {  	_ =	shalt  }
0x6e: {  	_ =	shalt  }
0x6f: {  	_ =	shalt  }
0x70: {  	_ =	shalt  }
0x71: {  	_ =	shalt  }
0x72: {  	_ =	shalt  }
0x73: {  	_ =	shalt  }
0x74: {  	_ =	shalt  }
0x75: {  	_ =	shalt  }
0x76: {  	_ =	shalt  }
0x77: {  	_ =	shalt  }
0x78: {  	_ =	shalt  }
0x79: {  	_ =	shalt  }
0x7a: {  	_ =	shalt  }
0x7b: {  	_ =	shalt  }
0x7c: {  	_ =	shalt  }
0x7d: {  	_ =	shalt  }
0x7e: {  	_ =	shalt  }
0x7f: {  	_ =	shalt  }
0x80: {  	_ =	shalt  }
0x81: {  	_ =	shalt  }
0x82: {  	_ =	shalt  }
0x83: {  	_ =	shalt  }
0x84: {  	_ =	shalt  }
0x85: {  	_ =	shalt  }
0x86: {  	_ =	shalt  }
0x87: {  	_ =	shalt  }
.Lfunc_end0:
.L_simem_size_0:
called_computation.3_lowered:
.L_overlay_start_0:
0x88: {  	s2 =	sld [smem:$0x3FD9]  }
0x89: {  	s3 =	sld [smem:$0x3FFE];
	_ =	sdelay $0x1  }
0x8a: {  	s1 =	srdreg.scid  }
0x8b: {  	s0 =	sand.u32 $0x1, s1  }
0x8c: {  	s16 =	sshll.u32 s0, $0xA;
	s2 =	sadd.s32 s3, s2  }
0x8d: {  	s2 =	sadd.s32 s2, s16  }
0x8e: {  	[smem:$0x3FB7] =	sst s2  }
0x8f: {  	_ = 	snop  }
0x90: {  	(tm) =	ssettm $0x1  }
0x91: {  	s17 =	sld [smem:$0x3FFB];
	_ =	sdelay $0x3  }
0x92: {  	_ =	strace s17  }
0x93: {  	s2 =	sld [smem:$0x3FFC];
	_ =	sdelay $0x3  }
0x94: {  	_ =	strace s2  }
0x95: {  	s2 =	sld [smem:$0x3FFD];
	_ =	sdelay $0x3  }
0x96: {  	_ =	strace s2  }
0x97: {  	_ =	strace $0x8FFFFFFF  }
0x98: {  	s18 =	sld [smem:$0x3FDB];
	_ =	sdelay $0x1  }
0x99: {  	s19 =	simm.s32 $_scs_section_size  }
0x9a: {  	s4 =	simm.s32 $_size__tile_overlayer_lowered;
	s5 =	simm.s32 $_tile_overlayer_lowered  }
0x9b: {  	s22 =	simm.s32 $0x1BFF;
	s21 =	sshll.u32 s5, $0x1;
	s2 =	sadd.s32 s19, s18  }
0x9c: {  	s6 =	simm.s32 $0x0;
	s20 =	sshll.u32 s4, $0x1;
	s4 =	sadd.s32 s21, s2  }
0x9d: {  	[timem:s6], [sflag:s22] =	dma.local [hbm:s4], s20  }
0x9e: {  	_ =	swait.ge [sflag:s22], s20  }
0x9f: {  	s3 =	ssub.s32 $0x0, s20;
	[sflag:s22] =	ssyncset.done $0x0  }
0xa0: {  	[sflag:s22] =	ssyncadd.s32 s3;
	_ =	sdelay $0x1  }
0xa1: {  	s23 =	simm.s32 $0x1B8B  }
0xa2: {  	_ =	swait.ge [sflag:s23], $0x1  }
0xa3: {  	[sflag:s23] =	ssyncset.done $0x0  }
0xa4: {  	s25 =	simm.s32 $0x1B8E;
	s24 =	sld [smem:$0x3FFE];
	[sflag:s23] =	ssyncadd.s32 $0xFFFFFFFF  }
0xa5: {  	s26 =	simm.s32 $execute0_lowered;
	[smem:$0x3FD2] =	sst s25  }
0xa6: {  	s4 =	sshll.u32 s26, $0x1;
	_ =	strace $0x8000004F;
	[dreg:$0x1] =	wrdreg $0xFFFFFFFF  }
0xa7: {  	s28 =	simm.s32 $_size_execute0_lowered;
	s2 =	sadd.s32 s2, s4;
	[dreg:$0x0] =	wrdreg $0x0  }
0xa8: {  	s4 =	sshll.u32 s28, $0x1;
	[dreg:$0x2] =	wrdreg s2  }
0xa9: {  	[dreg:$0x3] =	wrdreg s4  }
0xaa: {  	[dreg:$0x4] =	wrdreg $0xC0  }
0xab: {  	_ =	task [dreg:s6], $0x5FFFF  }
0xac: {  	[dreg:$0x1] =	wrdreg $0xFFFFFFFF  }
0xad: {  	[dreg:$0x0] =	wrdreg $0x60  }
0xae: {  	[dreg:$0x2] =	wrdreg s24  }
0xaf: {  	[dreg:$0x3] =	wrdreg $0x41000  }
0xb0: {  	[dreg:$0x4] =	wrdreg $0x9  }
0xb1: {  	_ =	task.clear_ibuf [dreg:s6], $0x5FFFF;
	_ =	strace $0x9000004F  }
0xb2: {  	s29 =	simm.s32 $0x9;
	_ =	strace $0x80000051  }
0xb3: {  	_ =	swait.ge [sflag:s29], $0x1  }
0xb4: {  	[sflag:s29] =	ssyncadd.s32 $0xFFFFFFFF  }
0xb5: {  	_ =	strace $0x90000051  }
0xb6: {  	_ =	sfence  }
0xb7: {  	s30 =	sld [smem:$0x0];
	_ =	sdelay $0x2  }
0xb8: {  	s31 =	sshll.u32 s1, $0xD;
	s1 =	sshrl.u32 s1, $0x2  }
0xb9: {  	s3 =	sand.u32 $0x4000, s31;
	s1 =	sadd.s32 s1, s30  }
0xba: {  	s0 =	sor.u32 s3, s0;
	s1 =	sshll.u32 s1, $0x11  }
0xbb: {  	s0 =	sor.u32 s1, s0  }
0xbc: {  	s0 =	sadd.s32 $0x8F2B, s0  }
0xbd: {  	[sflag:s0] =	ssyncadd.remote.s32 $0x1  }
0xbe: {  	_ =	sfence.sel $0xFFFF  }
0xbf: {  	[dreg:$0x0] =	wrdreg $0xFFFFFFFF;
	(pc) =	sbr.abs _section_cstart, $3  }
0xc0: {  	[dreg:$0x1] =	wrdreg $0xFFFFFFFF  }
0xc1: {  	_ =	task.clear_ibuf [dreg:s6], $0x2FFFF;
	_ =	strace $0x9FFFFFFF  }
0xc2: {  	(tm) =	ssettm $0x7FFFFFFF  }
0xc3: {  	_ =	shalt  }
tec
execute0_lowered:
.L_overlay_start_1:
0x0: {  	(tag) =	ssettag $0x1  }
0x1: {  	s5 =	rddreg [dreg:$0x0]  }
0x2: {  	s0 =	srdreg.scid;
	s2 =	rddreg [dreg:$0x1]  }
0x3: {  	s1 =	rddreg [dreg:$0x2];
	s4 =	sand.u32 $0x1, s0  }
0x4: {  	s0 =	stileid.u32;
	s6 =	smul.u32 $0x27100, s4  }
0x5: {  	s3 =	simm.s32 $0x0;
	s12 =	simm.s32 $0x80;
	s7 =	smul.u32 $0xA00, s0  }
0x6: {  	s13 =	simm.s32 $0x100;
	s14 =	simm.s32 $0x1;
	s8 =	smul.u32 $0x140000, s4  }
0x7: {  	s15 =	simm.s32 $0x0;
	[smem:$0x7FF] =	sst s3;
	s9 =	smul.u32 $0x14000, s0  }
0x8: {  	_ =	strace $0x80000050;
	s26 =	ssub.s32 $0x2, s4;
	s28 =	smul.u32 $0x50000, s0  }
0x9: {  	s4 =	sadd.s32 $0x52A00, s5;
	s31 =	sshll.u32 s0, $0x6;
	s29 =	sshrl.u32 s26, $0x1  }
0xa: {  	s6 =	sadd.s32 s6, s5;
	s10 =	sadd.s32 s7, s5;
	s25 =	sadd.s32 s9, s8  }
0xb: {  	s8 =	ssub.s32 s26, s29;
	s30 =	sshrl.u32 s28, $0x2;
	s7 =	sshrl.u32 s25, $0x3  }
0xc: {  	s11 =	sadd.s32 s30, s2;
	s6 =	sadd.s32 $0x4800, s6;
	s8 =	smax.u32 s8, $0x1  }
0xd: {  	s9 =	sadd.s32 $0x5C800, s10;
	s7 =	sadd.s32 s7, s5;
	s5 =	sor.u32 $0x1C02, s31  }
0xe: {  	s10 =	sshrl.u32 s11, $0x3;
	s11 =	simm.s32 $0x2;
	s7 =	sadd.s32 $0xB4A00, s7  }
.LBB2_1:
0xf: {  	[spmem:s10], [sflag:s5] =	dma.local [hbm:s4], $0x2800  }
0x10: {  	_ =	swait.ge [sflag:s11], $0x2800  }
0x11: {  	[sflag:s11] =	ssyncset.done $0x0  }
0x12: {  	[sflag:s11] =	ssyncadd.s32 $0xFFFFD800  }
0x13: {  	s16 =	sadd.s32 $0x0, s9;
	[bflag:$0x0] =	sbarrier.arrive $0xFFFF  }
0x14: {  	[tilespmem:s3], [sflag:$0x2] =	stream.linear.gather [hbm4b:s16+s3], $0x100, $0x38;
	[tilespmem:$0x18100] =	vst v63  }
0x15: {  	_ =	swait.ge [sflag:s11], $0x100  }
0x16: {  	[sflag:s11] =	ssyncset.done $0x0  }
0x17: {  	[sflag:s11] =	ssyncadd.s32 $0xFFFFFF00  }
0x18: {  	[tilespmem:s13], [sflag:$0x1] =	stream.indirect.gather [hbm4b:s6+s12], $0x80, s3, s12, $0xb8;
	[tilespmem:$0x18100] =	vst v63  }
0x19: {  	_ =	swait.ge [sflag:s14], $0x4000  }
0x1a: {  	[sflag:s14] =	ssyncset.done $0x0  }
0x1b: {  	[sflag:s14] =	ssyncadd.s32 $0xFFFFC000  }
0x1c: {  	[spmem:s2] =	stream.indirect.scatter.add.f32 [tilespmem:s13], [sflag:$0x2], $0x80, s12, s12, $0xb8;
	[tilespmem:$0x18100] =	vst v63  }
0x1d: {  	_ =	swait.ge [sflag:s11], $0x4000  }
0x1e: {  	s17 =	simm.s32 $0x40;
	s16 =	simm.s32 $0x20;
	[sflag:s11] =	ssyncset.done $0x0  }
.LBB2_2:
0x1f: {  	s18 =	sadd.s32 s16, s9  }
0x20: {  	[sflag:s11] =	ssyncadd.s32 $0xFFFFC000;
	s16 =	smov.u32 s17;
	s19 =	sadd.s32 $0x20, s17  }
0x21: {  	[tilespmem:s3], [sflag:$0x2] =	stream.linear.gather [hbm4b:s18+s3], $0x100, $0x38;
	[tilespmem:$0x18100] =	vst v63  }
0x22: {  	p0 =	sne.s32 s17, $0x9E0;
	_ =	swait.ge [sflag:s11], $0x100  }
0x23: {  	[sflag:s11] =	ssyncset.done $0x0  }
0x24: {  	[sflag:s11] =	ssyncadd.s32 $0xFFFFFF00  }
0x25: {  	[tilespmem:s13], [sflag:$0x1] =	stream.indirect.gather [hbm4b:s6+s12], $0x80, s3, s12, $0xb8;
	[tilespmem:$0x18100] =	vst v63  }
0x26: {  	_ =	swait.ge [sflag:s14], $0x4000  }
.Ltmp0:
0x27: {  	[sflag:s14] =	ssyncset.done $0x0;
	(pc) =	sbr.rel @p0 .LBB2_2-.Ltmp0, $4  }
0x28: {  	[sflag:s14] =	ssyncadd.s32 $0xFFFFC000  }
0x29: {  	[spmem:s2] =	stream.indirect.scatter.add.f32 [tilespmem:s13], [sflag:$0x2], $0x80, s12, s12, $0xb8;
	[tilespmem:$0x18100] =	vst v63  }
0x2a: {  	_ =	swait.ge [sflag:s11], $0x4000  }
0x2b: {  	s17 =	smov.u32 s19;
	[sflag:s11] =	ssyncset.done $0x0  }
0x2c: {  	s16 =	sadd.s32 s16, s9;
	[sflag:s11] =	ssyncadd.s32 $0xFFFFC000  }
0x2d: {  	[tilespmem:s3], [sflag:$0x2] =	stream.linear.gather [hbm4b:s16+s3], $0x100, $0x38;
	[tilespmem:$0x18100] =	vst v63  }
0x2e: {  	_ =	swait.ge [sflag:s11], $0x100  }
0x2f: {  	[sflag:s11] =	ssyncset.done $0x0  }
0x30: {  	[sflag:s11] =	ssyncadd.s32 $0xFFFFFF00  }
0x31: {  	[tilespmem:s13], [sflag:$0x1] =	stream.indirect.gather [hbm4b:s6+s12], $0x80, s3, s12, $0xb8;
	[tilespmem:$0x18100] =	vst v63  }
0x32: {  	_ =	swait.ge [sflag:s14], $0x4000  }
0x33: {  	[sflag:s14] =	ssyncset.done $0x0  }
0x34: {  	[sflag:s14] =	ssyncadd.s32 $0xFFFFC000  }
0x35: {  	[spmem:s2] =	stream.indirect.scatter.add.f32 [tilespmem:s13], [sflag:$0x2], $0x80, s12, s12, $0xb8;
	[tilespmem:$0x18100] =	vst v63  }
0x36: {  	_ =	swait.ge [sflag:s11], $0x4000  }
0x37: {  	s15 =	sadd.s32 $0x1, s15;
	[sflag:s11] =	ssyncset.done $0x0  }
0x38: {  	p0 =	sne.s32 s15, s8;
	[sflag:s11] =	ssyncadd.s32 $0xFFFFC000  }
.Ltmp1:
0x39: {  	[bflag:$0x0] =	sbarrier.arrive $0xFFFF;
	(pc) =	sbr.rel @p0 .LBB2_1-.Ltmp1, $4  }
0x3a: {  	[hbm:s7], [sflag:s5] =	dma.local [spmem:s10], $0x2800  }
0x3b: {  	_ =	swait.ge [sflag:s11], $0x2800  }
0x3c: {  	[sflag:s11] =	ssyncset.done $0x0  }
0x3d: {  	[sflag:s11] =	ssyncadd.s32 $0xFFFFD800  }
0x3e: {  	_ =	sfence.sel $0x180000  }
0x3f: {  	[bflag:$0x0] =	sbarrier.arrive $0xFFFF  }
0x40: {  	p0 =	sne.s32 s0, $0x0;
	_ =	strace $0x90000050  }
0x41: {  	s0 =	sadd.s32 @!p0 $0x100000, s1;
	[bflag:$0x2] =	sbarrier.arrive $0xFFFF  }
0x42: {  	[sflag:s0] =	ssyncadd.tile.s32 @!p0 $0x1;
	_ =	shalt  }
.Lfunc_end2:
_tile_overlayer_lowered:
.L_overlay_start_2:
0x43: {  	(tag) =	ssettag $0x2  }
0x44: {  	s0 =	rddreg [dreg:$0x0];
	s2 =	stileid.u32  }
0x45: {  	s1 =	rddreg [dreg:$0x1];
	p0 =	sne.s32 s2, $0x0  }
0x46: {  	s3 =	rddreg [dreg:$0x2];
	[bflag:$0x3] =	sbarrier.arrive $0xFFFF;
	s2 =	simm.s32 @!p0 $0x1C02  }
0x47: {  	[timem:s3], [sflag:s2] =	dma.local @!p0 [hbm:s0], s1  }
0x48: {  	s0 =	simm.s32 @!p0 $0x2  }
0x49: {  	_ =	swait.ge @!p0 [sflag:s0], s1  }
0x4a: {  	s1 =	ssub.s32 @!p0 $0x0, s1;
	[sflag:s0] =	ssyncset.done @!p0 $0x0  }
0x4b: {  	[sflag:s0] =	ssyncadd.s32 @!p0 s1  }
0x4c: {  	[bflag:$0x3] =	sbarrier.arrive $0xFFFF  }
0x4d: {  	_ =	shalt  }

// kernel: kernel.27.cloned.1.call-start
scs
__scs_entry_jumppad:
0x0: {  	(pc) =	sbr.rel $0x88, $3  }
0x1: {  	(tag) =	ssettag $0x0;
	lr =	simm.s32 $0x1  }
0x2: {  	[smem:$0x3F90] =	sst lr;
	_ =	strace $0xD0000000  }
0x3: {  	_ = 	snop  }
0x4: {  	_ = 	snop  }
0x5: {  	_ = 	snop  }
0x6: {  	_ = 	snop  }
0x7: {  	_ = 	snop  }
__scs_overlays_trampoline_lowered:
0x8: {  	[smem:$0x3F9F] =	sst s0  }
0x9: {  	[smem:$0x3FA0] =	sst s1  }
0xa: {  	[smem:$0x3FA1] =	sst s2  }
0xb: {  	[smem:$0x3FA2] =	sst s3  }
0xc: {  	[smem:$0x3FA3] =	sst s4  }
0xd: {  	[smem:$0x3FA4] =	sst s5  }
0xe: {  	[smem:$0x3FA5] =	sst s6  }
0xf: {  	[smem:$0x3FA6] =	sst s7  }
0x10: {  	[smem:$0x3FA7] =	sst s8  }
0x11: {  	[smem:$0x3FA8] =	sst s9;
	s0 =	simm.s32 @!p0 $0x0  }
0x12: {  	s1 =	sld [smem:$0x3F8E];
	s0 =	simm.s32 @p0 $0x1  }
0x13: {  	[smem:$0x3FA9] =	sst s0;
	s0 =	simm.s32 @!p1 $0x0  }
0x14: {  	s2 =	sld [smem:$0x3F8D];
	s0 =	simm.s32 @p1 $0x1  }
0x15: {  	[smem:$0x3FAA] =	sst s0;
	s0 =	simm.s32 @!p2 $0x0  }
0x16: {  	s3 =	sld [smem:$0x3FDB];
	s0 =	simm.s32 @p2 $0x1  }
0x17: {  	s4 =	simm.s32 $0x1BF5;
	[smem:$0x3FAC] =	sst s0  }
0x18: {  	s0 =	sld [smem:$0x3F8F];
	_ =	swait.ge [sflag:s4], $0x0  }
0x19: {  	s7 =	sld [smem:$0x3F90]  }
0x1a: {  	s8 =	sadd.s32 $0xFFFFE003, lr  }
0x1b: {  	s9 =	sadd.s32 $0xFFFFFEF7, lr;
	s5 =	simm.s32 $0xFFFFFFFF;
	p2 =	slt.u32 s8, $0xFFFFF086  }
0x1c: {  	p1 =	slt.u32 s9, $0xF7A;
	s5 =	simm.s32 @!p2 $0x0  }
0x1d: {  	s5 =	simm.s32 @p1 $0x1;
	p0 =	seq.s32 s7, s2  }
0x1e: {  	s7 =	smul.u32 @!p0 $0xF7A, s2;
	p2 =	seq.s32 @!p0 s5, $0x0  }
0x1f: {  	s9 =	smul.u32 $0xF7A, s1;
	s8 =	simm.s32 @!p0 $0x1BF5;
	p2 =	por !p2, p0  }
0x20: {  	[sflag:s8] =	ssyncset.s32 @!p0 $0xFFFFF086;
	s6 =	sadd.s32 @!p0 s3, s7;
	s7 =	simm.s32 @!p0 $0x108  }
0x21: {  	s3 =	sadd.s32 s3, s9;
	s6 =	sadd.s32 @!p0 $0x88, s6;
	s7 =	simm.s32 @p2 $0x1082  }
0x22: {  	[simem:s7], [sflag:s8] =	dma.local @!p0 [hbm:s6], $0xF7A  }
0x23: {  	s9 =	sor.u32 $0xD0000000, s2;
	s6 =	simm.s32 $0x108;
	_ =	swait.ge @!p0 [sflag:s8], $0x0  }
0x24: {  	s3 =	sadd.s32 $0x88, s3;
	s6 =	simm.s32 @!p1 $0x1082;
	[sflag:s4] =	ssyncset.s32 $0xFFFFF086  }
0x25: {  	[simem:s6], [sflag:s4] =	dma.local [hbm:s3], $0xF7A  }
0x26: {  	[smem:$0x3F90] =	sst s1;
	(tag) =	ssettag s2;
	_ =	strace s9  }
0x27: {  	s1 =	sld [smem:$0x3FA0]  }
0x28: {  	s2 =	sld [smem:$0x3FA1]  }
0x29: {  	s4 =	sld [smem:$0x3FA3]  }
0x2a: {  	p0 =	seq.s32 s5, $0x0;
	s5 =	sld [smem:$0x3FA4]  }
0x2b: {  	s6 =	sld [smem:$0x3FA5]  }
0x2c: {  	s7 =	sld [smem:$0x3FA6]  }
0x2d: {  	s3 =	simm.s32 $0x108;
	s8 =	sld [smem:$0x3FA7]  }
0x2e: {  	s3 =	simm.s32 @!p0 $0x1082;
	s9 =	sld [smem:$0x3FA8]  }
0x2f: {  	lr =	sadd.s32 s0, s3;
	s0 =	sld [smem:$0x3F9F]  }
0x30: {  	s3 =	sld [smem:$0x3FA2]  }
0x31: {  	[smem:$0x3FAB] =	sst s10  }
0x32: {  	s10 =	sld [smem:$0x3FA9];
	_ =	sdelay $0x3  }
0x33: {  	p0 =	seq.s32 s10, $0x1;
	s10 =	sld [smem:$0x3FAB];
	_ =	sdelay $0x3  }
0x34: {  	[smem:$0x3FAB] =	sst s10  }
0x35: {  	s10 =	sld [smem:$0x3FAA];
	_ =	sdelay $0x3  }
0x36: {  	p1 =	seq.s32 s10, $0x1;
	s10 =	sld [smem:$0x3FAB];
	_ =	sdelay $0x3  }
0x37: {  	[smem:$0x3FAB] =	sst s10  }
0x38: {  	s10 =	sld [smem:$0x3FAC]  }
0x39: {  	_ = 	snop;
	(pc) =	sbr.ind lr, $3  }
0x3a: {  	_ = 	snop  }
0x3b: {  	_ = 	snop  }
0x3c: {  	p2 =	seq.s32 s10, $0x1;
	s10 =	sld [smem:$0x3FAB]  }
0x3d: {  	_ =	shalt  }
0x3e: {  	_ =	shalt  }
0x3f: {  	_ =	shalt  }
0x40: {  	_ =	shalt  }
0x41: {  	_ =	shalt  }
0x42: {  	_ =	shalt  }
0x43: {  	_ =	shalt  }
0x44: {  	_ =	shalt  }
0x45: {  	_ =	shalt  }
0x46: {  	_ =	shalt  }
0x47: {  	_ =	shalt  }
0x48: {  	_ =	shalt  }
0x49: {  	_ =	shalt  }
0x4a: {  	_ =	shalt  }
0x4b: {  	_ =	shalt  }
0x4c: {  	_ =	shalt  }
0x4d: {  	_ =	shalt  }
0x4e: {  	_ =	shalt  }
0x4f: {  	_ =	shalt  }
0x50: {  	_ =	shalt  }
0x51: {  	_ =	shalt  }
0x52: {  	_ =	shalt  }
0x53: {  	_ =	shalt  }
0x54: {  	_ =	shalt  }
0x55: {  	_ =	shalt  }
0x56: {  	_ =	shalt  }
0x57: {  	_ =	shalt  }
0x58: {  	_ =	shalt  }
0x59: {  	_ =	shalt  }
0x5a: {  	_ =	shalt  }
0x5b: {  	_ =	shalt  }
0x5c: {  	_ =	shalt  }
0x5d: {  	_ =	shalt  }
0x5e: {  	_ =	shalt  }
0x5f: {  	_ =	shalt  }
0x60: {  	_ =	shalt  }
0x61: {  	_ =	shalt  }
0x62: {  	_ =	shalt  }
0x63: {  	_ =	shalt  }
0x64: {  	_ =	shalt  }
0x65: {  	_ =	shalt  }
0x66: {  	_ =	shalt  }
0x67: {  	_ =	shalt  }
0x68: {  	_ =	shalt  }
0x69: {  	_ =	shalt  }
0x6a: {  	_ =	shalt  }
0x6b: {  	_ =	shalt  }
0x6c: {  	_ =	shalt  }
0x6d: {  	_ =	shalt  }
0x6e: {  	_ =	shalt  }
0x6f: {  	_ =	shalt  }
0x70: {  	_ =	shalt  }
0x71: {  	_ =	shalt  }
0x72: {  	_ =	shalt  }
0x73: {  	_ =	shalt  }
0x74: {  	_ =	shalt  }
0x75: {  	_ =	shalt  }
0x76: {  	_ =	shalt  }
0x77: {  	_ =	shalt  }
0x78: {  	_ =	shalt  }
0x79: {  	_ =	shalt  }
0x7a: {  	_ =	shalt  }
0x7b: {  	_ =	shalt  }
0x7c: {  	_ =	shalt  }
0x7d: {  	_ =	shalt  }
0x7e: {  	_ =	shalt  }
0x7f: {  	_ =	shalt  }
0x80: {  	_ =	shalt  }
0x81: {  	_ =	shalt  }
0x82: {  	_ =	shalt  }
0x83: {  	_ =	shalt  }
0x84: {  	_ =	shalt  }
0x85: {  	_ =	shalt  }
0x86: {  	_ =	shalt  }
0x87: {  	_ =	shalt  }
.Lfunc_end0:
.L_simem_size_0:
called_computation.4_lowered:
.L_overlay_start_0:
0x88: {  	s2 =	sld [smem:$0x3FD9]  }
0x89: {  	s3 =	sld [smem:$0x3FFE];
	_ =	sdelay $0x1  }
0x8a: {  	s1 =	srdreg.scid  }
0x8b: {  	s0 =	sand.u32 $0x1, s1  }
0x8c: {  	s16 =	sshll.u32 s0, $0xA;
	s2 =	sadd.s32 s3, s2  }
0x8d: {  	s2 =	sadd.s32 s2, s16  }
0x8e: {  	[smem:$0x3FB7] =	sst s2  }
0x8f: {  	_ = 	snop  }
0x90: {  	(tm) =	ssettm $0x1  }
0x91: {  	s17 =	sld [smem:$0x3FFB];
	_ =	sdelay $0x3  }
0x92: {  	_ =	strace s17  }
0x93: {  	s2 =	sld [smem:$0x3FFC];
	_ =	sdelay $0x3  }
0x94: {  	_ =	strace s2  }
0x95: {  	s2 =	sld [smem:$0x3FFD];
	_ =	sdelay $0x3  }
0x96: {  	_ =	strace s2  }
0x97: {  	_ =	strace $0x8FFFFFFF  }
0x98: {  	s18 =	sld [smem:$0x3FDB];
	_ =	sdelay $0x1  }
0x99: {  	s19 =	simm.s32 $_scs_section_size  }
0x9a: {  	s4 =	simm.s32 $_size__tile_overlayer_lowered;
	s5 =	simm.s32 $_tile_overlayer_lowered  }
0x9b: {  	s22 =	simm.s32 $0x1BFF;
	s21 =	sshll.u32 s5, $0x1;
	s2 =	sadd.s32 s19, s18  }
0x9c: {  	s6 =	simm.s32 $0x0;
	s20 =	sshll.u32 s4, $0x1;
	s4 =	sadd.s32 s21, s2  }
0x9d: {  	[timem:s6], [sflag:s22] =	dma.local [hbm:s4], s20  }
0x9e: {  	_ =	swait.ge [sflag:s22], s20  }
0x9f: {  	s3 =	ssub.s32 $0x0, s20;
	[sflag:s22] =	ssyncset.done $0x0  }
0xa0: {  	[sflag:s22] =	ssyncadd.s32 s3;
	_ =	sdelay $0x1  }
0xa1: {  	s23 =	simm.s32 $0x1B8B  }
0xa2: {  	_ =	swait.ge [sflag:s23], $0x1  }
0xa3: {  	[sflag:s23] =	ssyncset.done $0x0  }
0xa4: {  	s25 =	simm.s32 $0x1B8E;
	s24 =	sld [smem:$0x3FFE];
	[sflag:s23] =	ssyncadd.s32 $0xFFFFFFFF  }
0xa5: {  	s26 =	simm.s32 $execute0_lowered;
	[smem:$0x3FD2] =	sst s25  }
0xa6: {  	s4 =	sshll.u32 s26, $0x1;
	_ =	strace $0x80000052;
	[dreg:$0x1] =	wrdreg $0xFFFFFFFF  }
0xa7: {  	s28 =	simm.s32 $_size_execute0_lowered;
	s2 =	sadd.s32 s2, s4;
	[dreg:$0x0] =	wrdreg $0x0  }
0xa8: {  	s4 =	sshll.u32 s28, $0x1;
	[dreg:$0x2] =	wrdreg s2  }
0xa9: {  	[dreg:$0x3] =	wrdreg s4  }
0xaa: {  	[dreg:$0x4] =	wrdreg $0xC0  }
0xab: {  	_ =	task [dreg:s6], $0x5FFFF  }
0xac: {  	[dreg:$0x1] =	wrdreg $0xFFFFFFFF  }
0xad: {  	[dreg:$0x0] =	wrdreg $0x60  }
0xae: {  	[dreg:$0x2] =	wrdreg s24  }
0xaf: {  	[dreg:$0x3] =	wrdreg $0x41000  }
0xb0: {  	[dreg:$0x4] =	wrdreg $0x9  }
0xb1: {  	_ =	task.clear_ibuf [dreg:s6], $0x5FFFF;
	_ =	strace $0x90000052  }
0xb2: {  	s29 =	simm.s32 $0x9;
	_ =	strace $0x80000054  }
0xb3: {  	_ =	swait.ge [sflag:s29], $0x1  }
0xb4: {  	[sflag:s29] =	ssyncadd.s32 $0xFFFFFFFF  }
0xb5: {  	_ =	strace $0x90000054  }
0xb6: {  	_ =	sfence  }
0xb7: {  	s30 =	sld [smem:$0x0];
	_ =	sdelay $0x2  }
0xb8: {  	s31 =	sshll.u32 s1, $0xD;
	s1 =	sshrl.u32 s1, $0x2  }
0xb9: {  	s3 =	sand.u32 $0x4000, s31;
	s1 =	sadd.s32 s1, s30  }
0xba: {  	s0 =	sor.u32 s3, s0;
	s1 =	sshll.u32 s1, $0x11  }
0xbb: {  	s0 =	sor.u32 s1, s0  }
0xbc: {  	s0 =	sadd.s32 $0x8F2B, s0  }
0xbd: {  	[sflag:s0] =	ssyncadd.remote.s32 $0x1  }
0xbe: {  	_ =	sfence.sel $0xFFFF  }
0xbf: {  	[dreg:$0x0] =	wrdreg $0xFFFFFFFF;
	(pc) =	sbr.abs _section_cstart, $3  }
0xc0: {  	[dreg:$0x1] =	wrdreg $0xFFFFFFFF  }
0xc1: {  	_ =	task.clear_ibuf [dreg:s6], $0x2FFFF;
	_ =	strace $0x9FFFFFFF  }
0xc2: {  	(tm) =	ssettm $0x7FFFFFFF  }
0xc3: {  	_ =	shalt  }
tec
execute0_lowered:
.L_overlay_start_1:
0x0: {  	(tag) =	ssettag $0x1  }
0x1: {  	s5 =	rddreg [dreg:$0x0]  }
0x2: {  	s0 =	srdreg.scid;
	s2 =	rddreg [dreg:$0x1]  }
0x3: {  	s1 =	rddreg [dreg:$0x2];
	s4 =	sand.u32 $0x1, s0  }
0x4: {  	s0 =	stileid.u32;
	s6 =	smul.u32 $0x27100, s4  }
0x5: {  	s3 =	simm.s32 $0x0;
	s12 =	simm.s32 $0x80;
	s7 =	smul.u32 $0xA00, s0  }
0x6: {  	s13 =	simm.s32 $0x100;
	s14 =	simm.s32 $0x1;
	s8 =	smul.u32 $0x140000, s4  }
0x7: {  	s15 =	simm.s32 $0x0;
	[smem:$0x7FF] =	sst s3;
	s9 =	smul.u32 $0x14000, s0  }
0x8: {  	_ =	strace $0x80000053;
	s26 =	ssub.s32 $0x2, s4;
	s28 =	smul.u32 $0x50000, s0  }
0x9: {  	s4 =	sadd.s32 $0x52A00, s5;
	s31 =	sshll.u32 s0, $0x6;
	s29 =	sshrl.u32 s26, $0x1  }
0xa: {  	s6 =	sadd.s32 s6, s5;
	s10 =	sadd.s32 s7, s5;
	s25 =	sadd.s32 s9, s8  }
0xb: {  	s8 =	ssub.s32 s26, s29;
	s30 =	sshrl.u32 s28, $0x2;
	s7 =	sshrl.u32 s25, $0x3  }
0xc: {  	s11 =	sadd.s32 s30, s2;
	s6 =	sadd.s32 $0x66800, s6;
	s8 =	smax.u32 s8, $0x1  }
0xd: {  	s9 =	sadd.s32 $0x5C800, s10;
	s7 =	sadd.s32 s7, s5;
	s5 =	sor.u32 $0x1C02, s31  }
0xe: {  	s10 =	sshrl.u32 s11, $0x3;
	s11 =	simm.s32 $0x2;
	s7 =	sadd.s32 $0xB4A00, s7  }
.LBB2_1:
0xf: {  	[spmem:s10], [sflag:s5] =	dma.local [hbm:s4], $0x2800  }
0x10: {  	_ =	swait.ge [sflag:s11], $0x2800  }
0x11: {  	[sflag:s11] =	ssyncset.done $0x0  }
0x12: {  	[sflag:s11] =	ssyncadd.s32 $0xFFFFD800  }
0x13: {  	s16 =	sadd.s32 $0x0, s9;
	[bflag:$0x0] =	sbarrier.arrive $0xFFFF  }
0x14: {  	[tilespmem:s3], [sflag:$0x2] =	stream.linear.gather [hbm4b:s16+s3], $0x100, $0x38;
	[tilespmem:$0x18100] =	vst v63  }
0x15: {  	_ =	swait.ge [sflag:s11], $0x100  }
0x16: {  	[sflag:s11] =	ssyncset.done $0x0  }
0x17: {  	[sflag:s11] =	ssyncadd.s32 $0xFFFFFF00  }
0x18: {  	[tilespmem:s13], [sflag:$0x1] =	stream.indirect.gather [hbm4b:s6+s12], $0x80, s3, s12, $0xb8;
	[tilespmem:$0x18100] =	vst v63  }
0x19: {  	_ =	swait.ge [sflag:s14], $0x4000  }
0x1a: {  	[sflag:s14] =	ssyncset.done $0x0  }
0x1b: {  	[sflag:s14] =	ssyncadd.s32 $0xFFFFC000  }
0x1c: {  	[spmem:s2] =	stream.indirect.scatter.add.f32 [tilespmem:s13], [sflag:$0x2], $0x80, s12, s12, $0xb8;
	[tilespmem:$0x18100] =	vst v63  }
0x1d: {  	_ =	swait.ge [sflag:s11], $0x4000  }
0x1e: {  	s17 =	simm.s32 $0x40;
	s16 =	simm.s32 $0x20;
	[sflag:s11] =	ssyncset.done $0x0  }
.LBB2_2:
0x1f: {  	s18 =	sadd.s32 s16, s9  }
0x20: {  	[sflag:s11] =	ssyncadd.s32 $0xFFFFC000;
	s16 =	smov.u32 s17;
	s19 =	sadd.s32 $0x20, s17  }
0x21: {  	[tilespmem:s3], [sflag:$0x2] =	stream.linear.gather [hbm4b:s18+s3], $0x100, $0x38;
	[tilespmem:$0x18100] =	vst v63  }
0x22: {  	p0 =	sne.s32 s17, $0x9E0;
	_ =	swait.ge [sflag:s11], $0x100  }
0x23: {  	[sflag:s11] =	ssyncset.done $0x0  }
0x24: {  	[sflag:s11] =	ssyncadd.s32 $0xFFFFFF00  }
0x25: {  	[tilespmem:s13], [sflag:$0x1] =	stream.indirect.gather [hbm4b:s6+s12], $0x80, s3, s12, $0xb8;
	[tilespmem:$0x18100] =	vst v63  }
0x26: {  	_ =	swait.ge [sflag:s14], $0x4000  }
.Ltmp0:
0x27: {  	[sflag:s14] =	ssyncset.done $0x0;
	(pc) =	sbr.rel @p0 .LBB2_2-.Ltmp0, $4  }
0x28: {  	[sflag:s14] =	ssyncadd.s32 $0xFFFFC000  }
0x29: {  	[spmem:s2] =	stream.indirect.scatter.add.f32 [tilespmem:s13], [sflag:$0x2], $0x80, s12, s12, $0xb8;
	[tilespmem:$0x18100] =	vst v63  }
0x2a: {  	_ =	swait.ge [sflag:s11], $0x4000  }
0x2b: {  	s17 =	smov.u32 s19;
	[sflag:s11] =	ssyncset.done $0x0  }
0x2c: {  	s16 =	sadd.s32 s16, s9;
	[sflag:s11] =	ssyncadd.s32 $0xFFFFC000  }
0x2d: {  	[tilespmem:s3], [sflag:$0x2] =	stream.linear.gather [hbm4b:s16+s3], $0x100, $0x38;
	[tilespmem:$0x18100] =	vst v63  }
0x2e: {  	_ =	swait.ge [sflag:s11], $0x100  }
0x2f: {  	[sflag:s11] =	ssyncset.done $0x0  }
0x30: {  	[sflag:s11] =	ssyncadd.s32 $0xFFFFFF00  }
0x31: {  	[tilespmem:s13], [sflag:$0x1] =	stream.indirect.gather [hbm4b:s6+s12], $0x80, s3, s12, $0xb8;
	[tilespmem:$0x18100] =	vst v63  }
0x32: {  	_ =	swait.ge [sflag:s14], $0x4000  }
0x33: {  	[sflag:s14] =	ssyncset.done $0x0  }
0x34: {  	[sflag:s14] =	ssyncadd.s32 $0xFFFFC000  }
0x35: {  	[spmem:s2] =	stream.indirect.scatter.add.f32 [tilespmem:s13], [sflag:$0x2], $0x80, s12, s12, $0xb8;
	[tilespmem:$0x18100] =	vst v63  }
0x36: {  	_ =	swait.ge [sflag:s11], $0x4000  }
0x37: {  	s15 =	sadd.s32 $0x1, s15;
	[sflag:s11] =	ssyncset.done $0x0  }
0x38: {  	p0 =	sne.s32 s15, s8;
	[sflag:s11] =	ssyncadd.s32 $0xFFFFC000  }
.Ltmp1:
0x39: {  	[bflag:$0x0] =	sbarrier.arrive $0xFFFF;
	(pc) =	sbr.rel @p0 .LBB2_1-.Ltmp1, $4  }
0x3a: {  	[hbm:s7], [sflag:s5] =	dma.local [spmem:s10], $0x2800  }
0x3b: {  	_ =	swait.ge [sflag:s11], $0x2800  }
0x3c: {  	[sflag:s11] =	ssyncset.done $0x0  }
0x3d: {  	[sflag:s11] =	ssyncadd.s32 $0xFFFFD800  }
0x3e: {  	_ =	sfence.sel $0x180000  }
0x3f: {  	[bflag:$0x0] =	sbarrier.arrive $0xFFFF  }
0x40: {  	p0 =	sne.s32 s0, $0x0;
	_ =	strace $0x90000053  }
0x41: {  	s0 =	sadd.s32 @!p0 $0x100000, s1;
	[bflag:$0x2] =	sbarrier.arrive $0xFFFF  }
0x42: {  	[sflag:s0] =	ssyncadd.tile.s32 @!p0 $0x1;
	_ =	shalt  }
.Lfunc_end2:
_tile_overlayer_lowered:
.L_overlay_start_2:
0x43: {  	(tag) =	ssettag $0x2  }
0x44: {  	s0 =	rddreg [dreg:$0x0];
	s2 =	stileid.u32  }
0x45: {  	s1 =	rddreg [dreg:$0x1];
	p0 =	sne.s32 s2, $0x0  }
0x46: {  	s3 =	rddreg [dreg:$0x2];
	[bflag:$0x3] =	sbarrier.arrive $0xFFFF;
	s2 =	simm.s32 @!p0 $0x1C02  }
0x47: {  	[timem:s3], [sflag:s2] =	dma.local @!p0 [hbm:s0], s1  }
0x48: {  	s0 =	simm.s32 @!p0 $0x2  }
0x49: {  	_ =	swait.ge @!p0 [sflag:s0], s1  }
0x4a: {  	s1 =	ssub.s32 @!p0 $0x0, s1;
	[sflag:s0] =	ssyncset.done @!p0 $0x0  }
0x4b: {  	[sflag:s0] =	ssyncadd.s32 @!p0 s1  }
0x4c: {  	[bflag:$0x3] =	sbarrier.arrive $0xFFFF  }
0x4d: {  	_ =	shalt  }

// kernel: kernel.30.cloned.1.call-start
scs
__scs_entry_jumppad:
0x0: {  	(pc) =	sbr.rel $0x88, $3  }
0x1: {  	(tag) =	ssettag $0x0;
	lr =	simm.s32 $0x1  }
0x2: {  	[smem:$0x3F90] =	sst lr;
	_ =	strace $0xD0000000  }
0x3: {  	_ = 	snop  }
0x4: {  	_ = 	snop  }
0x5: {  	_ = 	snop  }
0x6: {  	_ = 	snop  }
0x7: {  	_ = 	snop  }
__scs_overlays_trampoline_lowered:
0x8: {  	[smem:$0x3F9F] =	sst s0  }
0x9: {  	[smem:$0x3FA0] =	sst s1  }
0xa: {  	[smem:$0x3FA1] =	sst s2  }
0xb: {  	[smem:$0x3FA2] =	sst s3  }
0xc: {  	[smem:$0x3FA3] =	sst s4  }
0xd: {  	[smem:$0x3FA4] =	sst s5  }
0xe: {  	[smem:$0x3FA5] =	sst s6  }
0xf: {  	[smem:$0x3FA6] =	sst s7  }
0x10: {  	[smem:$0x3FA7] =	sst s8  }
0x11: {  	[smem:$0x3FA8] =	sst s9;
	s0 =	simm.s32 @!p0 $0x0  }
0x12: {  	s1 =	sld [smem:$0x3F8E];
	s0 =	simm.s32 @p0 $0x1  }
0x13: {  	[smem:$0x3FA9] =	sst s0;
	s0 =	simm.s32 @!p1 $0x0  }
0x14: {  	s2 =	sld [smem:$0x3F8D];
	s0 =	simm.s32 @p1 $0x1  }
0x15: {  	[smem:$0x3FAA] =	sst s0;
	s0 =	simm.s32 @!p2 $0x0  }
0x16: {  	s3 =	sld [smem:$0x3FDB];
	s0 =	simm.s32 @p2 $0x1  }
0x17: {  	s4 =	simm.s32 $0x1BF5;
	[smem:$0x3FAC] =	sst s0  }
0x18: {  	s0 =	sld [smem:$0x3F8F];
	_ =	swait.ge [sflag:s4], $0x0  }
0x19: {  	s7 =	sld [smem:$0x3F90]  }
0x1a: {  	s8 =	sadd.s32 $0xFFFFE003, lr  }
0x1b: {  	s9 =	sadd.s32 $0xFFFFFEF7, lr;
	s5 =	simm.s32 $0xFFFFFFFF;
	p2 =	slt.u32 s8, $0xFFFFF086  }
0x1c: {  	p1 =	slt.u32 s9, $0xF7A;
	s5 =	simm.s32 @!p2 $0x0  }
0x1d: {  	s5 =	simm.s32 @p1 $0x1;
	p0 =	seq.s32 s7, s2  }
0x1e: {  	s7 =	smul.u32 @!p0 $0xF7A, s2;
	p2 =	seq.s32 @!p0 s5, $0x0  }
0x1f: {  	s9 =	smul.u32 $0xF7A, s1;
	s8 =	simm.s32 @!p0 $0x1BF5;
	p2 =	por !p2, p0  }
0x20: {  	[sflag:s8] =	ssyncset.s32 @!p0 $0xFFFFF086;
	s6 =	sadd.s32 @!p0 s3, s7;
	s7 =	simm.s32 @!p0 $0x108  }
0x21: {  	s3 =	sadd.s32 s3, s9;
	s6 =	sadd.s32 @!p0 $0x88, s6;
	s7 =	simm.s32 @p2 $0x1082  }
0x22: {  	[simem:s7], [sflag:s8] =	dma.local @!p0 [hbm:s6], $0xF7A  }
0x23: {  	s9 =	sor.u32 $0xD0000000, s2;
	s6 =	simm.s32 $0x108;
	_ =	swait.ge @!p0 [sflag:s8], $0x0  }
0x24: {  	s3 =	sadd.s32 $0x88, s3;
	s6 =	simm.s32 @!p1 $0x1082;
	[sflag:s4] =	ssyncset.s32 $0xFFFFF086  }
0x25: {  	[simem:s6], [sflag:s4] =	dma.local [hbm:s3], $0xF7A  }
0x26: {  	[smem:$0x3F90] =	sst s1;
	(tag) =	ssettag s2;
	_ =	strace s9  }
0x27: {  	s1 =	sld [smem:$0x3FA0]  }
0x28: {  	s2 =	sld [smem:$0x3FA1]  }
0x29: {  	s4 =	sld [smem:$0x3FA3]  }
0x2a: {  	p0 =	seq.s32 s5, $0x0;
	s5 =	sld [smem:$0x3FA4]  }
0x2b: {  	s6 =	sld [smem:$0x3FA5]  }
0x2c: {  	s7 =	sld [smem:$0x3FA6]  }
0x2d: {  	s3 =	simm.s32 $0x108;
	s8 =	sld [smem:$0x3FA7]  }
0x2e: {  	s3 =	simm.s32 @!p0 $0x1082;
	s9 =	sld [smem:$0x3FA8]  }
0x2f: {  	lr =	sadd.s32 s0, s3;
	s0 =	sld [smem:$0x3F9F]  }
0x30: {  	s3 =	sld [smem:$0x3FA2]  }
0x31: {  	[smem:$0x3FAB] =	sst s10  }
0x32: {  	s10 =	sld [smem:$0x3FA9];
	_ =	sdelay $0x3  }
0x33: {  	p0 =	seq.s32 s10, $0x1;
	s10 =	sld [smem:$0x3FAB];
	_ =	sdelay $0x3  }
0x34: {  	[smem:$0x3FAB] =	sst s10  }
0x35: {  	s10 =	sld [smem:$0x3FAA];
	_ =	sdelay $0x3  }
0x36: {  	p1 =	seq.s32 s10, $0x1;
	s10 =	sld [smem:$0x3FAB];
	_ =	sdelay $0x3  }
0x37: {  	[smem:$0x3FAB] =	sst s10  }
0x38: {  	s10 =	sld [smem:$0x3FAC]  }
0x39: {  	_ = 	snop;
	(pc) =	sbr.ind lr, $3  }
0x3a: {  	_ = 	snop  }
0x3b: {  	_ = 	snop  }
0x3c: {  	p2 =	seq.s32 s10, $0x1;
	s10 =	sld [smem:$0x3FAB]  }
0x3d: {  	_ =	shalt  }
0x3e: {  	_ =	shalt  }
0x3f: {  	_ =	shalt  }
0x40: {  	_ =	shalt  }
0x41: {  	_ =	shalt  }
0x42: {  	_ =	shalt  }
0x43: {  	_ =	shalt  }
0x44: {  	_ =	shalt  }
0x45: {  	_ =	shalt  }
0x46: {  	_ =	shalt  }
0x47: {  	_ =	shalt  }
0x48: {  	_ =	shalt  }
0x49: {  	_ =	shalt  }
0x4a: {  	_ =	shalt  }
0x4b: {  	_ =	shalt  }
0x4c: {  	_ =	shalt  }
0x4d: {  	_ =	shalt  }
0x4e: {  	_ =	shalt  }
0x4f: {  	_ =	shalt  }
0x50: {  	_ =	shalt  }
0x51: {  	_ =	shalt  }
0x52: {  	_ =	shalt  }
0x53: {  	_ =	shalt  }
0x54: {  	_ =	shalt  }
0x55: {  	_ =	shalt  }
0x56: {  	_ =	shalt  }
0x57: {  	_ =	shalt  }
0x58: {  	_ =	shalt  }
0x59: {  	_ =	shalt  }
0x5a: {  	_ =	shalt  }
0x5b: {  	_ =	shalt  }
0x5c: {  	_ =	shalt  }
0x5d: {  	_ =	shalt  }
0x5e: {  	_ =	shalt  }
0x5f: {  	_ =	shalt  }
0x60: {  	_ =	shalt  }
0x61: {  	_ =	shalt  }
0x62: {  	_ =	shalt  }
0x63: {  	_ =	shalt  }
0x64: {  	_ =	shalt  }
0x65: {  	_ =	shalt  }
0x66: {  	_ =	shalt  }
0x67: {  	_ =	shalt  }
0x68: {  	_ =	shalt  }
0x69: {  	_ =	shalt  }
0x6a: {  	_ =	shalt  }
0x6b: {  	_ =	shalt  }
0x6c: {  	_ =	shalt  }
0x6d: {  	_ =	shalt  }
0x6e: {  	_ =	shalt  }
0x6f: {  	_ =	shalt  }
0x70: {  	_ =	shalt  }
0x71: {  	_ =	shalt  }
0x72: {  	_ =	shalt  }
0x73: {  	_ =	shalt  }
0x74: {  	_ =	shalt  }
0x75: {  	_ =	shalt  }
0x76: {  	_ =	shalt  }
0x77: {  	_ =	shalt  }
0x78: {  	_ =	shalt  }
0x79: {  	_ =	shalt  }
0x7a: {  	_ =	shalt  }
0x7b: {  	_ =	shalt  }
0x7c: {  	_ =	shalt  }
0x7d: {  	_ =	shalt  }
0x7e: {  	_ =	shalt  }
0x7f: {  	_ =	shalt  }
0x80: {  	_ =	shalt  }
0x81: {  	_ =	shalt  }
0x82: {  	_ =	shalt  }
0x83: {  	_ =	shalt  }
0x84: {  	_ =	shalt  }
0x85: {  	_ =	shalt  }
0x86: {  	_ =	shalt  }
0x87: {  	_ =	shalt  }
.Lfunc_end0:
.L_simem_size_0:
called_computation.5_lowered:
.L_overlay_start_0:
0x88: {  	s2 =	sld [smem:$0x3FD9]  }
0x89: {  	s3 =	sld [smem:$0x3FFE];
	_ =	sdelay $0x1  }
0x8a: {  	s1 =	srdreg.scid  }
0x8b: {  	s0 =	sand.u32 $0x1, s1  }
0x8c: {  	s16 =	sshll.u32 s0, $0xA;
	s2 =	sadd.s32 s3, s2  }
0x8d: {  	s2 =	sadd.s32 s2, s16  }
0x8e: {  	[smem:$0x3FB7] =	sst s2  }
0x8f: {  	_ = 	snop  }
0x90: {  	(tm) =	ssettm $0x1  }
0x91: {  	s17 =	sld [smem:$0x3FFB];
	_ =	sdelay $0x3  }
0x92: {  	_ =	strace s17  }
0x93: {  	s2 =	sld [smem:$0x3FFC];
	_ =	sdelay $0x3  }
0x94: {  	_ =	strace s2  }
0x95: {  	s2 =	sld [smem:$0x3FFD];
	_ =	sdelay $0x3  }
0x96: {  	_ =	strace s2  }
0x97: {  	_ =	strace $0x8FFFFFFF  }
0x98: {  	s18 =	sld [smem:$0x3FDB];
	_ =	sdelay $0x1  }
0x99: {  	s19 =	simm.s32 $_scs_section_size  }
0x9a: {  	s4 =	simm.s32 $_size__tile_overlayer_lowered;
	s5 =	simm.s32 $_tile_overlayer_lowered  }
0x9b: {  	s22 =	simm.s32 $0x1BFF;
	s21 =	sshll.u32 s5, $0x1;
	s2 =	sadd.s32 s19, s18  }
0x9c: {  	s6 =	simm.s32 $0x0;
	s20 =	sshll.u32 s4, $0x1;
	s4 =	sadd.s32 s21, s2  }
0x9d: {  	[timem:s6], [sflag:s22] =	dma.local [hbm:s4], s20  }
0x9e: {  	_ =	swait.ge [sflag:s22], s20  }
0x9f: {  	s3 =	ssub.s32 $0x0, s20;
	[sflag:s22] =	ssyncset.done $0x0  }
0xa0: {  	[sflag:s22] =	ssyncadd.s32 s3;
	_ =	sdelay $0x1  }
0xa1: {  	s23 =	simm.s32 $0x1B8B  }
0xa2: {  	_ =	swait.ge [sflag:s23], $0x1  }
0xa3: {  	[sflag:s23] =	ssyncset.done $0x0  }
0xa4: {  	s25 =	simm.s32 $0x1B8E;
	s24 =	sld [smem:$0x3FFE];
	[sflag:s23] =	ssyncadd.s32 $0xFFFFFFFF  }
0xa5: {  	s26 =	simm.s32 $execute0_lowered;
	[smem:$0x3FD2] =	sst s25  }
0xa6: {  	s4 =	sshll.u32 s26, $0x1;
	_ =	strace $0x80000055;
	[dreg:$0x1] =	wrdreg $0xFFFFFFFF  }
0xa7: {  	s28 =	simm.s32 $_size_execute0_lowered;
	s2 =	sadd.s32 s2, s4;
	[dreg:$0x0] =	wrdreg $0x0  }
0xa8: {  	s4 =	sshll.u32 s28, $0x1;
	[dreg:$0x2] =	wrdreg s2  }
0xa9: {  	[dreg:$0x3] =	wrdreg s4  }
0xaa: {  	[dreg:$0x4] =	wrdreg $0xC0  }
0xab: {  	_ =	task [dreg:s6], $0x5FFFF  }
0xac: {  	[dreg:$0x1] =	wrdreg $0xFFFFFFFF  }
0xad: {  	[dreg:$0x0] =	wrdreg $0x60  }
0xae: {  	[dreg:$0x2] =	wrdreg s24  }
0xaf: {  	[dreg:$0x3] =	wrdreg $0x41000  }
0xb0: {  	[dreg:$0x4] =	wrdreg $0x9  }
0xb1: {  	_ =	task.clear_ibuf [dreg:s6], $0x5FFFF;
	_ =	strace $0x90000055  }
0xb2: {  	s29 =	simm.s32 $0x9;
	_ =	strace $0x80000057  }
0xb3: {  	_ =	swait.ge [sflag:s29], $0x1  }
0xb4: {  	[sflag:s29] =	ssyncadd.s32 $0xFFFFFFFF  }
0xb5: {  	_ =	strace $0x90000057  }
0xb6: {  	_ =	sfence  }
0xb7: {  	s30 =	sld [smem:$0x0];
	_ =	sdelay $0x2  }
0xb8: {  	s31 =	sshll.u32 s1, $0xD;
	s1 =	sshrl.u32 s1, $0x2  }
0xb9: {  	s3 =	sand.u32 $0x4000, s31;
	s1 =	sadd.s32 s1, s30  }
0xba: {  	s0 =	sor.u32 s3, s0;
	s1 =	sshll.u32 s1, $0x11  }
0xbb: {  	s0 =	sor.u32 s1, s0  }
0xbc: {  	s0 =	sadd.s32 $0x8F2B, s0  }
0xbd: {  	[sflag:s0] =	ssyncadd.remote.s32 $0x1  }
0xbe: {  	_ =	sfence.sel $0xFFFF  }
0xbf: {  	[dreg:$0x0] =	wrdreg $0xFFFFFFFF;
	(pc) =	sbr.abs _section_cstart, $3  }
0xc0: {  	[dreg:$0x1] =	wrdreg $0xFFFFFFFF  }
0xc1: {  	_ =	task.clear_ibuf [dreg:s6], $0x2FFFF;
	_ =	strace $0x9FFFFFFF  }
0xc2: {  	(tm) =	ssettm $0x7FFFFFFF  }
0xc3: {  	_ =	shalt  }
tec
execute0_lowered:
.L_overlay_start_1:
0x0: {  	(tag) =	ssettag $0x1  }
0x1: {  	s5 =	rddreg [dreg:$0x0]  }
0x2: {  	s0 =	srdreg.scid;
	s2 =	rddreg [dreg:$0x1]  }
0x3: {  	s1 =	rddreg [dreg:$0x2];
	s4 =	sand.u32 $0x1, s0  }
0x4: {  	s0 =	stileid.u32;
	s6 =	smul.u32 $0x27100, s4  }
0x5: {  	s3 =	simm.s32 $0x0;
	s12 =	simm.s32 $0x80;
	s7 =	smul.u32 $0xA00, s0  }
0x6: {  	s13 =	simm.s32 $0x100;
	s14 =	simm.s32 $0x1;
	s8 =	smul.u32 $0x140000, s4  }
0x7: {  	s15 =	simm.s32 $0x0;
	[smem:$0x7FF] =	sst s3;
	s9 =	smul.u32 $0x14000, s0  }
0x8: {  	_ =	strace $0x80000056;
	s26 =	ssub.s32 $0x2, s4;
	s28 =	smul.u32 $0x50000, s0  }
0x9: {  	s4 =	sadd.s32 $0x52A00, s5;
	s31 =	sshll.u32 s0, $0x6;
	s29 =	sshrl.u32 s26, $0x1  }
0xa: {  	s6 =	sadd.s32 s6, s5;
	s10 =	sadd.s32 s7, s5;
	s25 =	sadd.s32 s9, s8  }
0xb: {  	s8 =	ssub.s32 s26, s29;
	s30 =	sshrl.u32 s28, $0x2;
	s7 =	sshrl.u32 s25, $0x3  }
0xc: {  	s11 =	sadd.s32 s30, s2;
	s6 =	sadd.s32 $0x4800, s6;
	s8 =	smax.u32 s8, $0x1  }
0xd: {  	s9 =	sadd.s32 $0x5C800, s10;
	s7 =	sadd.s32 s7, s5;
	s5 =	sor.u32 $0x1C02, s31  }
0xe: {  	s10 =	sshrl.u32 s11, $0x3;
	s11 =	simm.s32 $0x2;
	s7 =	sadd.s32 $0xB4A00, s7  }
.LBB2_1:
0xf: {  	[spmem:s10], [sflag:s5] =	dma.local [hbm:s4], $0x2800  }
0x10: {  	_ =	swait.ge [sflag:s11], $0x2800  }
0x11: {  	[sflag:s11] =	ssyncset.done $0x0  }
0x12: {  	[sflag:s11] =	ssyncadd.s32 $0xFFFFD800  }
0x13: {  	s16 =	sadd.s32 $0x0, s9;
	[bflag:$0x0] =	sbarrier.arrive $0xFFFF  }
0x14: {  	[tilespmem:s3], [sflag:$0x2] =	stream.linear.gather [hbm4b:s16+s3], $0x100, $0x38;
	[tilespmem:$0x18100] =	vst v63  }
0x15: {  	_ =	swait.ge [sflag:s11], $0x100  }
0x16: {  	[sflag:s11] =	ssyncset.done $0x0  }
0x17: {  	[sflag:s11] =	ssyncadd.s32 $0xFFFFFF00  }
0x18: {  	[tilespmem:s13], [sflag:$0x1] =	stream.indirect.gather [hbm4b:s6+s12], $0x80, s3, s12, $0xb8;
	[tilespmem:$0x18100] =	vst v63  }
0x19: {  	_ =	swait.ge [sflag:s14], $0x4000  }
0x1a: {  	[sflag:s14] =	ssyncset.done $0x0  }
0x1b: {  	[sflag:s14] =	ssyncadd.s32 $0xFFFFC000  }
0x1c: {  	[spmem:s2] =	stream.indirect.scatter.add.f32 [tilespmem:s13], [sflag:$0x2], $0x80, s12, s12, $0xb8;
	[tilespmem:$0x18100] =	vst v63  }
0x1d: {  	_ =	swait.ge [sflag:s11], $0x4000  }
0x1e: {  	s17 =	simm.s32 $0x40;
	s16 =	simm.s32 $0x20;
	[sflag:s11] =	ssyncset.done $0x0  }
.LBB2_2:
0x1f: {  	s18 =	sadd.s32 s16, s9  }
0x20: {  	[sflag:s11] =	ssyncadd.s32 $0xFFFFC000;
	s16 =	smov.u32 s17;
	s19 =	sadd.s32 $0x20, s17  }
0x21: {  	[tilespmem:s3], [sflag:$0x2] =	stream.linear.gather [hbm4b:s18+s3], $0x100, $0x38;
	[tilespmem:$0x18100] =	vst v63  }
0x22: {  	p0 =	sne.s32 s17, $0x9E0;
	_ =	swait.ge [sflag:s11], $0x100  }
0x23: {  	[sflag:s11] =	ssyncset.done $0x0  }
0x24: {  	[sflag:s11] =	ssyncadd.s32 $0xFFFFFF00  }
0x25: {  	[tilespmem:s13], [sflag:$0x1] =	stream.indirect.gather [hbm4b:s6+s12], $0x80, s3, s12, $0xb8;
	[tilespmem:$0x18100] =	vst v63  }
0x26: {  	_ =	swait.ge [sflag:s14], $0x4000  }
.Ltmp0:
0x27: {  	[sflag:s14] =	ssyncset.done $0x0;
	(pc) =	sbr.rel @p0 .LBB2_2-.Ltmp0, $4  }
0x28: {  	[sflag:s14] =	ssyncadd.s32 $0xFFFFC000  }
0x29: {  	[spmem:s2] =	stream.indirect.scatter.add.f32 [tilespmem:s13], [sflag:$0x2], $0x80, s12, s12, $0xb8;
	[tilespmem:$0x18100] =	vst v63  }
0x2a: {  	_ =	swait.ge [sflag:s11], $0x4000  }
0x2b: {  	s17 =	smov.u32 s19;
	[sflag:s11] =	ssyncset.done $0x0  }
0x2c: {  	s16 =	sadd.s32 s16, s9;
	[sflag:s11] =	ssyncadd.s32 $0xFFFFC000  }
0x2d: {  	[tilespmem:s3], [sflag:$0x2] =	stream.linear.gather [hbm4b:s16+s3], $0x100, $0x38;
	[tilespmem:$0x18100] =	vst v63  }
0x2e: {  	_ =	swait.ge [sflag:s11], $0x100  }
0x2f: {  	[sflag:s11] =	ssyncset.done $0x0  }
0x30: {  	[sflag:s11] =	ssyncadd.s32 $0xFFFFFF00  }
0x31: {  	[tilespmem:s13], [sflag:$0x1] =	stream.indirect.gather [hbm4b:s6+s12], $0x80, s3, s12, $0xb8;
	[tilespmem:$0x18100] =	vst v63  }
0x32: {  	_ =	swait.ge [sflag:s14], $0x4000  }
0x33: {  	[sflag:s14] =	ssyncset.done $0x0  }
0x34: {  	[sflag:s14] =	ssyncadd.s32 $0xFFFFC000  }
0x35: {  	[spmem:s2] =	stream.indirect.scatter.add.f32 [tilespmem:s13], [sflag:$0x2], $0x80, s12, s12, $0xb8;
	[tilespmem:$0x18100] =	vst v63  }
0x36: {  	_ =	swait.ge [sflag:s11], $0x4000  }
0x37: {  	s15 =	sadd.s32 $0x1, s15;
	[sflag:s11] =	ssyncset.done $0x0  }
0x38: {  	p0 =	sne.s32 s15, s8;
	[sflag:s11] =	ssyncadd.s32 $0xFFFFC000  }
.Ltmp1:
0x39: {  	[bflag:$0x0] =	sbarrier.arrive $0xFFFF;
	(pc) =	sbr.rel @p0 .LBB2_1-.Ltmp1, $4  }
0x3a: {  	[hbm:s7], [sflag:s5] =	dma.local [spmem:s10], $0x2800  }
0x3b: {  	_ =	swait.ge [sflag:s11], $0x2800  }
0x3c: {  	[sflag:s11] =	ssyncset.done $0x0  }
0x3d: {  	[sflag:s11] =	ssyncadd.s32 $0xFFFFD800  }
0x3e: {  	_ =	sfence.sel $0x180000  }
0x3f: {  	[bflag:$0x0] =	sbarrier.arrive $0xFFFF  }
0x40: {  	p0 =	sne.s32 s0, $0x0;
	_ =	strace $0x90000056  }
0x41: {  	s0 =	sadd.s32 @!p0 $0x100000, s1;
	[bflag:$0x2] =	sbarrier.arrive $0xFFFF  }
0x42: {  	[sflag:s0] =	ssyncadd.tile.s32 @!p0 $0x1;
	_ =	shalt  }
.Lfunc_end2:
_tile_overlayer_lowered:
.L_overlay_start_2:
0x43: {  	(tag) =	ssettag $0x2  }
0x44: {  	s0 =	rddreg [dreg:$0x0];
	s2 =	stileid.u32  }
0x45: {  	s1 =	rddreg [dreg:$0x1];
	p0 =	sne.s32 s2, $0x0  }
0x46: {  	s3 =	rddreg [dreg:$0x2];
	[bflag:$0x3] =	sbarrier.arrive $0xFFFF;
	s2 =	simm.s32 @!p0 $0x1C02  }
0x47: {  	[timem:s3], [sflag:s2] =	dma.local @!p0 [hbm:s0], s1  }
0x48: {  	s0 =	simm.s32 @!p0 $0x2  }
0x49: {  	_ =	swait.ge @!p0 [sflag:s0], s1  }
0x4a: {  	s1 =	ssub.s32 @!p0 $0x0, s1;
	[sflag:s0] =	ssyncset.done @!p0 $0x0  }
0x4b: {  	[sflag:s0] =	ssyncadd.s32 @!p0 s1  }
0x4c: {  	[bflag:$0x3] =	sbarrier.arrive $0xFFFF  }
0x4d: {  	_ =	shalt  }

</sc_bundles>
